<compile_context>
chip_gen: v7x
topology: tpu7x:2x2x1
jax: 0.10.2.dev20260603
libtpu: 0.0.44.dev20260713+nightly
codegen_flags: <defaults>
</compile_context>

<pallas_src>
import jax
import jax.numpy as jnp
from jax import lax
from jax.experimental import pallas as pl
from jax.experimental.pallas import tpu as pltpu
from jax.experimental.pallas import tpu_sc as plsc

N = 10000
E = 320000
D = 128
SEM_H = 128
R = 2

NC = 2
NS = 16
NW = NC * NS
L = 16

EPW = E // NW
KB = 80
NB = EPW // KB
VB = KB // L
W = 25
NBW = NB // W

STRIPE = N // NS
DSTRIPE = 640
ND = NS * DSTRIPE

_f32 = jnp.float32


def _proj_body(dstf, srcA, srcB, WA, alA, arA, WB, alB, arB,
               hsA_o, hsB_o, sc_o):
    hsA = jnp.dot(srcA[...], WA[...], preferred_element_type=_f32)
    hsB = jnp.dot(srcB[...], WB[...], preferred_element_type=_f32)
    hdA = jnp.dot(dstf[...], WA[...], preferred_element_type=_f32)
    hdB = jnp.dot(dstf[...], WB[...], preferred_element_type=_f32)
    hsA_o[...] = hsA
    hsB_o[...] = hsB
    elA = jnp.sum(hsA * alA[...], axis=1, keepdims=True)
    erA = jnp.sum(hdA * arA[...], axis=1, keepdims=True)
    elB = jnp.sum(hsB * alB[...], axis=1, keepdims=True)
    erB = jnp.sum(hdB * arB[...], axis=1, keepdims=True)
    sc_o[...] = jnp.concatenate([elA, erA, elB, erB], axis=1)


_proj = pl.pallas_call(
    _proj_body,
    out_shape=(
        jax.ShapeDtypeStruct((N, D), _f32),
        jax.ShapeDtypeStruct((N, D), _f32),
        jax.ShapeDtypeStruct((N, 4), _f32),
    ),
)


def _edge_body(hsA, elA, erA, sdA, hsB, elB, erB, sdB,
               accA_o, denA_o, accB_o, denB_o,
               acc_sh, den_sh, el_ts, er_ts, sdw2, rows, wbuf, zbuf,
               gsem, isem, asem, ssem):
    cid = lax.axis_index("c")
    sid = lax.axis_index("s")
    wid = cid * NS + sid
    zv = jnp.zeros((L,), _f32)

    for hs_hbm, el_hbm, er_hbm, sd_hbm, acc_o, den_o in (
        (hsA, elA, erA, sdA, accA_o, denA_o),
        (hsB, elB, erB, sdB, accB_o, denB_o),
    ):
        pltpu.sync_copy(el_hbm, el_ts)
        pltpu.sync_copy(er_hbm, er_ts)

        @plsc.parallel_loop(0, 2 * KB, step=1, unroll=4)
        def _zr(i):
            for cc in range(D // L):
                rows[i, pl.ds(cc * L, L)] = zv

        def _zz(i, c):
            zbuf[pl.ds(i * L, L)] = zv
            return c
        lax.fori_loop(0, DSTRIPE // L, _zz, 0)

        base = sid * STRIPE
        for t, ln in ((0, 160), (160, 160), (320, 160), (480, 145)):
            pltpu.sync_copy(rows.at[pl.ds(0, ln)],
                            acc_sh.at[pl.ds(base + t, ln)])
        pltpu.sync_copy(zbuf, den_sh.at[pl.ds(sid * DSTRIPE, DSTRIPE)])

        pltpu.sync_copy(sd_hbm.at[wid, pl.ds(0, W)], sdw2.at[0])
        pltpu.async_copy(sd_hbm.at[wid, pl.ds(W, W)], sdw2.at[1], isem)

        plsc.subcore_barrier()

        pltpu.async_copy(hs_hbm.at[sdw2.at[0, 0, 0]], rows.at[pl.ds(0, KB)],
                         gsem)

        def _batch(g, c):
            par = lax.rem(g, 2)
            pob = par * KB
            parn = lax.rem(g + 1, 2)
            k = lax.div(g, W)
            j = lax.rem(g, W)
            kpar = lax.rem(k, 2)
            kparn = 1 - kpar

            @pl.when(g + 1 < NB)
            def _():
                @pl.when(g >= 1)
                def _():
                    bp = jnp.where(j == 0, kparn, kpar)
                    jp = lax.rem(j - 1 + W, W)
                    pltpu.make_async_copy(rows.at[pl.ds(parn * KB, KB)],
                                          acc_sh.at[sdw2.at[bp, jp, 1]],
                                          ssem).wait()

                @pl.when(j == W - 1)
                def _():
                    pltpu.make_async_copy(
                        sd_hbm.at[wid, pl.ds((k + 1) * W, W)],
                        sdw2.at[kparn], isem).wait()

                bn = jnp.where(j == W - 1, kparn, kpar)
                jn = lax.rem(j + 1, W)
                pltpu.async_copy(hs_hbm.at[sdw2.at[bn, jn, 0]],
                                 rows.at[pl.ds(parn * KB, KB)], gsem)

            pltpu.make_async_copy(hs_hbm.at[sdw2.at[kpar, j, 0]],
                                  rows.at[pl.ds(pob, KB)], gsem).wait()

            @pl.when(g >= 2)
            def _():
                bp2 = jnp.where(j <= 1, kparn, kpar)
                jp2 = lax.rem(j - 2 + W, W)
                pltpu.make_async_copy(wbuf.at[par],
                                      den_sh.at[sdw2.at[bp2, jp2, 1]],
                                      asem).wait()

            @pl.when((j == 2) & (k + 1 < NBW) & (k >= 1))
            def _():
                pltpu.async_copy(sd_hbm.at[wid, pl.ds((k + 1) * W, W)],
                                 sdw2.at[kparn], isem)

            for v in range(VB):
                sidx = sdw2[kpar, j, 0, pl.ds(v * L, L)]
                didx = sdw2[kpar, j, 1, pl.ds(v * L, L)]
                e = plsc.load_gather(el_ts, [sidx]) + plsc.load_gather(er_ts, [didx])
                e = jnp.where(e > 0, e, _f32(0.2) * e)
                w = jnp.exp(e)
                wbuf[par, pl.ds(v * L, L)] = w

            pltpu.async_copy(wbuf.at[par], den_sh.at[sdw2.at[kpar, j, 1]],
                             asem, add=True)

            @plsc.parallel_loop(0, KB, step=1, unroll=4)
            def _scale(jj):
                pv = jnp.broadcast_to(par, (L,)).astype(jnp.int32)
                jv = jnp.broadcast_to(jj, (L,)).astype(jnp.int32)
                wsp = plsc.load_gather(wbuf, [pv, jv])
                for cc in range(D // L):
                    sl = pl.ds(cc * L, L)
                    rows[pob + jj, sl] = rows[pob + jj, sl] * wsp

            pltpu.async_copy(rows.at[pl.ds(pob, KB)],
                             acc_sh.at[sdw2.at[kpar, j, 1]], ssem, add=True)

            return c
        lax.fori_loop(0, NB, _batch, 0)

        pltpu.make_async_copy(wbuf.at[0], den_sh.at[sdw2.at[0, W - 1, 1]],
                              asem).wait()
        pltpu.make_async_copy(wbuf.at[1], den_sh.at[sdw2.at[0, W - 2, 1]],
                              asem).wait()
        pltpu.make_async_copy(rows.at[pl.ds(0, KB)],
                              acc_sh.at[sdw2.at[0, W - 1, 1]], ssem).wait()
        pltpu.make_async_copy(rows.at[pl.ds(KB, KB)],
                              acc_sh.at[sdw2.at[0, W - 2, 1]], ssem).wait()
        plsc.subcore_barrier()
        pltpu.sync_copy(acc_sh.at[pl.ds(base, STRIPE)],
                        acc_o.at[cid, pl.ds(base, STRIPE)])

        @pl.when(sid == 0)
        def _():
            pltpu.sync_copy(den_sh, den_o.at[cid])

        plsc.subcore_barrier()


_edge = pl.kernel(
    _edge_body,
    out_type=(
        jax.ShapeDtypeStruct((NC, N, D), _f32),
        jax.ShapeDtypeStruct((NC, ND), _f32),
        jax.ShapeDtypeStruct((NC, N, D), _f32),
        jax.ShapeDtypeStruct((NC, ND), _f32),
    ),
    mesh=plsc.VectorSubcoreMesh(core_axis_name="c", subcore_axis_name="s"),
    compiler_params=pltpu.CompilerParams(use_tc_tiling_on_sc=False, needs_layout_passes=False),
    scratch_types=[
        pltpu.VMEM_SHARED((N, D), _f32),
        pltpu.VMEM_SHARED((ND,), _f32),
        pltpu.VMEM((N,), _f32),
        pltpu.VMEM((N,), _f32),
        pltpu.VMEM((2, W, 2, KB), jnp.int32),
        pltpu.VMEM((2 * KB, D), _f32),
        pltpu.VMEM((2, KB), _f32),
        pltpu.VMEM((DSTRIPE,), _f32),
        pltpu.SemaphoreType.DMA,
        pltpu.SemaphoreType.DMA,
        pltpu.SemaphoreType.DMA,
        pltpu.SemaphoreType.DMA,
    ],
)


def _fuse_body(accA, dnA, accB, dnB, biasA, biasB, W1, b1, W2, z_o, att_o):
    dA = (dnA[0, :N] + dnA[1, :N]).reshape(N, 1)
    dB = (dnB[0, :N] + dnB[1, :N]).reshape(N, 1)
    dA = jnp.where(dA == 0, _f32(1.0), dA)
    dB = jnp.where(dB == 0, _f32(1.0), dB)
    zA = (accA[0] + accA[1]) / dA + biasA[...]
    zB = (accB[0] + accB[1]) / dB + biasB[...]
    zA = jnp.where(zA > 0, zA, jnp.exp(zA) - _f32(1.0))
    zB = jnp.where(zB > 0, zB, jnp.exp(zB) - _f32(1.0))
    sA = jnp.dot(
        jnp.tanh(jnp.dot(zA, W1[...], preferred_element_type=_f32) + b1[...]),
        W2[...], preferred_element_type=_f32)
    sB = jnp.dot(
        jnp.tanh(jnp.dot(zB, W1[...], preferred_element_type=_f32) + b1[...]),
        W2[...], preferred_element_type=_f32)
    wA = jnp.mean(sA)
    wB = jnp.mean(sB)
    m = jnp.maximum(wA, wB)
    eA = jnp.exp(wA - m)
    eB = jnp.exp(wB - m)
    aA = eA / (eA + eB)
    aB = eB / (eA + eB)
    z_o[...] = aA * zA + aB * zB
    att_o[...] = jnp.concatenate(
        [jnp.broadcast_to(aA, (1, 1)), jnp.broadcast_to(aB, (1, 1))], axis=1)


_fuse = pl.pallas_call(
    _fuse_body,
    out_shape=(
        jax.ShapeDtypeStruct((N, D), _f32),
        jax.ShapeDtypeStruct((1, R), _f32),
    ),
)


def kernel(dst_feat, src_feat_A, src_feat_B, edge_index_A, edge_index_B,
           W_gat_A, attn_l_A, attn_r_A, bias_A,
           W_gat_B, attn_l_B, attn_r_B, bias_B,
           W1, b1, W2):
    srcA = edge_index_A[0].astype(jnp.int32).reshape(NW, NB, 1, KB)
    dstA = edge_index_A[1].astype(jnp.int32).reshape(NW, NB, 1, KB)
    srcB = edge_index_B[0].astype(jnp.int32).reshape(NW, NB, 1, KB)
    dstB = edge_index_B[1].astype(jnp.int32).reshape(NW, NB, 1, KB)
    sdA = jnp.concatenate([srcA, dstA], axis=2)
    sdB = jnp.concatenate([srcB, dstB], axis=2)

    hsA, hsB, sc4 = _proj(
        dst_feat, src_feat_A, src_feat_B,
        W_gat_A, attn_l_A.reshape(1, D), attn_r_A.reshape(1, D),
        W_gat_B, attn_l_B.reshape(1, D), attn_r_B.reshape(1, D))
    elA = sc4[:, 0]
    erA = sc4[:, 1]
    elB = sc4[:, 2]
    erB = sc4[:, 3]

    accA, denA, accB, denB = _edge(hsA, elA, erA, sdA,
                                   hsB, elB, erB, sdB)
    z, att = _fuse(accA, denA, accB, denB,
                   bias_A.reshape(1, D), bias_B.reshape(1, D),
                   W1, b1.reshape(1, SEM_H), W2)
    return z, att.reshape(R)

# --- scband reference (transcript-rebuilt; emitter-appended) ---
"""Pipeline reference for scband-schema-relation-network-29437705847372 (READ-ONLY COPY).

The authoritative reference and input builder live on the scoring server;
editing this copy changes nothing except your own understanding.
"""

import jax, jax.numpy as jnp
import numpy as np

N = 10000
E = 320000
D_IN = 128   # hidden_dim (per-head in feats; num_heads=1 so feat dim == hidden_dim*num_heads)
H = 1        # num_heads
D_OUT = 128  # out_dim per head
SEM_HID = 128


def setup_inputs(seed: int = 0) -> dict:
    key = jax.random.key(seed)
    ks = jax.random.split(key, 20)
    inp = {}
    inp["dst_feat"] = jax.random.normal(ks[0], (N, D_IN), dtype=jnp.float32)
    inp["src_feat_A"] = jax.random.normal(ks[1], (N, D_IN), dtype=jnp.float32)
    inp["src_feat_B"] = jax.random.normal(ks[2], (N, D_IN), dtype=jnp.float32)
    inp["edge_index_A"] = jax.random.randint(ks[3], (2, E), 0, N, dtype=jnp.int64)
    inp["edge_index_B"] = jax.random.randint(ks[4], (2, E), 0, N, dtype=jnp.int64)
    # GATConv params per relation (DGL GATConv with scalar in_feats: shared fc for src/dst)
    s = 0.05
    inp["W_gat_A"] = jax.random.normal(ks[5], (D_IN, H * D_OUT), dtype=jnp.float32) * s
    inp["attn_l_A"] = jax.random.normal(ks[6], (H, D_OUT), dtype=jnp.float32) * s
    inp["attn_r_A"] = jax.random.normal(ks[7], (H, D_OUT), dtype=jnp.float32) * s
    inp["bias_A"] = jnp.zeros((H * D_OUT,), dtype=jnp.float32)
    inp["W_gat_B"] = jax.random.normal(ks[8], (D_IN, H * D_OUT), dtype=jnp.float32) * s
    inp["attn_l_B"] = jax.random.normal(ks[9], (H, D_OUT), dtype=jnp.float32) * s
    inp["attn_r_B"] = jax.random.normal(ks[10], (H, D_OUT), dtype=jnp.float32) * s
    inp["bias_B"] = jnp.zeros((H * D_OUT,), dtype=jnp.float32)
    # Semantic attention params: Linear(in=D_OUT*H, hid=128) -> tanh -> Linear(hid, 1, no bias)
    inp["W1"] = jax.random.normal(ks[11], (H * D_OUT, SEM_HID), dtype=jnp.float32) * s
    inp["b1"] = jnp.zeros((SEM_HID,), dtype=jnp.float32)
    inp["W2"] = jax.random.normal(ks[12], (SEM_HID, 1), dtype=jnp.float32) * s
    return inp


def _gat_conv(src_feat, dst_feat, edge_index, W, attn_l, attn_r, bias, num_dst):
    # DGL GATConv (eval mode: feat_drop/attn_drop identity), allow_zero_in_degree=True
    src = edge_index[0]
    dst = edge_index[1]
    hs = (src_feat @ W).reshape(-1, H, D_OUT)
    hd = (dst_feat @ W).reshape(-1, H, D_OUT)
    el = (hs * attn_l[None, :, :]).sum(-1)  # [Ns, H]
    er = (hd * attn_r[None, :, :]).sum(-1)  # [Nd, H]
    e = el[src] + er[dst]                   # gather over edges [E, H]
    e = jnp.where(e > 0, e, 0.2 * e)        # leaky_relu(0.2)
    # edge softmax over destination segments
    m = jax.ops.segment_max(e, dst, num_segments=num_dst)
    m = jnp.where(jnp.isfinite(m), m, 0.0)
    ex = jnp.exp(e - m[dst])
    den = jax.ops.segment_sum(ex, dst, num_segments=num_dst)
    den_e = den[dst]
    alpha = ex / jnp.where(den_e == 0, 1.0, den_e)
    msg = alpha[:, :, None] * hs[src]       # [E, H, D_OUT]
    out = jax.ops.segment_sum(msg, dst, num_segments=num_dst)  # scatter-add
    out = out + bias.reshape(1, H, D_OUT)
    out = jax.nn.elu(out)
    return out.reshape(num_dst, H * D_OUT)


def _semantic_attention(z_m, W1, b1, W2):
    w = jnp.tanh(z_m @ W1 + b1) @ W2        # [N, R, 1]
    w = w.mean(axis=0)                      # [R, 1]
    a_w = jax.nn.softmax(w, axis=0)         # [R, 1]
    z = (z_m * a_w[None, :, :]).sum(axis=1) # [N, H*D_OUT]
    att_mp = a_w.squeeze()                  # [R]
    return z, att_mp


def reference(dst_feat, src_feat_A, src_feat_B, edge_index_A, edge_index_B,
              W_gat_A, attn_l_A, attn_r_A, bias_A,
              W_gat_B, attn_l_B, attn_r_B, bias_B,
              W1, b1, W2):
    num_dst = dst_feat.shape[0]
    z_relA = _gat_conv(src_feat_A, dst_feat, edge_index_A, W_gat_A, attn_l_A, attn_r_A, bias_A, num_dst)
    z_relB = _gat_conv(src_feat_B, dst_feat, edge_index_B, W_gat_B, attn_l_B, attn_r_B, bias_B, num_dst)
    z_r = jnp.stack([z_relA, z_relB], axis=1)  # [N, R=2, H*D_OUT]
    z, att_mp = _semantic_attention(z_r, W1, b1, W2)
    return z, att_mp

if __name__ == "__main__":
    import jax
    _d = setup_inputs()
    print(jax.jit(kernel)(*tuple(_d.values())))

</pallas_src>

<mosaic_0001>
#map = affine_map<(d0, d1) -> (0, 0)>
#map1 = affine_map<(d0, d1) -> (0)>
#map2 = affine_map<(d0, d1) -> (0, 0, 0, 0)>
#map3 = affine_map<(d0, d1) -> (0, 0, 0)>
module attributes {stable_mosaic.version = 14 : i64} {
  func.func @_edge_body(%arg0: i32, %arg1: i32, %arg2: memref<10000x128xf32, #tpu.memory_space<hbm>>, %arg3: memref<10000xf32, #tpu.memory_space<hbm>>, %arg4: memref<10000xf32, #tpu.memory_space<hbm>>, %arg5: memref<32x125x2x80xi32, #tpu.memory_space<hbm>>, %arg6: memref<10000x128xf32, #tpu.memory_space<hbm>>, %arg7: memref<10000xf32, #tpu.memory_space<hbm>>, %arg8: memref<10000xf32, #tpu.memory_space<hbm>>, %arg9: memref<32x125x2x80xi32, #tpu.memory_space<hbm>>, %arg10: memref<2x10000x128xf32, #tpu.memory_space<hbm>>, %arg11: memref<2x10240xf32, #tpu.memory_space<hbm>>, %arg12: memref<2x10000x128xf32, #tpu.memory_space<hbm>>, %arg13: memref<2x10240xf32, #tpu.memory_space<hbm>>, %arg14: memref<10000x128xf32, #tpu.memory_space<vmem_shared>>, %arg15: memref<10240xf32, #tpu.memory_space<vmem_shared>>, %arg16: memref<10000xf32, #tpu.memory_space<vmem>>, %arg17: memref<10000xf32, #tpu.memory_space<vmem>>, %arg18: memref<2x25x2x80xi32, #tpu.memory_space<vmem>>, %arg19: memref<160x128xf32, #tpu.memory_space<vmem>>, %arg20: memref<2x80xf32, #tpu.memory_space<vmem>>, %arg21: memref<640xf32, #tpu.memory_space<vmem>>, %arg22: memref<!tpu.dma_semaphore, #tpu.memory_space<semaphore_mem>>, %arg23: memref<!tpu.dma_semaphore, #tpu.memory_space<semaphore_mem>>, %arg24: memref<!tpu.dma_semaphore, #tpu.memory_space<semaphore_mem>>, %arg25: memref<!tpu.dma_semaphore, #tpu.memory_space<semaphore_mem>>) attributes {dimension_semantics = [#tpu.dimension_semantics<core_parallel>, #tpu.dimension_semantics<subcore_parallel>], iteration_bounds = array<i64: 2, 16>, scalar_prefetch = 0 : i64, scratch_operands = 12 : i64, tpu.core_type = #tpu.core_type<sc_vector_subcore>, window_params = [{transform_indices = #map}, {transform_indices = #map1}, {transform_indices = #map1}, {transform_indices = #map2}, {transform_indices = #map}, {transform_indices = #map1}, {transform_indices = #map1}, {transform_indices = #map2}, {transform_indices = #map3}, {transform_indices = #map}, {transform_indices = #map3}, {transform_indices = #map}]} {
    %mul3A = arith.constant 16 : i32
    %mul3A_0 = arith.muli %arg0, %mul3A : i32
    %add3A = arith.addi %mul3A_0, %arg1 : i32
    %broadcast_in_dim3A = arith.constant 0.000000e+00 : f32
    %broadcast_in_dim3A_1 = vector.broadcast %broadcast_in_dim3A : f32 to vector<16xf32>
    "tpu.region"() ({
      %run_scoped3A_227 = tpu.sem_alloc : memref<!tpu.dma_semaphore, #tpu.memory_space<semaphore_mem>>
      tpu.enqueue_dma source(%arg3 : memref<10000xf32, #tpu.memory_space<hbm>>) target(%arg16 : memref<10000xf32, #tpu.memory_space<vmem>>) target_semaphore(%run_scoped3A_227 : memref<!tpu.dma_semaphore, #tpu.memory_space<semaphore_mem>>)
      tpu.wait_dma2 semaphore(%run_scoped3A_227 : memref<!tpu.dma_semaphore, #tpu.memory_space<semaphore_mem>>) src(%arg3 : memref<10000xf32, #tpu.memory_space<hbm>>) dst(%arg16 : memref<10000xf32, #tpu.memory_space<vmem>>)
      tpu.yield
    }) : () -> ()
    "tpu.region"() ({
      %run_scoped3A_227 = tpu.sem_alloc : memref<!tpu.dma_semaphore, #tpu.memory_space<semaphore_mem>>
      tpu.enqueue_dma source(%arg4 : memref<10000xf32, #tpu.memory_space<hbm>>) target(%arg17 : memref<10000xf32, #tpu.memory_space<vmem>>) target_semaphore(%run_scoped3A_227 : memref<!tpu.dma_semaphore, #tpu.memory_space<semaphore_mem>>)
      tpu.wait_dma2 semaphore(%run_scoped3A_227 : memref<!tpu.dma_semaphore, #tpu.memory_space<semaphore_mem>>) src(%arg4 : memref<10000xf32, #tpu.memory_space<hbm>>) dst(%arg17 : memref<10000xf32, #tpu.memory_space<vmem>>)
      tpu.yield
    }) : () -> ()
    %parallel_loop3A = arith.constant 0 : i32
    %parallel_loop3A_2 = arith.constant 160 : i32
    %parallel_loop3A_3 = arith.constant 1 : i32
    scf.for %parallel_loop3A_227 = %parallel_loop3A to %parallel_loop3A_2 step %parallel_loop3A_3  : i32 {
      %parallel_loop3A_228 = arith.index_cast %parallel_loop3A_227 : i32 to index
      %parallel_loop3A_229 = arith.constant 0 : index
      %parallel_loop3A_230 = tpu.vector_load %arg19[%parallel_loop3A_228, %parallel_loop3A_229] {strides = array<i32>} : memref<160x128xf32, #tpu.memory_space<vmem>>, vector<16xf32>,
      tpu.vector_store %arg19[%parallel_loop3A_228, %parallel_loop3A_229], %broadcast_in_dim3A_1 {strides = array<i32>} : memref<160x128xf32, #tpu.memory_space<vmem>>, vector<16xf32>,
      %parallel_loop3A_231 = arith.index_cast %parallel_loop3A_227 : i32 to index
      %parallel_loop3A_232 = arith.constant 16 : index
      %parallel_loop3A_233 = tpu.vector_load %arg19[%parallel_loop3A_231, %parallel_loop3A_232] {strides = array<i32>} : memref<160x128xf32, #tpu.memory_space<vmem>>, vector<16xf32>,
      tpu.vector_store %arg19[%parallel_loop3A_231, %parallel_loop3A_232], %broadcast_in_dim3A_1 {strides = array<i32>} : memref<160x128xf32, #tpu.memory_space<vmem>>, vector<16xf32>,
      %parallel_loop3A_234 = arith.index_cast %parallel_loop3A_227 : i32 to index
      %parallel_loop3A_235 = arith.constant 32 : index
      %parallel_loop3A_236 = tpu.vector_load %arg19[%parallel_loop3A_234, %parallel_loop3A_235] {strides = array<i32>} : memref<160x128xf32, #tpu.memory_space<vmem>>, vector<16xf32>,
      tpu.vector_store %arg19[%parallel_loop3A_234, %parallel_loop3A_235], %broadcast_in_dim3A_1 {strides = array<i32>} : memref<160x128xf32, #tpu.memory_space<vmem>>, vector<16xf32>,
      %parallel_loop3A_237 = arith.index_cast %parallel_loop3A_227 : i32 to index
      %parallel_loop3A_238 = arith.constant 48 : index
      %parallel_loop3A_239 = tpu.vector_load %arg19[%parallel_loop3A_237, %parallel_loop3A_238] {strides = array<i32>} : memref<160x128xf32, #tpu.memory_space<vmem>>, vector<16xf32>,
      tpu.vector_store %arg19[%parallel_loop3A_237, %parallel_loop3A_238], %broadcast_in_dim3A_1 {strides = array<i32>} : memref<160x128xf32, #tpu.memory_space<vmem>>, vector<16xf32>,
      %parallel_loop3A_240 = arith.index_cast %parallel_loop3A_227 : i32 to index
      %parallel_loop3A_241 = arith.constant 64 : index
      %parallel_loop3A_242 = tpu.vector_load %arg19[%parallel_loop3A_240, %parallel_loop3A_241] {strides = array<i32>} : memref<160x128xf32, #tpu.memory_space<vmem>>, vector<16xf32>,
      tpu.vector_store %arg19[%parallel_loop3A_240, %parallel_loop3A_241], %broadcast_in_dim3A_1 {strides = array<i32>} : memref<160x128xf32, #tpu.memory_space<vmem>>, vector<16xf32>,
      %parallel_loop3A_243 = arith.index_cast %parallel_loop3A_227 : i32 to index
      %parallel_loop3A_244 = arith.constant 80 : index
      %parallel_loop3A_245 = tpu.vector_load %arg19[%parallel_loop3A_243, %parallel_loop3A_244] {strides = array<i32>} : memref<160x128xf32, #tpu.memory_space<vmem>>, vector<16xf32>,
      tpu.vector_store %arg19[%parallel_loop3A_243, %parallel_loop3A_244], %broadcast_in_dim3A_1 {strides = array<i32>} : memref<160x128xf32, #tpu.memory_space<vmem>>, vector<16xf32>,
      %parallel_loop3A_246 = arith.index_cast %parallel_loop3A_227 : i32 to index
      %parallel_loop3A_247 = arith.constant 96 : index
      %parallel_loop3A_248 = tpu.vector_load %arg19[%parallel_loop3A_246, %parallel_loop3A_247] {strides = array<i32>} : memref<160x128xf32, #tpu.memory_space<vmem>>, vector<16xf32>,
      tpu.vector_store %arg19[%parallel_loop3A_246, %parallel_loop3A_247], %broadcast_in_dim3A_1 {strides = array<i32>} : memref<160x128xf32, #tpu.memory_space<vmem>>, vector<16xf32>,
      %parallel_loop3A_249 = arith.index_cast %parallel_loop3A_227 : i32 to index
      %parallel_loop3A_250 = arith.constant 112 : index
      %parallel_loop3A_251 = tpu.vector_load %arg19[%parallel_loop3A_249, %parallel_loop3A_250] {strides = array<i32>} : memref<160x128xf32, #tpu.memory_space<vmem>>, vector<16xf32>,
      tpu.vector_store %arg19[%parallel_loop3A_249, %parallel_loop3A_250], %broadcast_in_dim3A_1 {strides = array<i32>} : memref<160x128xf32, #tpu.memory_space<vmem>>, vector<16xf32>,
    } {sc.loop_unroll_factor = 4 : i64, sc.parallel_access}
    %scan3A = arith.constant 0 : i32
    %scan3A_4 = arith.constant 0 : i32
    %scan3A_5 = arith.constant 40 : i32
    %scan3A_6 = arith.addi %scan3A_4, %scan3A_5 : i32
    %scan3A_7 = arith.constant 1 : i32
    scf.for %scan3A_227 = %scan3A_4 to %scan3A_6 step %scan3A_7  : i32 {
      %mul3A_228 = arith.constant 16 : i32
      %mul3A_229 = arith.muli %scan3A_227, %mul3A_228 : i32
      %swap3A = arith.index_cast %mul3A_229 : i32 to index
      %swap3A_230 = tpu.vector_load %arg21[%swap3A] {strides = array<i32>} : memref<640xf32, #tpu.memory_space<vmem>>, vector<16xf32>,
      tpu.vector_store %arg21[%swap3A], %broadcast_in_dim3A_1 {strides = array<i32>} : memref<640xf32, #tpu.memory_space<vmem>>, vector<16xf32>,
    }
    %scan3A_8 = arith.constant 40 : i32
    %mul3A_9 = arith.constant 625 : i32
    %mul3A_10 = arith.muli %arg1, %mul3A_9 : i32
    %add3A_11 = arith.constant 0 : i32
    %add3A_12 = arith.addi %mul3A_10, %add3A_11 : i32
    "tpu.region"() ({
      %run_scoped3A_227 = tpu.sem_alloc : memref<!tpu.dma_semaphore, #tpu.memory_space<semaphore_mem>>
      %dma_start3A_228 = arith.constant 0 : i32
      %dma_start3A_229 = arith.constant 0 : i32
      %dma_start3A_230 = tpu.memref_slice %arg19[%dma_start3A_228, %dma_start3A_229] : memref<160x128xf32, #tpu.memory_space<vmem>> -> memref<160x128xf32, #tpu.memory_space<vmem>>
      %dma_start3A_231 = arith.constant 0 : i32
      %dma_start3A_232 = tpu.memref_slice %arg14[%add3A_12, %dma_start3A_231] : memref<10000x128xf32, #tpu.memory_space<vmem_shared>> -> memref<160x128xf32, #tpu.memory_space<vmem_shared>>
      %dma_start3A_233 = arith.constant 0 : i32
      %dma_start3A_234 = tpu.memref_slice %arg14[%add3A_12, %dma_start3A_233] : memref<10000x128xf32, #tpu.memory_space<vmem_shared>> -> memref<160x128xf32, #tpu.memory_space<vmem_shared>>
      %dma_start3A_235 = arith.constant 0 : i32
      %dma_start3A_236 = arith.constant 0 : i32
      %dma_start3A_237 = tpu.memref_slice %arg19[%dma_start3A_235, %dma_start3A_236] : memref<160x128xf32, #tpu.memory_space<vmem>> -> memref<160x128xf32, #tpu.memory_space<vmem>>
      tpu.enqueue_dma source(%dma_start3A_237 : memref<160x128xf32, #tpu.memory_space<vmem>>) target(%dma_start3A_234 : memref<160x128xf32, #tpu.memory_space<vmem_shared>>) target_semaphore(%run_scoped3A_227 : memref<!tpu.dma_semaphore, #tpu.memory_space<semaphore_mem>>)
      %dma_wait3A_238 = arith.constant 0 : i32
      %dma_wait3A_239 = arith.constant 0 : i32
      %dma_wait3A_240 = tpu.memref_slice %arg19[%dma_wait3A_238, %dma_wait3A_239] : memref<160x128xf32, #tpu.memory_space<vmem>> -> memref<160x128xf32, #tpu.memory_space<vmem>>
      %dma_wait3A_241 = arith.constant 0 : i32
      %dma_wait3A_242 = tpu.memref_slice %arg14[%add3A_12, %dma_wait3A_241] : memref<10000x128xf32, #tpu.memory_space<vmem_shared>> -> memref<160x128xf32, #tpu.memory_space<vmem_shared>>
      %dma_wait3A_243 = arith.constant 0 : i32
      %dma_wait3A_244 = tpu.memref_slice %arg14[%add3A_12, %dma_wait3A_243] : memref<10000x128xf32, #tpu.memory_space<vmem_shared>> -> memref<160x128xf32, #tpu.memory_space<vmem_shared>>
      %dma_wait3A_245 = arith.constant 0 : i32
      %dma_wait3A_246 = arith.constant 0 : i32
      %dma_wait3A_247 = tpu.memref_slice %arg19[%dma_wait3A_245, %dma_wait3A_246] : memref<160x128xf32, #tpu.memory_space<vmem>> -> memref<160x128xf32, #tpu.memory_space<vmem>>
      tpu.wait_dma2 semaphore(%run_scoped3A_227 : memref<!tpu.dma_semaphore, #tpu.memory_space<semaphore_mem>>) src(%dma_wait3A_247 : memref<160x128xf32, #tpu.memory_space<vmem>>) dst(%dma_wait3A_244 : memref<160x128xf32, #tpu.memory_space<vmem_shared>>)
      tpu.yield
    }) : () -> ()
    %add3A_13 = arith.constant 160 : i32
    %add3A_14 = arith.addi %mul3A_10, %add3A_13 : i32
    "tpu.region"() ({
      %run_scoped3A_227 = tpu.sem_alloc : memref<!tpu.dma_semaphore, #tpu.memory_space<semaphore_mem>>
      %dma_start3A_228 = arith.constant 0 : i32
      %dma_start3A_229 = arith.constant 0 : i32
      %dma_start3A_230 = tpu.memref_slice %arg19[%dma_start3A_228, %dma_start3A_229] : memref<160x128xf32, #tpu.memory_space<vmem>> -> memref<160x128xf32, #tpu.memory_space<vmem>>
      %dma_start3A_231 = arith.constant 0 : i32
      %dma_start3A_232 = tpu.memref_slice %arg14[%add3A_14, %dma_start3A_231] : memref<10000x128xf32, #tpu.memory_space<vmem_shared>> -> memref<160x128xf32, #tpu.memory_space<vmem_shared>>
      %dma_start3A_233 = arith.constant 0 : i32
      %dma_start3A_234 = tpu.memref_slice %arg14[%add3A_14, %dma_start3A_233] : memref<10000x128xf32, #tpu.memory_space<vmem_shared>> -> memref<160x128xf32, #tpu.memory_space<vmem_shared>>
      %dma_start3A_235 = arith.constant 0 : i32
      %dma_start3A_236 = arith.constant 0 : i32
      %dma_start3A_237 = tpu.memref_slice %arg19[%dma_start3A_235, %dma_start3A_236] : memref<160x128xf32, #tpu.memory_space<vmem>> -> memref<160x128xf32, #tpu.memory_space<vmem>>
      tpu.enqueue_dma source(%dma_start3A_237 : memref<160x128xf32, #tpu.memory_space<vmem>>) target(%dma_start3A_234 : memref<160x128xf32, #tpu.memory_space<vmem_shared>>) target_semaphore(%run_scoped3A_227 : memref<!tpu.dma_semaphore, #tpu.memory_space<semaphore_mem>>)
      %dma_wait3A_238 = arith.constant 0 : i32
      %dma_wait3A_239 = arith.constant 0 : i32
      %dma_wait3A_240 = tpu.memref_slice %arg19[%dma_wait3A_238, %dma_wait3A_239] : memref<160x128xf32, #tpu.memory_space<vmem>> -> memref<160x128xf32, #tpu.memory_space<vmem>>
      %dma_wait3A_241 = arith.constant 0 : i32
      %dma_wait3A_242 = tpu.memref_slice %arg14[%add3A_14, %dma_wait3A_241] : memref<10000x128xf32, #tpu.memory_space<vmem_shared>> -> memref<160x128xf32, #tpu.memory_space<vmem_shared>>
      %dma_wait3A_243 = arith.constant 0 : i32
      %dma_wait3A_244 = tpu.memref_slice %arg14[%add3A_14, %dma_wait3A_243] : memref<10000x128xf32, #tpu.memory_space<vmem_shared>> -> memref<160x128xf32, #tpu.memory_space<vmem_shared>>
      %dma_wait3A_245 = arith.constant 0 : i32
      %dma_wait3A_246 = arith.constant 0 : i32
      %dma_wait3A_247 = tpu.memref_slice %arg19[%dma_wait3A_245, %dma_wait3A_246] : memref<160x128xf32, #tpu.memory_space<vmem>> -> memref<160x128xf32, #tpu.memory_space<vmem>>
      tpu.wait_dma2 semaphore(%run_scoped3A_227 : memref<!tpu.dma_semaphore, #tpu.memory_space<semaphore_mem>>) src(%dma_wait3A_247 : memref<160x128xf32, #tpu.memory_space<vmem>>) dst(%dma_wait3A_244 : memref<160x128xf32, #tpu.memory_space<vmem_shared>>)
      tpu.yield
    }) : () -> ()
    %add3A_15 = arith.constant 320 : i32
    %add3A_16 = arith.addi %mul3A_10, %add3A_15 : i32
    "tpu.region"() ({
      %run_scoped3A_227 = tpu.sem_alloc : memref<!tpu.dma_semaphore, #tpu.memory_space<semaphore_mem>>
      %dma_start3A_228 = arith.constant 0 : i32
      %dma_start3A_229 = arith.constant 0 : i32
      %dma_start3A_230 = tpu.memref_slice %arg19[%dma_start3A_228, %dma_start3A_229] : memref<160x128xf32, #tpu.memory_space<vmem>> -> memref<160x128xf32, #tpu.memory_space<vmem>>
      %dma_start3A_231 = arith.constant 0 : i32
      %dma_start3A_232 = tpu.memref_slice %arg14[%add3A_16, %dma_start3A_231] : memref<10000x128xf32, #tpu.memory_space<vmem_shared>> -> memref<160x128xf32, #tpu.memory_space<vmem_shared>>
      %dma_start3A_233 = arith.constant 0 : i32
      %dma_start3A_234 = tpu.memref_slice %arg14[%add3A_16, %dma_start3A_233] : memref<10000x128xf32, #tpu.memory_space<vmem_shared>> -> memref<160x128xf32, #tpu.memory_space<vmem_shared>>
      %dma_start3A_235 = arith.constant 0 : i32
      %dma_start3A_236 = arith.constant 0 : i32
      %dma_start3A_237 = tpu.memref_slice %arg19[%dma_start3A_235, %dma_start3A_236] : memref<160x128xf32, #tpu.memory_space<vmem>> -> memref<160x128xf32, #tpu.memory_space<vmem>>
      tpu.enqueue_dma source(%dma_start3A_237 : memref<160x128xf32, #tpu.memory_space<vmem>>) target(%dma_start3A_234 : memref<160x128xf32, #tpu.memory_space<vmem_shared>>) target_semaphore(%run_scoped3A_227 : memref<!tpu.dma_semaphore, #tpu.memory_space<semaphore_mem>>)
      %dma_wait3A_238 = arith.constant 0 : i32
      %dma_wait3A_239 = arith.constant 0 : i32
      %dma_wait3A_240 = tpu.memref_slice %arg19[%dma_wait3A_238, %dma_wait3A_239] : memref<160x128xf32, #tpu.memory_space<vmem>> -> memref<160x128xf32, #tpu.memory_space<vmem>>
      %dma_wait3A_241 = arith.constant 0 : i32
      %dma_wait3A_242 = tpu.memref_slice %arg14[%add3A_16, %dma_wait3A_241] : memref<10000x128xf32, #tpu.memory_space<vmem_shared>> -> memref<160x128xf32, #tpu.memory_space<vmem_shared>>
      %dma_wait3A_243 = arith.constant 0 : i32
      %dma_wait3A_244 = tpu.memref_slice %arg14[%add3A_16, %dma_wait3A_243] : memref<10000x128xf32, #tpu.memory_space<vmem_shared>> -> memref<160x128xf32, #tpu.memory_space<vmem_shared>>
      %dma_wait3A_245 = arith.constant 0 : i32
      %dma_wait3A_246 = arith.constant 0 : i32
      %dma_wait3A_247 = tpu.memref_slice %arg19[%dma_wait3A_245, %dma_wait3A_246] : memref<160x128xf32, #tpu.memory_space<vmem>> -> memref<160x128xf32, #tpu.memory_space<vmem>>
      tpu.wait_dma2 semaphore(%run_scoped3A_227 : memref<!tpu.dma_semaphore, #tpu.memory_space<semaphore_mem>>) src(%dma_wait3A_247 : memref<160x128xf32, #tpu.memory_space<vmem>>) dst(%dma_wait3A_244 : memref<160x128xf32, #tpu.memory_space<vmem_shared>>)
      tpu.yield
    }) : () -> ()
    %add3A_17 = arith.constant 480 : i32
    %add3A_18 = arith.addi %mul3A_10, %add3A_17 : i32
    "tpu.region"() ({
      %run_scoped3A_227 = tpu.sem_alloc : memref<!tpu.dma_semaphore, #tpu.memory_space<semaphore_mem>>
      %dma_start3A_228 = arith.constant 0 : i32
      %dma_start3A_229 = arith.constant 0 : i32
      %dma_start3A_230 = tpu.memref_slice %arg19[%dma_start3A_228, %dma_start3A_229] : memref<160x128xf32, #tpu.memory_space<vmem>> -> memref<145x128xf32, #tpu.memory_space<vmem>>
      %dma_start3A_231 = arith.constant 0 : i32
      %dma_start3A_232 = tpu.memref_slice %arg14[%add3A_18, %dma_start3A_231] : memref<10000x128xf32, #tpu.memory_space<vmem_shared>> -> memref<145x128xf32, #tpu.memory_space<vmem_shared>>
      %dma_start3A_233 = arith.constant 0 : i32
      %dma_start3A_234 = tpu.memref_slice %arg14[%add3A_18, %dma_start3A_233] : memref<10000x128xf32, #tpu.memory_space<vmem_shared>> -> memref<145x128xf32, #tpu.memory_space<vmem_shared>>
      %dma_start3A_235 = arith.constant 0 : i32
      %dma_start3A_236 = arith.constant 0 : i32
      %dma_start3A_237 = tpu.memref_slice %arg19[%dma_start3A_235, %dma_start3A_236] : memref<160x128xf32, #tpu.memory_space<vmem>> -> memref<145x128xf32, #tpu.memory_space<vmem>>
      tpu.enqueue_dma source(%dma_start3A_237 : memref<145x128xf32, #tpu.memory_space<vmem>>) target(%dma_start3A_234 : memref<145x128xf32, #tpu.memory_space<vmem_shared>>) target_semaphore(%run_scoped3A_227 : memref<!tpu.dma_semaphore, #tpu.memory_space<semaphore_mem>>)
      %dma_wait3A_238 = arith.constant 0 : i32
      %dma_wait3A_239 = arith.constant 0 : i32
      %dma_wait3A_240 = tpu.memref_slice %arg19[%dma_wait3A_238, %dma_wait3A_239] : memref<160x128xf32, #tpu.memory_space<vmem>> -> memref<145x128xf32, #tpu.memory_space<vmem>>
      %dma_wait3A_241 = arith.constant 0 : i32
      %dma_wait3A_242 = tpu.memref_slice %arg14[%add3A_18, %dma_wait3A_241] : memref<10000x128xf32, #tpu.memory_space<vmem_shared>> -> memref<145x128xf32, #tpu.memory_space<vmem_shared>>
      %dma_wait3A_243 = arith.constant 0 : i32
      %dma_wait3A_244 = tpu.memref_slice %arg14[%add3A_18, %dma_wait3A_243] : memref<10000x128xf32, #tpu.memory_space<vmem_shared>> -> memref<145x128xf32, #tpu.memory_space<vmem_shared>>
      %dma_wait3A_245 = arith.constant 0 : i32
      %dma_wait3A_246 = arith.constant 0 : i32
      %dma_wait3A_247 = tpu.memref_slice %arg19[%dma_wait3A_245, %dma_wait3A_246] : memref<160x128xf32, #tpu.memory_space<vmem>> -> memref<145x128xf32, #tpu.memory_space<vmem>>
      tpu.wait_dma2 semaphore(%run_scoped3A_227 : memref<!tpu.dma_semaphore, #tpu.memory_space<semaphore_mem>>) src(%dma_wait3A_247 : memref<145x128xf32, #tpu.memory_space<vmem>>) dst(%dma_wait3A_244 : memref<145x128xf32, #tpu.memory_space<vmem_shared>>)
      tpu.yield
    }) : () -> ()
    %mul3A_19 = arith.constant 640 : i32
    %mul3A_20 = arith.muli %arg1, %mul3A_19 : i32
    "tpu.region"() ({
      %run_scoped3A_227 = tpu.sem_alloc : memref<!tpu.dma_semaphore, #tpu.memory_space<semaphore_mem>>
      %dma_start3A_228 = tpu.memref_slice %arg15[%mul3A_20] : memref<10240xf32, #tpu.memory_space<vmem_shared>> -> memref<640xf32, #tpu.memory_space<vmem_shared>>
      %dma_start3A_229 = tpu.memref_slice %arg15[%mul3A_20] : memref<10240xf32, #tpu.memory_space<vmem_shared>> -> memref<640xf32, #tpu.memory_space<vmem_shared>>
      tpu.enqueue_dma source(%arg21 : memref<640xf32, #tpu.memory_space<vmem>>) target(%dma_start3A_229 : memref<640xf32, #tpu.memory_space<vmem_shared>>) target_semaphore(%run_scoped3A_227 : memref<!tpu.dma_semaphore, #tpu.memory_space<semaphore_mem>>)
      %dma_wait3A_230 = tpu.memref_slice %arg15[%mul3A_20] : memref<10240xf32, #tpu.memory_space<vmem_shared>> -> memref<640xf32, #tpu.memory_space<vmem_shared>>
      %dma_wait3A_231 = tpu.memref_slice %arg15[%mul3A_20] : memref<10240xf32, #tpu.memory_space<vmem_shared>> -> memref<640xf32, #tpu.memory_space<vmem_shared>>
      tpu.wait_dma2 semaphore(%run_scoped3A_227 : memref<!tpu.dma_semaphore, #tpu.memory_space<semaphore_mem>>) src(%arg21 : memref<640xf32, #tpu.memory_space<vmem>>) dst(%dma_wait3A_231 : memref<640xf32, #tpu.memory_space<vmem_shared>>)
      tpu.yield
    }) : () -> ()
    %run_scoped3A = arith.constant 0 : i32
    "tpu.region"() ({
      %run_scoped3A_227 = tpu.sem_alloc : memref<!tpu.dma_semaphore, #tpu.memory_space<semaphore_mem>>
      %dma_start3A_228 = arith.constant 0 : i32
      %dma_start3A_229 = arith.constant 0 : i32
      %dma_start3A_230 = arith.constant 0 : i32
      %dma_start3A_231 = tpu.memref_slice %arg18[%run_scoped3A, %dma_start3A_228, %dma_start3A_229, %dma_start3A_230] : memref<2x25x2x80xi32, #tpu.memory_space<vmem>> -> memref<1x25x2x80xi32, #tpu.memory_space<vmem>>
      %dma_start3A_232 = tpu.memref_squeeze %dma_start3A_231 : memref<1x25x2x80xi32, #tpu.memory_space<vmem>> -> memref<25x2x80xi32, #tpu.memory_space<vmem>>
      %dma_start3A_233 = arith.constant 0 : i32
      %dma_start3A_234 = arith.constant 0 : i32
      %dma_start3A_235 = arith.constant 0 : i32
      %dma_start3A_236 = tpu.memref_slice %arg5[%add3A, %dma_start3A_233, %dma_start3A_234, %dma_start3A_235] : memref<32x125x2x80xi32, #tpu.memory_space<hbm>> -> memref<1x25x2x80xi32, #tpu.memory_space<hbm>>
      %dma_start3A_237 = tpu.memref_squeeze %dma_start3A_236 : memref<1x25x2x80xi32, #tpu.memory_space<hbm>> -> memref<25x2x80xi32, #tpu.memory_space<hbm>>
      %dma_start3A_238 = arith.constant 0 : i32
      %dma_start3A_239 = arith.constant 0 : i32
      %dma_start3A_240 = arith.constant 0 : i32
      %dma_start3A_241 = tpu.memref_slice %arg18[%run_scoped3A, %dma_start3A_238, %dma_start3A_239, %dma_start3A_240] : memref<2x25x2x80xi32, #tpu.memory_space<vmem>> -> memref<1x25x2x80xi32, #tpu.memory_space<vmem>>
      %dma_start3A_242 = tpu.memref_squeeze %dma_start3A_241 : memref<1x25x2x80xi32, #tpu.memory_space<vmem>> -> memref<25x2x80xi32, #tpu.memory_space<vmem>>
      %dma_start3A_243 = arith.constant 0 : i32
      %dma_start3A_244 = arith.constant 0 : i32
      %dma_start3A_245 = arith.constant 0 : i32
      %dma_start3A_246 = tpu.memref_slice %arg5[%add3A, %dma_start3A_243, %dma_start3A_244, %dma_start3A_245] : memref<32x125x2x80xi32, #tpu.memory_space<hbm>> -> memref<1x25x2x80xi32, #tpu.memory_space<hbm>>
      %dma_start3A_247 = tpu.memref_squeeze %dma_start3A_246 : memref<1x25x2x80xi32, #tpu.memory_space<hbm>> -> memref<25x2x80xi32, #tpu.memory_space<hbm>>
      tpu.enqueue_dma source(%dma_start3A_247 : memref<25x2x80xi32, #tpu.memory_space<hbm>>) target(%dma_start3A_242 : memref<25x2x80xi32, #tpu.memory_space<vmem>>) target_semaphore(%run_scoped3A_227 : memref<!tpu.dma_semaphore, #tpu.memory_space<semaphore_mem>>)
      %dma_wait3A_248 = arith.constant 0 : i32
      %dma_wait3A_249 = arith.constant 0 : i32
      %dma_wait3A_250 = arith.constant 0 : i32
      %dma_wait3A_251 = tpu.memref_slice %arg18[%run_scoped3A, %dma_wait3A_248, %dma_wait3A_249, %dma_wait3A_250] : memref<2x25x2x80xi32, #tpu.memory_space<vmem>> -> memref<1x25x2x80xi32, #tpu.memory_space<vmem>>
      %dma_wait3A_252 = tpu.memref_squeeze %dma_wait3A_251 : memref<1x25x2x80xi32, #tpu.memory_space<vmem>> -> memref<25x2x80xi32, #tpu.memory_space<vmem>>
      %dma_wait3A_253 = arith.constant 0 : i32
      %dma_wait3A_254 = arith.constant 0 : i32
      %dma_wait3A_255 = arith.constant 0 : i32
      %dma_wait3A_256 = tpu.memref_slice %arg5[%add3A, %dma_wait3A_253, %dma_wait3A_254, %dma_wait3A_255] : memref<32x125x2x80xi32, #tpu.memory_space<hbm>> -> memref<1x25x2x80xi32, #tpu.memory_space<hbm>>
      %dma_wait3A_257 = tpu.memref_squeeze %dma_wait3A_256 : memref<1x25x2x80xi32, #tpu.memory_space<hbm>> -> memref<25x2x80xi32, #tpu.memory_space<hbm>>
      %dma_wait3A_258 = arith.constant 0 : i32
      %dma_wait3A_259 = arith.constant 0 : i32
      %dma_wait3A_260 = arith.constant 0 : i32
      %dma_wait3A_261 = tpu.memref_slice %arg18[%run_scoped3A, %dma_wait3A_258, %dma_wait3A_259, %dma_wait3A_260] : memref<2x25x2x80xi32, #tpu.memory_space<vmem>> -> memref<1x25x2x80xi32, #tpu.memory_space<vmem>>
      %dma_wait3A_262 = tpu.memref_squeeze %dma_wait3A_261 : memref<1x25x2x80xi32, #tpu.memory_space<vmem>> -> memref<25x2x80xi32, #tpu.memory_space<vmem>>
      %dma_wait3A_263 = arith.constant 0 : i32
      %dma_wait3A_264 = arith.constant 0 : i32
      %dma_wait3A_265 = arith.constant 0 : i32
      %dma_wait3A_266 = tpu.memref_slice %arg5[%add3A, %dma_wait3A_263, %dma_wait3A_264, %dma_wait3A_265] : memref<32x125x2x80xi32, #tpu.memory_space<hbm>> -> memref<1x25x2x80xi32, #tpu.memory_space<hbm>>
      %dma_wait3A_267 = tpu.memref_squeeze %dma_wait3A_266 : memref<1x25x2x80xi32, #tpu.memory_space<hbm>> -> memref<25x2x80xi32, #tpu.memory_space<hbm>>
      tpu.wait_dma2 semaphore(%run_scoped3A_227 : memref<!tpu.dma_semaphore, #tpu.memory_space<semaphore_mem>>) src(%dma_wait3A_267 : memref<25x2x80xi32, #tpu.memory_space<hbm>>) dst(%dma_wait3A_262 : memref<25x2x80xi32, #tpu.memory_space<vmem>>)
      tpu.yield
    }) : () -> ()
    %dma_start3A = arith.constant 1 : i32
    %dma_start3A_21 = arith.constant 0 : i32
    %dma_start3A_22 = arith.constant 0 : i32
    %dma_start3A_23 = arith.constant 0 : i32
    %dma_start3A_24 = tpu.memref_slice %arg18[%dma_start3A, %dma_start3A_21, %dma_start3A_22, %dma_start3A_23] : memref<2x25x2x80xi32, #tpu.memory_space<vmem>> -> memref<1x25x2x80xi32, #tpu.memory_space<vmem>>
    %dma_start3A_25 = tpu.memref_squeeze %dma_start3A_24 : memref<1x25x2x80xi32, #tpu.memory_space<vmem>> -> memref<25x2x80xi32, #tpu.memory_space<vmem>>
    %dma_start3A_26 = arith.constant 25 : i32
    %dma_start3A_27 = arith.constant 0 : i32
    %dma_start3A_28 = arith.constant 0 : i32
    %dma_start3A_29 = tpu.memref_slice %arg5[%add3A, %dma_start3A_26, %dma_start3A_27, %dma_start3A_28] : memref<32x125x2x80xi32, #tpu.memory_space<hbm>> -> memref<1x25x2x80xi32, #tpu.memory_space<hbm>>
    %dma_start3A_30 = tpu.memref_squeeze %dma_start3A_29 : memref<1x25x2x80xi32, #tpu.memory_space<hbm>> -> memref<25x2x80xi32, #tpu.memory_space<hbm>>
    %dma_start3A_31 = arith.constant 0 : i32
    %dma_start3A_32 = arith.constant 0 : i32
    %dma_start3A_33 = arith.constant 0 : i32
    %dma_start3A_34 = tpu.memref_slice %arg18[%dma_start3A, %dma_start3A_31, %dma_start3A_32, %dma_start3A_33] : memref<2x25x2x80xi32, #tpu.memory_space<vmem>> -> memref<1x25x2x80xi32, #tpu.memory_space<vmem>>
    %dma_start3A_35 = tpu.memref_squeeze %dma_start3A_34 : memref<1x25x2x80xi32, #tpu.memory_space<vmem>> -> memref<25x2x80xi32, #tpu.memory_space<vmem>>
    %dma_start3A_36 = arith.constant 25 : i32
    %dma_start3A_37 = arith.constant 0 : i32
    %dma_start3A_38 = arith.constant 0 : i32
    %dma_start3A_39 = tpu.memref_slice %arg5[%add3A, %dma_start3A_36, %dma_start3A_37, %dma_start3A_38] : memref<32x125x2x80xi32, #tpu.memory_space<hbm>> -> memref<1x25x2x80xi32, #tpu.memory_space<hbm>>
    %dma_start3A_40 = tpu.memref_squeeze %dma_start3A_39 : memref<1x25x2x80xi32, #tpu.memory_space<hbm>> -> memref<25x2x80xi32, #tpu.memory_space<hbm>>
    tpu.enqueue_dma source(%dma_start3A_40 : memref<25x2x80xi32, #tpu.memory_space<hbm>>) target(%dma_start3A_35 : memref<25x2x80xi32, #tpu.memory_space<vmem>>) target_semaphore(%arg23 : memref<!tpu.dma_semaphore, #tpu.memory_space<semaphore_mem>>)
    %barrier3A = arith.constant 0 : index
    tpu.barrier barrier_id(%barrier3A)
    %dma_start3A_41 = arith.constant 0 : i32
    %dma_start3A_42 = arith.constant 0 : i32
    %dma_start3A_43 = arith.constant 0 : i32
    %dma_start3A_44 = arith.constant 0 : i32
    %dma_start3A_45 = arith.constant 0 : i32
    %dma_start3A_46 = tpu.memref_slice %arg19[%dma_start3A_44, %dma_start3A_45] : memref<160x128xf32, #tpu.memory_space<vmem>> -> memref<80x128xf32, #tpu.memory_space<vmem>>
    %dma_start3A_47 = arith.constant 0 : i32
    %dma_start3A_48 = tpu.memref_slice %arg18[%dma_start3A_41, %dma_start3A_42, %dma_start3A_43, %dma_start3A_47] : memref<2x25x2x80xi32, #tpu.memory_space<vmem>> -> memref<1x1x1x80xi32, #tpu.memory_space<vmem>>
    %dma_start3A_49 = tpu.memref_squeeze %dma_start3A_48 : memref<1x1x1x80xi32, #tpu.memory_space<vmem>> -> memref<80xi32, #tpu.memory_space<vmem>>
    %dma_start3A_50 = arith.constant 0 : i32
    %dma_start3A_51 = arith.constant 0 : i32
    %dma_start3A_52 = tpu.memref_slice %arg2[%dma_start3A_50, %dma_start3A_51] : memref<10000x128xf32, #tpu.memory_space<hbm>> -> memref<10000x128xf32, #tpu.memory_space<hbm>>
    tpu.enqueue_indirect_dma source(%dma_start3A_52 : memref<10000x128xf32, #tpu.memory_space<hbm>>) target(%dma_start3A_46 : memref<80x128xf32, #tpu.memory_space<vmem>>) offsets(%dma_start3A_49 : memref<80xi32, #tpu.memory_space<vmem>>) semaphore(%arg22 : memref<!tpu.dma_semaphore, #tpu.memory_space<semaphore_mem>>)
    %scan3A_53 = arith.constant 0 : i32
    %scan3A_54 = arith.constant 0 : i32
    %scan3A_55 = arith.constant 125 : i32
    %scan3A_56 = arith.addi %scan3A_54, %scan3A_55 : i32
    %scan3A_57 = arith.constant 1 : i32
    scf.for %scan3A_227 = %scan3A_54 to %scan3A_56 step %scan3A_57  : i32 {
      %rem3A = arith.constant 2 : i32
      %rem3A_228 = arith.remsi %scan3A_227, %rem3A : i32
      %mul3A_229 = arith.constant 80 : i32
      %mul3A_230 = arith.muli %rem3A_228, %mul3A_229 : i32
      %add3A_231 = arith.constant 1 : i32
      %add3A_232 = arith.addi %scan3A_227, %add3A_231 : i32
      %rem3A_233 = arith.constant 2 : i32
      %rem3A_234 = arith.remsi %add3A_232, %rem3A_233 : i32
      %div3A = arith.constant 25 : i32
      %div3A_235 = arith.divsi %scan3A_227, %div3A : i32
      %rem3A_236 = arith.constant 25 : i32
      %rem3A_237 = arith.remsi %scan3A_227, %rem3A_236 : i32
      %rem3A_238 = arith.constant 2 : i32
      %rem3A_239 = arith.remsi %div3A_235, %rem3A_238 : i32
      %sub3A = arith.constant 1 : i32
      %sub3A_240 = arith.subi %sub3A, %rem3A_239 : i32
      %add3A_241 = arith.constant 1 : i32
      %add3A_242 = arith.addi %scan3A_227, %add3A_241 : i32
      %lt3A = arith.constant 125 : i32
      %lt3A_243 = arith.cmpi slt, %add3A_242, %lt3A : i32
      %convert_element_type3A_244 = arith.extui %lt3A_243 : i1 to i32
      %cond3A_245 = arith.constant 0 : i32
      %cond3A_246 = arith.cmpi ne, %convert_element_type3A_244, %cond3A_245 : i32
      scf.if %cond3A_246 {
        %ge3A_417 = arith.constant 1 : i32
        %ge3A_418 = arith.cmpi sge, %scan3A_227, %ge3A_417 : i32
        %convert_element_type3A_419 = arith.extui %ge3A_418 : i1 to i32
        %cond3A_420 = arith.constant 0 : i32
        %cond3A_421 = arith.cmpi ne, %convert_element_type3A_419, %cond3A_420 : i32
        scf.if %cond3A_421 {
          %eq3A_445 = arith.constant 0 : i32
          %eq3A_446 = arith.cmpi eq, %rem3A_237, %eq3A_445 : i32
          %select_n3A_447 = arith.select %eq3A_446, %sub3A_240, %rem3A_239 : i32
          %sub3A_448 = arith.constant 1 : i32
          %sub3A_449 = arith.subi %rem3A_237, %sub3A_448 : i32
          %add3A_450 = arith.constant 25 : i32
          %add3A_451 = arith.addi %sub3A_449, %add3A_450 : i32
          %rem3A_452 = arith.constant 25 : i32
          %rem3A_453 = arith.remsi %add3A_451, %rem3A_452 : i32
          %mul3A_454 = arith.constant 80 : i32
          %mul3A_455 = arith.muli %rem3A_234, %mul3A_454 : i32
          %dma_wait3A_456 = arith.constant 1 : i32
          %dma_wait3A_457 = arith.constant 0 : i32
          %dma_wait3A_458 = tpu.memref_slice %arg19[%mul3A_455, %dma_wait3A_457] : memref<160x128xf32, #tpu.memory_space<vmem>> -> memref<80x128xf32, #tpu.memory_space<vmem>>
          %dma_wait3A_459 = arith.constant 0 : i32
          %dma_wait3A_460 = tpu.memref_slice %arg18[%select_n3A_447, %rem3A_453, %dma_wait3A_456, %dma_wait3A_459] : memref<2x25x2x80xi32, #tpu.memory_space<vmem>> -> memref<1x1x1x80xi32, #tpu.memory_space<vmem>>
          %dma_wait3A_461 = tpu.memref_squeeze %dma_wait3A_460 : memref<1x1x1x80xi32, #tpu.memory_space<vmem>> -> memref<80xi32, #tpu.memory_space<vmem>>
          %dma_wait3A_462 = arith.constant 0 : i32
          %dma_wait3A_463 = arith.constant 0 : i32
          %dma_wait3A_464 = tpu.memref_slice %arg14[%dma_wait3A_462, %dma_wait3A_463] : memref<10000x128xf32, #tpu.memory_space<vmem_shared>> -> memref<10000x128xf32, #tpu.memory_space<vmem_shared>>
          tpu.wait_indirect_dma semaphore(%arg25 : memref<!tpu.dma_semaphore, #tpu.memory_space<semaphore_mem>>) src(%dma_wait3A_458 : memref<80x128xf32, #tpu.memory_space<vmem>>) dst(%dma_wait3A_464 : memref<10000x128xf32, #tpu.memory_space<vmem_shared>>)
        } else {
        }
        %eq3A_422 = arith.constant 24 : i32
        %eq3A_423 = arith.cmpi eq, %rem3A_237, %eq3A_422 : i32
        %convert_element_type3A_424 = arith.extui %eq3A_423 : i1 to i32
        %cond3A_425 = arith.constant 0 : i32
        %cond3A_426 = arith.cmpi ne, %convert_element_type3A_424, %cond3A_425 : i32
        scf.if %cond3A_426 {
          %add3A_445 = arith.constant 1 : i32
          %add3A_446 = arith.addi %div3A_235, %add3A_445 : i32
          %mul3A_447 = arith.constant 25 : i32
          %mul3A_448 = arith.muli %add3A_446, %mul3A_447 : i32
          %dma_wait3A_449 = arith.constant 0 : i32
          %dma_wait3A_450 = arith.constant 0 : i32
          %dma_wait3A_451 = arith.constant 0 : i32
          %dma_wait3A_452 = tpu.memref_slice %arg18[%sub3A_240, %dma_wait3A_449, %dma_wait3A_450, %dma_wait3A_451] : memref<2x25x2x80xi32, #tpu.memory_space<vmem>> -> memref<1x25x2x80xi32, #tpu.memory_space<vmem>>
          %dma_wait3A_453 = tpu.memref_squeeze %dma_wait3A_452 : memref<1x25x2x80xi32, #tpu.memory_space<vmem>> -> memref<25x2x80xi32, #tpu.memory_space<vmem>>
          %dma_wait3A_454 = arith.constant 0 : i32
          %dma_wait3A_455 = arith.constant 0 : i32
          %dma_wait3A_456 = tpu.memref_slice %arg5[%add3A, %mul3A_448, %dma_wait3A_454, %dma_wait3A_455] : memref<32x125x2x80xi32, #tpu.memory_space<hbm>> -> memref<1x25x2x80xi32, #tpu.memory_space<hbm>>
          %dma_wait3A_457 = tpu.memref_squeeze %dma_wait3A_456 : memref<1x25x2x80xi32, #tpu.memory_space<hbm>> -> memref<25x2x80xi32, #tpu.memory_space<hbm>>
          %dma_wait3A_458 = arith.constant 0 : i32
          %dma_wait3A_459 = arith.constant 0 : i32
          %dma_wait3A_460 = arith.constant 0 : i32
          %dma_wait3A_461 = tpu.memref_slice %arg18[%sub3A_240, %dma_wait3A_458, %dma_wait3A_459, %dma_wait3A_460] : memref<2x25x2x80xi32, #tpu.memory_space<vmem>> -> memref<1x25x2x80xi32, #tpu.memory_space<vmem>>
          %dma_wait3A_462 = tpu.memref_squeeze %dma_wait3A_461 : memref<1x25x2x80xi32, #tpu.memory_space<vmem>> -> memref<25x2x80xi32, #tpu.memory_space<vmem>>
          %dma_wait3A_463 = arith.constant 0 : i32
          %dma_wait3A_464 = arith.constant 0 : i32
          %dma_wait3A_465 = tpu.memref_slice %arg5[%add3A, %mul3A_448, %dma_wait3A_463, %dma_wait3A_464] : memref<32x125x2x80xi32, #tpu.memory_space<hbm>> -> memref<1x25x2x80xi32, #tpu.memory_space<hbm>>
          %dma_wait3A_466 = tpu.memref_squeeze %dma_wait3A_465 : memref<1x25x2x80xi32, #tpu.memory_space<hbm>> -> memref<25x2x80xi32, #tpu.memory_space<hbm>>
          tpu.wait_dma2 semaphore(%arg23 : memref<!tpu.dma_semaphore, #tpu.memory_space<semaphore_mem>>) src(%dma_wait3A_466 : memref<25x2x80xi32, #tpu.memory_space<hbm>>) dst(%dma_wait3A_462 : memref<25x2x80xi32, #tpu.memory_space<vmem>>)
        } else {
        }
        %eq3A_427 = arith.constant 24 : i32
        %eq3A_428 = arith.cmpi eq, %rem3A_237, %eq3A_427 : i32
        %select_n3A_429 = arith.select %eq3A_428, %sub3A_240, %rem3A_239 : i32
        %add3A_430 = arith.constant 1 : i32
        %add3A_431 = arith.addi %rem3A_237, %add3A_430 : i32
        %rem3A_432 = arith.constant 25 : i32
        %rem3A_433 = arith.remsi %add3A_431, %rem3A_432 : i32
        %mul3A_434 = arith.constant 80 : i32
        %mul3A_435 = arith.muli %rem3A_234, %mul3A_434 : i32
        %dma_start3A_436 = arith.constant 0 : i32
        %dma_start3A_437 = arith.constant 0 : i32
        %dma_start3A_438 = tpu.memref_slice %arg19[%mul3A_435, %dma_start3A_437] : memref<160x128xf32, #tpu.memory_space<vmem>> -> memref<80x128xf32, #tpu.memory_space<vmem>>
        %dma_start3A_439 = arith.constant 0 : i32
        %dma_start3A_440 = tpu.memref_slice %arg18[%select_n3A_429, %rem3A_433, %dma_start3A_436, %dma_start3A_439] : memref<2x25x2x80xi32, #tpu.memory_space<vmem>> -> memref<1x1x1x80xi32, #tpu.memory_space<vmem>>
        %dma_start3A_441 = tpu.memref_squeeze %dma_start3A_440 : memref<1x1x1x80xi32, #tpu.memory_space<vmem>> -> memref<80xi32, #tpu.memory_space<vmem>>
        %dma_start3A_442 = arith.constant 0 : i32
        %dma_start3A_443 = arith.constant 0 : i32
        %dma_start3A_444 = tpu.memref_slice %arg2[%dma_start3A_442, %dma_start3A_443] : memref<10000x128xf32, #tpu.memory_space<hbm>> -> memref<10000x128xf32, #tpu.memory_space<hbm>>
        tpu.enqueue_indirect_dma source(%dma_start3A_444 : memref<10000x128xf32, #tpu.memory_space<hbm>>) target(%dma_start3A_438 : memref<80x128xf32, #tpu.memory_space<vmem>>) offsets(%dma_start3A_441 : memref<80xi32, #tpu.memory_space<vmem>>) semaphore(%arg22 : memref<!tpu.dma_semaphore, #tpu.memory_space<semaphore_mem>>)
      } else {
      }
      %dma_wait3A_247 = arith.constant 0 : i32
      %dma_wait3A_248 = arith.constant 0 : i32
      %dma_wait3A_249 = tpu.memref_slice %arg19[%mul3A_230, %dma_wait3A_248] : memref<160x128xf32, #tpu.memory_space<vmem>> -> memref<80x128xf32, #tpu.memory_space<vmem>>
      %dma_wait3A_250 = arith.constant 0 : i32
      %dma_wait3A_251 = tpu.memref_slice %arg18[%rem3A_239, %rem3A_237, %dma_wait3A_247, %dma_wait3A_250] : memref<2x25x2x80xi32, #tpu.memory_space<vmem>> -> memref<1x1x1x80xi32, #tpu.memory_space<vmem>>
      %dma_wait3A_252 = tpu.memref_squeeze %dma_wait3A_251 : memref<1x1x1x80xi32, #tpu.memory_space<vmem>> -> memref<80xi32, #tpu.memory_space<vmem>>
      %dma_wait3A_253 = arith.constant 0 : i32
      %dma_wait3A_254 = arith.constant 0 : i32
      %dma_wait3A_255 = tpu.memref_slice %arg2[%dma_wait3A_253, %dma_wait3A_254] : memref<10000x128xf32, #tpu.memory_space<hbm>> -> memref<10000x128xf32, #tpu.memory_space<hbm>>
      tpu.wait_indirect_dma semaphore(%arg22 : memref<!tpu.dma_semaphore, #tpu.memory_space<semaphore_mem>>) src(%dma_wait3A_255 : memref<10000x128xf32, #tpu.memory_space<hbm>>) dst(%dma_wait3A_249 : memref<80x128xf32, #tpu.memory_space<vmem>>)
      %ge3A = arith.constant 2 : i32
      %ge3A_256 = arith.cmpi sge, %scan3A_227, %ge3A : i32
      %convert_element_type3A_257 = arith.extui %ge3A_256 : i1 to i32
      %cond3A_258 = arith.constant 0 : i32
      %cond3A_259 = arith.cmpi ne, %convert_element_type3A_257, %cond3A_258 : i32
      scf.if %cond3A_259 {
        %le3A = arith.constant 1 : i32
        %le3A_417 = arith.cmpi sle, %rem3A_237, %le3A : i32
        %select_n3A_418 = arith.select %le3A_417, %sub3A_240, %rem3A_239 : i32
        %sub3A_419 = arith.constant 2 : i32
        %sub3A_420 = arith.subi %rem3A_237, %sub3A_419 : i32
        %add3A_421 = arith.constant 25 : i32
        %add3A_422 = arith.addi %sub3A_420, %add3A_421 : i32
        %rem3A_423 = arith.constant 25 : i32
        %rem3A_424 = arith.remsi %add3A_422, %rem3A_423 : i32
        %dma_wait3A_425 = arith.constant 1 : i32
        %dma_wait3A_426 = arith.constant 0 : i32
        %dma_wait3A_427 = tpu.memref_slice %arg20[%rem3A_228, %dma_wait3A_426] : memref<2x80xf32, #tpu.memory_space<vmem>> -> memref<1x80xf32, #tpu.memory_space<vmem>>
        %dma_wait3A_428 = tpu.memref_squeeze %dma_wait3A_427 : memref<1x80xf32, #tpu.memory_space<vmem>> -> memref<80xf32, #tpu.memory_space<vmem>>
        %dma_wait3A_429 = arith.constant 0 : i32
        %dma_wait3A_430 = tpu.memref_slice %arg18[%select_n3A_418, %rem3A_424, %dma_wait3A_425, %dma_wait3A_429] : memref<2x25x2x80xi32, #tpu.memory_space<vmem>> -> memref<1x1x1x80xi32, #tpu.memory_space<vmem>>
        %dma_wait3A_431 = tpu.memref_squeeze %dma_wait3A_430 : memref<1x1x1x80xi32, #tpu.memory_space<vmem>> -> memref<80xi32, #tpu.memory_space<vmem>>
        %dma_wait3A_432 = arith.constant 0 : i32
        %dma_wait3A_433 = tpu.memref_slice %arg15[%dma_wait3A_432] : memref<10240xf32, #tpu.memory_space<vmem_shared>> -> memref<10240xf32, #tpu.memory_space<vmem_shared>>
        tpu.wait_indirect_dma semaphore(%arg24 : memref<!tpu.dma_semaphore, #tpu.memory_space<semaphore_mem>>) src(%dma_wait3A_428 : memref<80xf32, #tpu.memory_space<vmem>>) dst(%dma_wait3A_433 : memref<10240xf32, #tpu.memory_space<vmem_shared>>)
      } else {
      }
      %eq3A_260 = arith.constant 2 : i32
      %eq3A_261 = arith.cmpi eq, %rem3A_237, %eq3A_260 : i32
      %add3A_262 = arith.constant 1 : i32
      %add3A_263 = arith.addi %div3A_235, %add3A_262 : i32
      %lt3A_264 = arith.constant 5 : i32
      %lt3A_265 = arith.cmpi slt, %add3A_263, %lt3A_264 : i32
      %and3A = arith.andi %eq3A_261, %lt3A_265 : i1
      %ge3A_266 = arith.constant 1 : i32
      %ge3A_267 = arith.cmpi sge, %div3A_235, %ge3A_266 : i32
      %and3A_268 = arith.andi %and3A, %ge3A_267 : i1
      %convert_element_type3A_269 = arith.extui %and3A_268 : i1 to i32
      %cond3A_270 = arith.constant 0 : i32
      %cond3A_271 = arith.cmpi ne, %convert_element_type3A_269, %cond3A_270 : i32
      scf.if %cond3A_271 {
        %add3A_417 = arith.constant 1 : i32
        %add3A_418 = arith.addi %div3A_235, %add3A_417 : i32
        %mul3A_419 = arith.constant 25 : i32
        %mul3A_420 = arith.muli %add3A_418, %mul3A_419 : i32
        %dma_start3A_421 = arith.constant 0 : i32
        %dma_start3A_422 = arith.constant 0 : i32
        %dma_start3A_423 = arith.constant 0 : i32
        %dma_start3A_424 = tpu.memref_slice %arg18[%sub3A_240, %dma_start3A_421, %dma_start3A_422, %dma_start3A_423] : memref<2x25x2x80xi32, #tpu.memory_space<vmem>> -> memref<1x25x2x80xi32, #tpu.memory_space<vmem>>
        %dma_start3A_425 = tpu.memref_squeeze %dma_start3A_424 : memref<1x25x2x80xi32, #tpu.memory_space<vmem>> -> memref<25x2x80xi32, #tpu.memory_space<vmem>>
        %dma_start3A_426 = arith.constant 0 : i32
        %dma_start3A_427 = arith.constant 0 : i32
        %dma_start3A_428 = tpu.memref_slice %arg5[%add3A, %mul3A_420, %dma_start3A_426, %dma_start3A_427] : memref<32x125x2x80xi32, #tpu.memory_space<hbm>> -> memref<1x25x2x80xi32, #tpu.memory_space<hbm>>
        %dma_start3A_429 = tpu.memref_squeeze %dma_start3A_428 : memref<1x25x2x80xi32, #tpu.memory_space<hbm>> -> memref<25x2x80xi32, #tpu.memory_space<hbm>>
        %dma_start3A_430 = arith.constant 0 : i32
        %dma_start3A_431 = arith.constant 0 : i32
        %dma_start3A_432 = arith.constant 0 : i32
        %dma_start3A_433 = tpu.memref_slice %arg18[%sub3A_240, %dma_start3A_430, %dma_start3A_431, %dma_start3A_432] : memref<2x25x2x80xi32, #tpu.memory_space<vmem>> -> memref<1x25x2x80xi32, #tpu.memory_space<vmem>>
        %dma_start3A_434 = tpu.memref_squeeze %dma_start3A_433 : memref<1x25x2x80xi32, #tpu.memory_space<vmem>> -> memref<25x2x80xi32, #tpu.memory_space<vmem>>
        %dma_start3A_435 = arith.constant 0 : i32
        %dma_start3A_436 = arith.constant 0 : i32
        %dma_start3A_437 = tpu.memref_slice %arg5[%add3A, %mul3A_420, %dma_start3A_435, %dma_start3A_436] : memref<32x125x2x80xi32, #tpu.memory_space<hbm>> -> memref<1x25x2x80xi32, #tpu.memory_space<hbm>>
        %dma_start3A_438 = tpu.memref_squeeze %dma_start3A_437 : memref<1x25x2x80xi32, #tpu.memory_space<hbm>> -> memref<25x2x80xi32, #tpu.memory_space<hbm>>
        tpu.enqueue_dma source(%dma_start3A_438 : memref<25x2x80xi32, #tpu.memory_space<hbm>>) target(%dma_start3A_434 : memref<25x2x80xi32, #tpu.memory_space<vmem>>) target_semaphore(%arg23 : memref<!tpu.dma_semaphore, #tpu.memory_space<semaphore_mem>>)
      } else {
      }
      %get3A = arith.constant 0 : i32
      %get3A_272 = arith.index_cast %rem3A_239 : i32 to index
      %get3A_273 = arith.index_cast %rem3A_237 : i32 to index
      %get3A_274 = arith.index_cast %get3A : i32 to index
      %get3A_275 = arith.constant 0 : index
      %get3A_276 = tpu.vector_load %arg18[%get3A_272, %get3A_273, %get3A_274, %get3A_275] {strides = array<i32>} : memref<2x25x2x80xi32, #tpu.memory_space<vmem>>, vector<16xi32>,
      %get3A_277 = arith.constant 1 : i32
      %get3A_278 = arith.index_cast %rem3A_239 : i32 to index
      %get3A_279 = arith.index_cast %rem3A_237 : i32 to index
      %get3A_280 = arith.index_cast %get3A_277 : i32 to index
      %get3A_281 = arith.constant 0 : index
      %get3A_282 = tpu.vector_load %arg18[%get3A_278, %get3A_279, %get3A_280, %get3A_281] {strides = array<i32>} : memref<2x25x2x80xi32, #tpu.memory_space<vmem>>, vector<16xi32>,
      %gather3A = tpu.vector_load_idx %arg16[%get3A_276] : memref<10000xf32, #tpu.memory_space<vmem>>[vector<16xi32>], vector<16xf32>,
      %gather3A_283 = tpu.vector_load_idx %arg17[%get3A_282] : memref<10000xf32, #tpu.memory_space<vmem>>[vector<16xi32>], vector<16xf32>,
      %add3A_284 = arith.addf %gather3A, %gather3A_283 : vector<16xf32>
      %gt3A = arith.constant 0.000000e+00 : f32
      %gt3A_285 = vector.broadcast %gt3A : f32 to vector<16xf32>
      %gt3A_286 = arith.cmpf ogt, %add3A_284, %gt3A_285 : vector<16xf32>
      %mul3A_287 = arith.constant 2.000000e-01 : f32
      %mul3A_288 = vector.broadcast %mul3A_287 : f32 to vector<16xf32>
      %mul3A_289 = arith.mulf %mul3A_288, %add3A_284 : vector<16xf32>
      %select_n3A = arith.select %gt3A_286, %add3A_284, %mul3A_289 : vector<16xi1>, vector<16xf32>
      %exp3A = math.exp %select_n3A : vector<16xf32>
      %swap3A = arith.index_cast %rem3A_228 : i32 to index
      %swap3A_290 = arith.constant 0 : index
      %swap3A_291 = tpu.vector_load %arg20[%swap3A, %swap3A_290] {strides = array<i32>} : memref<2x80xf32, #tpu.memory_space<vmem>>, vector<16xf32>,
      tpu.vector_store %arg20[%swap3A, %swap3A_290], %exp3A {strides = array<i32>} : memref<2x80xf32, #tpu.memory_space<vmem>>, vector<16xf32>,
      %get3A_292 = arith.constant 0 : i32
      %get3A_293 = arith.index_cast %rem3A_239 : i32 to index
      %get3A_294 = arith.index_cast %rem3A_237 : i32 to index
      %get3A_295 = arith.index_cast %get3A_292 : i32 to index
      %get3A_296 = arith.constant 16 : index
      %get3A_297 = tpu.vector_load %arg18[%get3A_293, %get3A_294, %get3A_295, %get3A_296] {strides = array<i32>} : memref<2x25x2x80xi32, #tpu.memory_space<vmem>>, vector<16xi32>,
      %get3A_298 = arith.constant 1 : i32
      %get3A_299 = arith.index_cast %rem3A_239 : i32 to index
      %get3A_300 = arith.index_cast %rem3A_237 : i32 to index
      %get3A_301 = arith.index_cast %get3A_298 : i32 to index
      %get3A_302 = arith.constant 16 : index
      %get3A_303 = tpu.vector_load %arg18[%get3A_299, %get3A_300, %get3A_301, %get3A_302] {strides = array<i32>} : memref<2x25x2x80xi32, #tpu.memory_space<vmem>>, vector<16xi32>,
      %gather3A_304 = tpu.vector_load_idx %arg16[%get3A_297] : memref<10000xf32, #tpu.memory_space<vmem>>[vector<16xi32>], vector<16xf32>,
      %gather3A_305 = tpu.vector_load_idx %arg17[%get3A_303] : memref<10000xf32, #tpu.memory_space<vmem>>[vector<16xi32>], vector<16xf32>,
      %add3A_306 = arith.addf %gather3A_304, %gather3A_305 : vector<16xf32>
      %gt3A_307 = arith.constant 0.000000e+00 : f32
      %gt3A_308 = vector.broadcast %gt3A_307 : f32 to vector<16xf32>
      %gt3A_309 = arith.cmpf ogt, %add3A_306, %gt3A_308 : vector<16xf32>
      %mul3A_310 = arith.constant 2.000000e-01 : f32
      %mul3A_311 = vector.broadcast %mul3A_310 : f32 to vector<16xf32>
      %mul3A_312 = arith.mulf %mul3A_311, %add3A_306 : vector<16xf32>
      %select_n3A_313 = arith.select %gt3A_309, %add3A_306, %mul3A_312 : vector<16xi1>, vector<16xf32>
      %exp3A_314 = math.exp %select_n3A_313 : vector<16xf32>
      %swap3A_315 = arith.index_cast %rem3A_228 : i32 to index
      %swap3A_316 = arith.constant 16 : index
      %swap3A_317 = tpu.vector_load %arg20[%swap3A_315, %swap3A_316] {strides = array<i32>} : memref<2x80xf32, #tpu.memory_space<vmem>>, vector<16xf32>,
      tpu.vector_store %arg20[%swap3A_315, %swap3A_316], %exp3A_314 {strides = array<i32>} : memref<2x80xf32, #tpu.memory_space<vmem>>, vector<16xf32>,
      %get3A_318 = arith.constant 0 : i32
      %get3A_319 = arith.index_cast %rem3A_239 : i32 to index
      %get3A_320 = arith.index_cast %rem3A_237 : i32 to index
      %get3A_321 = arith.index_cast %get3A_318 : i32 to index
      %get3A_322 = arith.constant 32 : index
      %get3A_323 = tpu.vector_load %arg18[%get3A_319, %get3A_320, %get3A_321, %get3A_322] {strides = array<i32>} : memref<2x25x2x80xi32, #tpu.memory_space<vmem>>, vector<16xi32>,
      %get3A_324 = arith.constant 1 : i32
      %get3A_325 = arith.index_cast %rem3A_239 : i32 to index
      %get3A_326 = arith.index_cast %rem3A_237 : i32 to index
      %get3A_327 = arith.index_cast %get3A_324 : i32 to index
      %get3A_328 = arith.constant 32 : index
      %get3A_329 = tpu.vector_load %arg18[%get3A_325, %get3A_326, %get3A_327, %get3A_328] {strides = array<i32>} : memref<2x25x2x80xi32, #tpu.memory_space<vmem>>, vector<16xi32>,
      %gather3A_330 = tpu.vector_load_idx %arg16[%get3A_323] : memref<10000xf32, #tpu.memory_space<vmem>>[vector<16xi32>], vector<16xf32>,
      %gather3A_331 = tpu.vector_load_idx %arg17[%get3A_329] : memref<10000xf32, #tpu.memory_space<vmem>>[vector<16xi32>], vector<16xf32>,
      %add3A_332 = arith.addf %gather3A_330, %gather3A_331 : vector<16xf32>
      %gt3A_333 = arith.constant 0.000000e+00 : f32
      %gt3A_334 = vector.broadcast %gt3A_333 : f32 to vector<16xf32>
      %gt3A_335 = arith.cmpf ogt, %add3A_332, %gt3A_334 : vector<16xf32>
      %mul3A_336 = arith.constant 2.000000e-01 : f32
      %mul3A_337 = vector.broadcast %mul3A_336 : f32 to vector<16xf32>
      %mul3A_338 = arith.mulf %mul3A_337, %add3A_332 : vector<16xf32>
      %select_n3A_339 = arith.select %gt3A_335, %add3A_332, %mul3A_338 : vector<16xi1>, vector<16xf32>
      %exp3A_340 = math.exp %select_n3A_339 : vector<16xf32>
      %swap3A_341 = arith.index_cast %rem3A_228 : i32 to index
      %swap3A_342 = arith.constant 32 : index
      %swap3A_343 = tpu.vector_load %arg20[%swap3A_341, %swap3A_342] {strides = array<i32>} : memref<2x80xf32, #tpu.memory_space<vmem>>, vector<16xf32>,
      tpu.vector_store %arg20[%swap3A_341, %swap3A_342], %exp3A_340 {strides = array<i32>} : memref<2x80xf32, #tpu.memory_space<vmem>>, vector<16xf32>,
      %get3A_344 = arith.constant 0 : i32
      %get3A_345 = arith.index_cast %rem3A_239 : i32 to index
      %get3A_346 = arith.index_cast %rem3A_237 : i32 to index
      %get3A_347 = arith.index_cast %get3A_344 : i32 to index
      %get3A_348 = arith.constant 48 : index
      %get3A_349 = tpu.vector_load %arg18[%get3A_345, %get3A_346, %get3A_347, %get3A_348] {strides = array<i32>} : memref<2x25x2x80xi32, #tpu.memory_space<vmem>>, vector<16xi32>,
      %get3A_350 = arith.constant 1 : i32
      %get3A_351 = arith.index_cast %rem3A_239 : i32 to index
      %get3A_352 = arith.index_cast %rem3A_237 : i32 to index
      %get3A_353 = arith.index_cast %get3A_350 : i32 to index
      %get3A_354 = arith.constant 48 : index
      %get3A_355 = tpu.vector_load %arg18[%get3A_351, %get3A_352, %get3A_353, %get3A_354] {strides = array<i32>} : memref<2x25x2x80xi32, #tpu.memory_space<vmem>>, vector<16xi32>,
      %gather3A_356 = tpu.vector_load_idx %arg16[%get3A_349] : memref<10000xf32, #tpu.memory_space<vmem>>[vector<16xi32>], vector<16xf32>,
      %gather3A_357 = tpu.vector_load_idx %arg17[%get3A_355] : memref<10000xf32, #tpu.memory_space<vmem>>[vector<16xi32>], vector<16xf32>,
      %add3A_358 = arith.addf %gather3A_356, %gather3A_357 : vector<16xf32>
      %gt3A_359 = arith.constant 0.000000e+00 : f32
      %gt3A_360 = vector.broadcast %gt3A_359 : f32 to vector<16xf32>
      %gt3A_361 = arith.cmpf ogt, %add3A_358, %gt3A_360 : vector<16xf32>
      %mul3A_362 = arith.constant 2.000000e-01 : f32
      %mul3A_363 = vector.broadcast %mul3A_362 : f32 to vector<16xf32>
      %mul3A_364 = arith.mulf %mul3A_363, %add3A_358 : vector<16xf32>
      %select_n3A_365 = arith.select %gt3A_361, %add3A_358, %mul3A_364 : vector<16xi1>, vector<16xf32>
      %exp3A_366 = math.exp %select_n3A_365 : vector<16xf32>
      %swap3A_367 = arith.index_cast %rem3A_228 : i32 to index
      %swap3A_368 = arith.constant 48 : index
      %swap3A_369 = tpu.vector_load %arg20[%swap3A_367, %swap3A_368] {strides = array<i32>} : memref<2x80xf32, #tpu.memory_space<vmem>>, vector<16xf32>,
      tpu.vector_store %arg20[%swap3A_367, %swap3A_368], %exp3A_366 {strides = array<i32>} : memref<2x80xf32, #tpu.memory_space<vmem>>, vector<16xf32>,
      %get3A_370 = arith.constant 0 : i32
      %get3A_371 = arith.index_cast %rem3A_239 : i32 to index
      %get3A_372 = arith.index_cast %rem3A_237 : i32 to index
      %get3A_373 = arith.index_cast %get3A_370 : i32 to index
      %get3A_374 = arith.constant 64 : index
      %get3A_375 = tpu.vector_load %arg18[%get3A_371, %get3A_372, %get3A_373, %get3A_374] {strides = array<i32>} : memref<2x25x2x80xi32, #tpu.memory_space<vmem>>, vector<16xi32>,
      %get3A_376 = arith.constant 1 : i32
      %get3A_377 = arith.index_cast %rem3A_239 : i32 to index
      %get3A_378 = arith.index_cast %rem3A_237 : i32 to index
      %get3A_379 = arith.index_cast %get3A_376 : i32 to index
      %get3A_380 = arith.constant 64 : index
      %get3A_381 = tpu.vector_load %arg18[%get3A_377, %get3A_378, %get3A_379, %get3A_380] {strides = array<i32>} : memref<2x25x2x80xi32, #tpu.memory_space<vmem>>, vector<16xi32>,
      %gather3A_382 = tpu.vector_load_idx %arg16[%get3A_375] : memref<10000xf32, #tpu.memory_space<vmem>>[vector<16xi32>], vector<16xf32>,
      %gather3A_383 = tpu.vector_load_idx %arg17[%get3A_381] : memref<10000xf32, #tpu.memory_space<vmem>>[vector<16xi32>], vector<16xf32>,
      %add3A_384 = arith.addf %gather3A_382, %gather3A_383 : vector<16xf32>
      %gt3A_385 = arith.constant 0.000000e+00 : f32
      %gt3A_386 = vector.broadcast %gt3A_385 : f32 to vector<16xf32>
      %gt3A_387 = arith.cmpf ogt, %add3A_384, %gt3A_386 : vector<16xf32>
      %mul3A_388 = arith.constant 2.000000e-01 : f32
      %mul3A_389 = vector.broadcast %mul3A_388 : f32 to vector<16xf32>
      %mul3A_390 = arith.mulf %mul3A_389, %add3A_384 : vector<16xf32>
      %select_n3A_391 = arith.select %gt3A_387, %add3A_384, %mul3A_390 : vector<16xi1>, vector<16xf32>
      %exp3A_392 = math.exp %select_n3A_391 : vector<16xf32>
      %swap3A_393 = arith.index_cast %rem3A_228 : i32 to index
      %swap3A_394 = arith.constant 64 : index
      %swap3A_395 = tpu.vector_load %arg20[%swap3A_393, %swap3A_394] {strides = array<i32>} : memref<2x80xf32, #tpu.memory_space<vmem>>, vector<16xf32>,
      tpu.vector_store %arg20[%swap3A_393, %swap3A_394], %exp3A_392 {strides = array<i32>} : memref<2x80xf32, #tpu.memory_space<vmem>>, vector<16xf32>,
      %dma_start3A_396 = arith.constant 1 : i32
      %dma_start3A_397 = arith.constant 0 : i32
      %dma_start3A_398 = tpu.memref_slice %arg20[%rem3A_228, %dma_start3A_397] : memref<2x80xf32, #tpu.memory_space<vmem>> -> memref<1x80xf32, #tpu.memory_space<vmem>>
      %dma_start3A_399 = tpu.memref_squeeze %dma_start3A_398 : memref<1x80xf32, #tpu.memory_space<vmem>> -> memref<80xf32, #tpu.memory_space<vmem>>
      %dma_start3A_400 = arith.constant 0 : i32
      %dma_start3A_401 = tpu.memref_slice %arg18[%rem3A_239, %rem3A_237, %dma_start3A_396, %dma_start3A_400] : memref<2x25x2x80xi32, #tpu.memory_space<vmem>> -> memref<1x1x1x80xi32, #tpu.memory_space<vmem>>
      %dma_start3A_402 = tpu.memref_squeeze %dma_start3A_401 : memref<1x1x1x80xi32, #tpu.memory_space<vmem>> -> memref<80xi32, #tpu.memory_space<vmem>>
      %dma_start3A_403 = arith.constant 0 : i32
      %dma_start3A_404 = tpu.memref_slice %arg15[%dma_start3A_403] : memref<10240xf32, #tpu.memory_space<vmem_shared>> -> memref<10240xf32, #tpu.memory_space<vmem_shared>>
      tpu.enqueue_indirect_dma source(%dma_start3A_399 : memref<80xf32, #tpu.memory_space<vmem>>) target(%dma_start3A_404 : memref<10240xf32, #tpu.memory_space<vmem_shared>>) offsets(%dma_start3A_402 : memref<80xi32, #tpu.memory_space<vmem>>) semaphore(%arg24 : memref<!tpu.dma_semaphore, #tpu.memory_space<semaphore_mem>>) {add = true}
      %parallel_loop3A_405 = arith.constant 0 : i32
      %parallel_loop3A_406 = arith.constant 80 : i32
      %parallel_loop3A_407 = arith.constant 1 : i32
      scf.for %parallel_loop3A_417 = %parallel_loop3A_405 to %parallel_loop3A_406 step %parallel_loop3A_407  : i32 {
        %parallel_loop3A_418 = vector.broadcast %rem3A_228 : i32 to vector<16xi32>
        %parallel_loop3A_419 = vector.broadcast %parallel_loop3A_417 : i32 to vector<16xi32>
        %parallel_loop3A_420 = tpu.vector_load_idx %arg20[%parallel_loop3A_418, %parallel_loop3A_419] : memref<2x80xf32, #tpu.memory_space<vmem>>[vector<16xi32>, vector<16xi32>], vector<16xf32>,
        %parallel_loop3A_421 = arith.addi %mul3A_230, %parallel_loop3A_417 : i32
        %parallel_loop3A_422 = arith.index_cast %parallel_loop3A_421 : i32 to index
        %parallel_loop3A_423 = arith.constant 0 : index
        %parallel_loop3A_424 = tpu.vector_load %arg19[%parallel_loop3A_422, %parallel_loop3A_423] {strides = array<i32>} : memref<160x128xf32, #tpu.memory_space<vmem>>, vector<16xf32>,
        %parallel_loop3A_425 = arith.mulf %parallel_loop3A_424, %parallel_loop3A_420 : vector<16xf32>
        %parallel_loop3A_426 = arith.addi %mul3A_230, %parallel_loop3A_417 : i32
        %parallel_loop3A_427 = arith.index_cast %parallel_loop3A_426 : i32 to index
        %parallel_loop3A_428 = arith.constant 0 : index
        %parallel_loop3A_429 = tpu.vector_load %arg19[%parallel_loop3A_427, %parallel_loop3A_428] {strides = array<i32>} : memref<160x128xf32, #tpu.memory_space<vmem>>, vector<16xf32>,
        tpu.vector_store %arg19[%parallel_loop3A_427, %parallel_loop3A_428], %parallel_loop3A_425 {strides = array<i32>} : memref<160x128xf32, #tpu.memory_space<vmem>>, vector<16xf32>,
        %parallel_loop3A_430 = arith.addi %mul3A_230, %parallel_loop3A_417 : i32
        %parallel_loop3A_431 = arith.index_cast %parallel_loop3A_430 : i32 to index
        %parallel_loop3A_432 = arith.constant 16 : index
        %parallel_loop3A_433 = tpu.vector_load %arg19[%parallel_loop3A_431, %parallel_loop3A_432] {strides = array<i32>} : memref<160x128xf32, #tpu.memory_space<vmem>>, vector<16xf32>,
        %parallel_loop3A_434 = arith.mulf %parallel_loop3A_433, %parallel_loop3A_420 : vector<16xf32>
        %parallel_loop3A_435 = arith.addi %mul3A_230, %parallel_loop3A_417 : i32
        %parallel_loop3A_436 = arith.index_cast %parallel_loop3A_435 : i32 to index
        %parallel_loop3A_437 = arith.constant 16 : index
        %parallel_loop3A_438 = tpu.vector_load %arg19[%parallel_loop3A_436, %parallel_loop3A_437] {strides = array<i32>} : memref<160x128xf32, #tpu.memory_space<vmem>>, vector<16xf32>,
        tpu.vector_store %arg19[%parallel_loop3A_436, %parallel_loop3A_437], %parallel_loop3A_434 {strides = array<i32>} : memref<160x128xf32, #tpu.memory_space<vmem>>, vector<16xf32>,
        %parallel_loop3A_439 = arith.addi %mul3A_230, %parallel_loop3A_417 : i32
        %parallel_loop3A_440 = arith.index_cast %parallel_loop3A_439 : i32 to index
        %parallel_loop3A_441 = arith.constant 32 : index
        %parallel_loop3A_442 = tpu.vector_load %arg19[%parallel_loop3A_440, %parallel_loop3A_441] {strides = array<i32>} : memref<160x128xf32, #tpu.memory_space<vmem>>, vector<16xf32>,
        %parallel_loop3A_443 = arith.mulf %parallel_loop3A_442, %parallel_loop3A_420 : vector<16xf32>
        %parallel_loop3A_444 = arith.addi %mul3A_230, %parallel_loop3A_417 : i32
        %parallel_loop3A_445 = arith.index_cast %parallel_loop3A_444 : i32 to index
        %parallel_loop3A_446 = arith.constant 32 : index
        %parallel_loop3A_447 = tpu.vector_load %arg19[%parallel_loop3A_445, %parallel_loop3A_446] {strides = array<i32>} : memref<160x128xf32, #tpu.memory_space<vmem>>, vector<16xf32>,
        tpu.vector_store %arg19[%parallel_loop3A_445, %parallel_loop3A_446], %parallel_loop3A_443 {strides = array<i32>} : memref<160x128xf32, #tpu.memory_space<vmem>>, vector<16xf32>,
        %parallel_loop3A_448 = arith.addi %mul3A_230, %parallel_loop3A_417 : i32
        %parallel_loop3A_449 = arith.index_cast %parallel_loop3A_448 : i32 to index
        %parallel_loop3A_450 = arith.constant 48 : index
        %parallel_loop3A_451 = tpu.vector_load %arg19[%parallel_loop3A_449, %parallel_loop3A_450] {strides = array<i32>} : memref<160x128xf32, #tpu.memory_space<vmem>>, vector<16xf32>,
        %parallel_loop3A_452 = arith.mulf %parallel_loop3A_451, %parallel_loop3A_420 : vector<16xf32>
        %parallel_loop3A_453 = arith.addi %mul3A_230, %parallel_loop3A_417 : i32
        %parallel_loop3A_454 = arith.index_cast %parallel_loop3A_453 : i32 to index
        %parallel_loop3A_455 = arith.constant 48 : index
        %parallel_loop3A_456 = tpu.vector_load %arg19[%parallel_loop3A_454, %parallel_loop3A_455] {strides = array<i32>} : memref<160x128xf32, #tpu.memory_space<vmem>>, vector<16xf32>,
        tpu.vector_store %arg19[%parallel_loop3A_454, %parallel_loop3A_455], %parallel_loop3A_452 {strides = array<i32>} : memref<160x128xf32, #tpu.memory_space<vmem>>, vector<16xf32>,
        %parallel_loop3A_457 = arith.addi %mul3A_230, %parallel_loop3A_417 : i32
        %parallel_loop3A_458 = arith.index_cast %parallel_loop3A_457 : i32 to index
        %parallel_loop3A_459 = arith.constant 64 : index
        %parallel_loop3A_460 = tpu.vector_load %arg19[%parallel_loop3A_458, %parallel_loop3A_459] {strides = array<i32>} : memref<160x128xf32, #tpu.memory_space<vmem>>, vector<16xf32>,
        %parallel_loop3A_461 = arith.mulf %parallel_loop3A_460, %parallel_loop3A_420 : vector<16xf32>
        %parallel_loop3A_462 = arith.addi %mul3A_230, %parallel_loop3A_417 : i32
        %parallel_loop3A_463 = arith.index_cast %parallel_loop3A_462 : i32 to index
        %parallel_loop3A_464 = arith.constant 64 : index
        %parallel_loop3A_465 = tpu.vector_load %arg19[%parallel_loop3A_463, %parallel_loop3A_464] {strides = array<i32>} : memref<160x128xf32, #tpu.memory_space<vmem>>, vector<16xf32>,
        tpu.vector_store %arg19[%parallel_loop3A_463, %parallel_loop3A_464], %parallel_loop3A_461 {strides = array<i32>} : memref<160x128xf32, #tpu.memory_space<vmem>>, vector<16xf32>,
        %parallel_loop3A_466 = arith.addi %mul3A_230, %parallel_loop3A_417 : i32
        %parallel_loop3A_467 = arith.index_cast %parallel_loop3A_466 : i32 to index
        %parallel_loop3A_468 = arith.constant 80 : index
        %parallel_loop3A_469 = tpu.vector_load %arg19[%parallel_loop3A_467, %parallel_loop3A_468] {strides = array<i32>} : memref<160x128xf32, #tpu.memory_space<vmem>>, vector<16xf32>,
        %parallel_loop3A_470 = arith.mulf %parallel_loop3A_469, %parallel_loop3A_420 : vector<16xf32>
        %parallel_loop3A_471 = arith.addi %mul3A_230, %parallel_loop3A_417 : i32
        %parallel_loop3A_472 = arith.index_cast %parallel_loop3A_471 : i32 to index
        %parallel_loop3A_473 = arith.constant 80 : index
        %parallel_loop3A_474 = tpu.vector_load %arg19[%parallel_loop3A_472, %parallel_loop3A_473] {strides = array<i32>} : memref<160x128xf32, #tpu.memory_space<vmem>>, vector<16xf32>,
        tpu.vector_store %arg19[%parallel_loop3A_472, %parallel_loop3A_473], %parallel_loop3A_470 {strides = array<i32>} : memref<160x128xf32, #tpu.memory_space<vmem>>, vector<16xf32>,
        %parallel_loop3A_475 = arith.addi %mul3A_230, %parallel_loop3A_417 : i32
        %parallel_loop3A_476 = arith.index_cast %parallel_loop3A_475 : i32 to index
        %parallel_loop3A_477 = arith.constant 96 : index
        %parallel_loop3A_478 = tpu.vector_load %arg19[%parallel_loop3A_476, %parallel_loop3A_477] {strides = array<i32>} : memref<160x128xf32, #tpu.memory_space<vmem>>, vector<16xf32>,
        %parallel_loop3A_479 = arith.mulf %parallel_loop3A_478, %parallel_loop3A_420 : vector<16xf32>
        %parallel_loop3A_480 = arith.addi %mul3A_230, %parallel_loop3A_417 : i32
        %parallel_loop3A_481 = arith.index_cast %parallel_loop3A_480 : i32 to index
        %parallel_loop3A_482 = arith.constant 96 : index
        %parallel_loop3A_483 = tpu.vector_load %arg19[%parallel_loop3A_481, %parallel_loop3A_482] {strides = array<i32>} : memref<160x128xf32, #tpu.memory_space<vmem>>, vector<16xf32>,
        tpu.vector_store %arg19[%parallel_loop3A_481, %parallel_loop3A_482], %parallel_loop3A_479 {strides = array<i32>} : memref<160x128xf32, #tpu.memory_space<vmem>>, vector<16xf32>,
        %parallel_loop3A_484 = arith.addi %mul3A_230, %parallel_loop3A_417 : i32
        %parallel_loop3A_485 = arith.index_cast %parallel_loop3A_484 : i32 to index
        %parallel_loop3A_486 = arith.constant 112 : index
        %parallel_loop3A_487 = tpu.vector_load %arg19[%parallel_loop3A_485, %parallel_loop3A_486] {strides = array<i32>} : memref<160x128xf32, #tpu.memory_space<vmem>>, vector<16xf32>,
        %parallel_loop3A_488 = arith.mulf %parallel_loop3A_487, %parallel_loop3A_420 : vector<16xf32>
        %parallel_loop3A_489 = arith.addi %mul3A_230, %parallel_loop3A_417 : i32
        %parallel_loop3A_490 = arith.index_cast %parallel_loop3A_489 : i32 to index
        %parallel_loop3A_491 = arith.constant 112 : index
        %parallel_loop3A_492 = tpu.vector_load %arg19[%parallel_loop3A_490, %parallel_loop3A_491] {strides = array<i32>} : memref<160x128xf32, #tpu.memory_space<vmem>>, vector<16xf32>,
        tpu.vector_store %arg19[%parallel_loop3A_490, %parallel_loop3A_491], %parallel_loop3A_488 {strides = array<i32>} : memref<160x128xf32, #tpu.memory_space<vmem>>, vector<16xf32>,
      } {sc.loop_unroll_factor = 4 : i64, sc.parallel_access}
      %dma_start3A_408 = arith.constant 1 : i32
      %dma_start3A_409 = arith.constant 0 : i32
      %dma_start3A_410 = tpu.memref_slice %arg19[%mul3A_230, %dma_start3A_409] : memref<160x128xf32, #tpu.memory_space<vmem>> -> memref<80x128xf32, #tpu.memory_space<vmem>>
      %dma_start3A_411 = arith.constant 0 : i32
      %dma_start3A_412 = tpu.memref_slice %arg18[%rem3A_239, %rem3A_237, %dma_start3A_408, %dma_start3A_411] : memref<2x25x2x80xi32, #tpu.memory_space<vmem>> -> memref<1x1x1x80xi32, #tpu.memory_space<vmem>>
      %dma_start3A_413 = tpu.memref_squeeze %dma_start3A_412 : memref<1x1x1x80xi32, #tpu.memory_space<vmem>> -> memref<80xi32, #tpu.memory_space<vmem>>
      %dma_start3A_414 = arith.constant 0 : i32
      %dma_start3A_415 = arith.constant 0 : i32
      %dma_start3A_416 = tpu.memref_slice %arg14[%dma_start3A_414, %dma_start3A_415] : memref<10000x128xf32, #tpu.memory_space<vmem_shared>> -> memref<10000x128xf32, #tpu.memory_space<vmem_shared>>
      tpu.enqueue_indirect_dma source(%dma_start3A_410 : memref<80x128xf32, #tpu.memory_space<vmem>>) target(%dma_start3A_416 : memref<10000x128xf32, #tpu.memory_space<vmem_shared>>) offsets(%dma_start3A_413 : memref<80xi32, #tpu.memory_space<vmem>>) semaphore(%arg25 : memref<!tpu.dma_semaphore, #tpu.memory_space<semaphore_mem>>) {add = true}
    }
    %scan3A_58 = arith.constant 125 : i32
    %dma_wait3A = arith.constant 0 : i32
    %dma_wait3A_59 = arith.constant 0 : i32
    %dma_wait3A_60 = arith.constant 24 : i32
    %dma_wait3A_61 = arith.constant 1 : i32
    %dma_wait3A_62 = arith.constant 0 : i32
    %dma_wait3A_63 = tpu.memref_slice %arg20[%dma_wait3A, %dma_wait3A_62] : memref<2x80xf32, #tpu.memory_space<vmem>> -> memref<1x80xf32, #tpu.memory_space<vmem>>
    %dma_wait3A_64 = tpu.memref_squeeze %dma_wait3A_63 : memref<1x80xf32, #tpu.memory_space<vmem>> -> memref<80xf32, #tpu.memory_space<vmem>>
    %dma_wait3A_65 = arith.constant 0 : i32
    %dma_wait3A_66 = tpu.memref_slice %arg18[%dma_wait3A_59, %dma_wait3A_60, %dma_wait3A_61, %dma_wait3A_65] : memref<2x25x2x80xi32, #tpu.memory_space<vmem>> -> memref<1x1x1x80xi32, #tpu.memory_space<vmem>>
    %dma_wait3A_67 = tpu.memref_squeeze %dma_wait3A_66 : memref<1x1x1x80xi32, #tpu.memory_space<vmem>> -> memref<80xi32, #tpu.memory_space<vmem>>
    %dma_wait3A_68 = arith.constant 0 : i32
    %dma_wait3A_69 = tpu.memref_slice %arg15[%dma_wait3A_68] : memref<10240xf32, #tpu.memory_space<vmem_shared>> -> memref<10240xf32, #tpu.memory_space<vmem_shared>>
    tpu.wait_indirect_dma semaphore(%arg24 : memref<!tpu.dma_semaphore, #tpu.memory_space<semaphore_mem>>) src(%dma_wait3A_64 : memref<80xf32, #tpu.memory_space<vmem>>) dst(%dma_wait3A_69 : memref<10240xf32, #tpu.memory_space<vmem_shared>>)
    %dma_wait3A_70 = arith.constant 1 : i32
    %dma_wait3A_71 = arith.constant 0 : i32
    %dma_wait3A_72 = arith.constant 23 : i32
    %dma_wait3A_73 = arith.constant 1 : i32
    %dma_wait3A_74 = arith.constant 0 : i32
    %dma_wait3A_75 = tpu.memref_slice %arg20[%dma_wait3A_70, %dma_wait3A_74] : memref<2x80xf32, #tpu.memory_space<vmem>> -> memref<1x80xf32, #tpu.memory_space<vmem>>
    %dma_wait3A_76 = tpu.memref_squeeze %dma_wait3A_75 : memref<1x80xf32, #tpu.memory_space<vmem>> -> memref<80xf32, #tpu.memory_space<vmem>>
    %dma_wait3A_77 = arith.constant 0 : i32
    %dma_wait3A_78 = tpu.memref_slice %arg18[%dma_wait3A_71, %dma_wait3A_72, %dma_wait3A_73, %dma_wait3A_77] : memref<2x25x2x80xi32, #tpu.memory_space<vmem>> -> memref<1x1x1x80xi32, #tpu.memory_space<vmem>>
    %dma_wait3A_79 = tpu.memref_squeeze %dma_wait3A_78 : memref<1x1x1x80xi32, #tpu.memory_space<vmem>> -> memref<80xi32, #tpu.memory_space<vmem>>
    %dma_wait3A_80 = arith.constant 0 : i32
    %dma_wait3A_81 = tpu.memref_slice %arg15[%dma_wait3A_80] : memref<10240xf32, #tpu.memory_space<vmem_shared>> -> memref<10240xf32, #tpu.memory_space<vmem_shared>>
    tpu.wait_indirect_dma semaphore(%arg24 : memref<!tpu.dma_semaphore, #tpu.memory_space<semaphore_mem>>) src(%dma_wait3A_76 : memref<80xf32, #tpu.memory_space<vmem>>) dst(%dma_wait3A_81 : memref<10240xf32, #tpu.memory_space<vmem_shared>>)
    %dma_wait3A_82 = arith.constant 0 : i32
    %dma_wait3A_83 = arith.constant 24 : i32
    %dma_wait3A_84 = arith.constant 1 : i32
    %dma_wait3A_85 = arith.constant 0 : i32
    %dma_wait3A_86 = arith.constant 0 : i32
    %dma_wait3A_87 = tpu.memref_slice %arg19[%dma_wait3A_85, %dma_wait3A_86] : memref<160x128xf32, #tpu.memory_space<vmem>> -> memref<80x128xf32, #tpu.memory_space<vmem>>
    %dma_wait3A_88 = arith.constant 0 : i32
    %dma_wait3A_89 = tpu.memref_slice %arg18[%dma_wait3A_82, %dma_wait3A_83, %dma_wait3A_84, %dma_wait3A_88] : memref<2x25x2x80xi32, #tpu.memory_space<vmem>> -> memref<1x1x1x80xi32, #tpu.memory_space<vmem>>
    %dma_wait3A_90 = tpu.memref_squeeze %dma_wait3A_89 : memref<1x1x1x80xi32, #tpu.memory_space<vmem>> -> memref<80xi32, #tpu.memory_space<vmem>>
    %dma_wait3A_91 = arith.constant 0 : i32
    %dma_wait3A_92 = arith.constant 0 : i32
    %dma_wait3A_93 = tpu.memref_slice %arg14[%dma_wait3A_91, %dma_wait3A_92] : memref<10000x128xf32, #tpu.memory_space<vmem_shared>> -> memref<10000x128xf32, #tpu.memory_space<vmem_shared>>
    tpu.wait_indirect_dma semaphore(%arg25 : memref<!tpu.dma_semaphore, #tpu.memory_space<semaphore_mem>>) src(%dma_wait3A_87 : memref<80x128xf32, #tpu.memory_space<vmem>>) dst(%dma_wait3A_93 : memref<10000x128xf32, #tpu.memory_space<vmem_shared>>)
    %dma_wait3A_94 = arith.constant 0 : i32
    %dma_wait3A_95 = arith.constant 23 : i32
    %dma_wait3A_96 = arith.constant 1 : i32
    %dma_wait3A_97 = arith.constant 80 : i32
    %dma_wait3A_98 = arith.constant 0 : i32
    %dma_wait3A_99 = tpu.memref_slice %arg19[%dma_wait3A_97, %dma_wait3A_98] : memref<160x128xf32, #tpu.memory_space<vmem>> -> memref<80x128xf32, #tpu.memory_space<vmem>>
    %dma_wait3A_100 = arith.constant 0 : i32
    %dma_wait3A_101 = tpu.memref_slice %arg18[%dma_wait3A_94, %dma_wait3A_95, %dma_wait3A_96, %dma_wait3A_100] : memref<2x25x2x80xi32, #tpu.memory_space<vmem>> -> memref<1x1x1x80xi32, #tpu.memory_space<vmem>>
    %dma_wait3A_102 = tpu.memref_squeeze %dma_wait3A_101 : memref<1x1x1x80xi32, #tpu.memory_space<vmem>> -> memref<80xi32, #tpu.memory_space<vmem>>
    %dma_wait3A_103 = arith.constant 0 : i32
    %dma_wait3A_104 = arith.constant 0 : i32
    %dma_wait3A_105 = tpu.memref_slice %arg14[%dma_wait3A_103, %dma_wait3A_104] : memref<10000x128xf32, #tpu.memory_space<vmem_shared>> -> memref<10000x128xf32, #tpu.memory_space<vmem_shared>>
    tpu.wait_indirect_dma semaphore(%arg25 : memref<!tpu.dma_semaphore, #tpu.memory_space<semaphore_mem>>) src(%dma_wait3A_99 : memref<80x128xf32, #tpu.memory_space<vmem>>) dst(%dma_wait3A_105 : memref<10000x128xf32, #tpu.memory_space<vmem_shared>>)
    %barrier3A_106 = arith.constant 0 : index
    tpu.barrier barrier_id(%barrier3A_106)
    "tpu.region"() ({
      %run_scoped3A_227 = tpu.sem_alloc : memref<!tpu.dma_semaphore, #tpu.memory_space<semaphore_mem>>
      %dma_start3A_228 = arith.constant 0 : i32
      %dma_start3A_229 = tpu.memref_slice %arg10[%arg0, %mul3A_10, %dma_start3A_228] : memref<2x10000x128xf32, #tpu.memory_space<hbm>> -> memref<1x625x128xf32, #tpu.memory_space<hbm>>
      %dma_start3A_230 = tpu.memref_squeeze %dma_start3A_229 : memref<1x625x128xf32, #tpu.memory_space<hbm>> -> memref<625x128xf32, #tpu.memory_space<hbm>>
      %dma_start3A_231 = arith.constant 0 : i32
      %dma_start3A_232 = tpu.memref_slice %arg14[%mul3A_10, %dma_start3A_231] : memref<10000x128xf32, #tpu.memory_space<vmem_shared>> -> memref<625x128xf32, #tpu.memory_space<vmem_shared>>
      tpu.enqueue_dma source(%dma_start3A_232 : memref<625x128xf32, #tpu.memory_space<vmem_shared>>) target(%dma_start3A_230 : memref<625x128xf32, #tpu.memory_space<hbm>>) target_semaphore(%run_scoped3A_227 : memref<!tpu.dma_semaphore, #tpu.memory_space<semaphore_mem>>)
      %dma_wait3A_233 = arith.constant 0 : i32
      %dma_wait3A_234 = tpu.memref_slice %arg10[%arg0, %mul3A_10, %dma_wait3A_233] : memref<2x10000x128xf32, #tpu.memory_space<hbm>> -> memref<1x625x128xf32, #tpu.memory_space<hbm>>
      %dma_wait3A_235 = tpu.memref_squeeze %dma_wait3A_234 : memref<1x625x128xf32, #tpu.memory_space<hbm>> -> memref<625x128xf32, #tpu.memory_space<hbm>>
      %dma_wait3A_236 = arith.constant 0 : i32
      %dma_wait3A_237 = tpu.memref_slice %arg14[%mul3A_10, %dma_wait3A_236] : memref<10000x128xf32, #tpu.memory_space<vmem_shared>> -> memref<625x128xf32, #tpu.memory_space<vmem_shared>>
      tpu.wait_dma2 semaphore(%run_scoped3A_227 : memref<!tpu.dma_semaphore, #tpu.memory_space<semaphore_mem>>) src(%dma_wait3A_237 : memref<625x128xf32, #tpu.memory_space<vmem_shared>>) dst(%dma_wait3A_235 : memref<625x128xf32, #tpu.memory_space<hbm>>)
      tpu.yield
    }) : () -> ()
    %eq3A = arith.constant 0 : i32
    %eq3A_107 = arith.cmpi eq, %arg1, %eq3A : i32
    %convert_element_type3A = arith.extui %eq3A_107 : i1 to i32
    %cond3A = arith.constant 0 : i32
    %cond3A_108 = arith.cmpi ne, %convert_element_type3A, %cond3A : i32
    scf.if %cond3A_108 {
      "tpu.region"() ({
        %run_scoped3A_227 = tpu.sem_alloc : memref<!tpu.dma_semaphore, #tpu.memory_space<semaphore_mem>>
        %dma_start3A_228 = arith.constant 0 : i32
        %dma_start3A_229 = tpu.memref_slice %arg11[%arg0, %dma_start3A_228] : memref<2x10240xf32, #tpu.memory_space<hbm>> -> memref<1x10240xf32, #tpu.memory_space<hbm>>
        %dma_start3A_230 = tpu.memref_squeeze %dma_start3A_229 : memref<1x10240xf32, #tpu.memory_space<hbm>> -> memref<10240xf32, #tpu.memory_space<hbm>>
        tpu.enqueue_dma source(%arg15 : memref<10240xf32, #tpu.memory_space<vmem_shared>>) target(%dma_start3A_230 : memref<10240xf32, #tpu.memory_space<hbm>>) target_semaphore(%run_scoped3A_227 : memref<!tpu.dma_semaphore, #tpu.memory_space<semaphore_mem>>)
        %dma_wait3A_231 = arith.constant 0 : i32
        %dma_wait3A_232 = tpu.memref_slice %arg11[%arg0, %dma_wait3A_231] : memref<2x10240xf32, #tpu.memory_space<hbm>> -> memref<1x10240xf32, #tpu.memory_space<hbm>>
        %dma_wait3A_233 = tpu.memref_squeeze %dma_wait3A_232 : memref<1x10240xf32, #tpu.memory_space<hbm>> -> memref<10240xf32, #tpu.memory_space<hbm>>
        tpu.wait_dma2 semaphore(%run_scoped3A_227 : memref<!tpu.dma_semaphore, #tpu.memory_space<semaphore_mem>>) src(%arg15 : memref<10240xf32, #tpu.memory_space<vmem_shared>>) dst(%dma_wait3A_233 : memref<10240xf32, #tpu.memory_space<hbm>>)
        tpu.yield
      }) : () -> ()
    } else {
    }
    %barrier3A_109 = arith.constant 0 : index
    tpu.barrier barrier_id(%barrier3A_109)
    "tpu.region"() ({
      %run_scoped3A_227 = tpu.sem_alloc : memref<!tpu.dma_semaphore, #tpu.memory_space<semaphore_mem>>
      tpu.enqueue_dma source(%arg7 : memref<10000xf32, #tpu.memory_space<hbm>>) target(%arg16 : memref<10000xf32, #tpu.memory_space<vmem>>) target_semaphore(%run_scoped3A_227 : memref<!tpu.dma_semaphore, #tpu.memory_space<semaphore_mem>>)
      tpu.wait_dma2 semaphore(%run_scoped3A_227 : memref<!tpu.dma_semaphore, #tpu.memory_space<semaphore_mem>>) src(%arg7 : memref<10000xf32, #tpu.memory_space<hbm>>) dst(%arg16 : memref<10000xf32, #tpu.memory_space<vmem>>)
      tpu.yield
    }) : () -> ()
    "tpu.region"() ({
      %run_scoped3A_227 = tpu.sem_alloc : memref<!tpu.dma_semaphore, #tpu.memory_space<semaphore_mem>>
      tpu.enqueue_dma source(%arg8 : memref<10000xf32, #tpu.memory_space<hbm>>) target(%arg17 : memref<10000xf32, #tpu.memory_space<vmem>>) target_semaphore(%run_scoped3A_227 : memref<!tpu.dma_semaphore, #tpu.memory_space<semaphore_mem>>)
      tpu.wait_dma2 semaphore(%run_scoped3A_227 : memref<!tpu.dma_semaphore, #tpu.memory_space<semaphore_mem>>) src(%arg8 : memref<10000xf32, #tpu.memory_space<hbm>>) dst(%arg17 : memref<10000xf32, #tpu.memory_space<vmem>>)
      tpu.yield
    }) : () -> ()
    %parallel_loop3A_110 = arith.constant 0 : i32
    %parallel_loop3A_111 = arith.constant 160 : i32
    %parallel_loop3A_112 = arith.constant 1 : i32
    scf.for %parallel_loop3A_227 = %parallel_loop3A_110 to %parallel_loop3A_111 step %parallel_loop3A_112  : i32 {
      %parallel_loop3A_228 = arith.index_cast %parallel_loop3A_227 : i32 to index
      %parallel_loop3A_229 = arith.constant 0 : index
      %parallel_loop3A_230 = tpu.vector_load %arg19[%parallel_loop3A_228, %parallel_loop3A_229] {strides = array<i32>} : memref<160x128xf32, #tpu.memory_space<vmem>>, vector<16xf32>,
      tpu.vector_store %arg19[%parallel_loop3A_228, %parallel_loop3A_229], %broadcast_in_dim3A_1 {strides = array<i32>} : memref<160x128xf32, #tpu.memory_space<vmem>>, vector<16xf32>,
      %parallel_loop3A_231 = arith.index_cast %parallel_loop3A_227 : i32 to index
      %parallel_loop3A_232 = arith.constant 16 : index
      %parallel_loop3A_233 = tpu.vector_load %arg19[%parallel_loop3A_231, %parallel_loop3A_232] {strides = array<i32>} : memref<160x128xf32, #tpu.memory_space<vmem>>, vector<16xf32>,
      tpu.vector_store %arg19[%parallel_loop3A_231, %parallel_loop3A_232], %broadcast_in_dim3A_1 {strides = array<i32>} : memref<160x128xf32, #tpu.memory_space<vmem>>, vector<16xf32>,
      %parallel_loop3A_234 = arith.index_cast %parallel_loop3A_227 : i32 to index
      %parallel_loop3A_235 = arith.constant 32 : index
      %parallel_loop3A_236 = tpu.vector_load %arg19[%parallel_loop3A_234, %parallel_loop3A_235] {strides = array<i32>} : memref<160x128xf32, #tpu.memory_space<vmem>>, vector<16xf32>,
      tpu.vector_store %arg19[%parallel_loop3A_234, %parallel_loop3A_235], %broadcast_in_dim3A_1 {strides = array<i32>} : memref<160x128xf32, #tpu.memory_space<vmem>>, vector<16xf32>,
      %parallel_loop3A_237 = arith.index_cast %parallel_loop3A_227 : i32 to index
      %parallel_loop3A_238 = arith.constant 48 : index
      %parallel_loop3A_239 = tpu.vector_load %arg19[%parallel_loop3A_237, %parallel_loop3A_238] {strides = array<i32>} : memref<160x128xf32, #tpu.memory_space<vmem>>, vector<16xf32>,
      tpu.vector_store %arg19[%parallel_loop3A_237, %parallel_loop3A_238], %broadcast_in_dim3A_1 {strides = array<i32>} : memref<160x128xf32, #tpu.memory_space<vmem>>, vector<16xf32>,
      %parallel_loop3A_240 = arith.index_cast %parallel_loop3A_227 : i32 to index
      %parallel_loop3A_241 = arith.constant 64 : index
      %parallel_loop3A_242 = tpu.vector_load %arg19[%parallel_loop3A_240, %parallel_loop3A_241] {strides = array<i32>} : memref<160x128xf32, #tpu.memory_space<vmem>>, vector<16xf32>,
      tpu.vector_store %arg19[%parallel_loop3A_240, %parallel_loop3A_241], %broadcast_in_dim3A_1 {strides = array<i32>} : memref<160x128xf32, #tpu.memory_space<vmem>>, vector<16xf32>,
      %parallel_loop3A_243 = arith.index_cast %parallel_loop3A_227 : i32 to index
      %parallel_loop3A_244 = arith.constant 80 : index
      %parallel_loop3A_245 = tpu.vector_load %arg19[%parallel_loop3A_243, %parallel_loop3A_244] {strides = array<i32>} : memref<160x128xf32, #tpu.memory_space<vmem>>, vector<16xf32>,
      tpu.vector_store %arg19[%parallel_loop3A_243, %parallel_loop3A_244], %broadcast_in_dim3A_1 {strides = array<i32>} : memref<160x128xf32, #tpu.memory_space<vmem>>, vector<16xf32>,
      %parallel_loop3A_246 = arith.index_cast %parallel_loop3A_227 : i32 to index
      %parallel_loop3A_247 = arith.constant 96 : index
      %parallel_loop3A_248 = tpu.vector_load %arg19[%parallel_loop3A_246, %parallel_loop3A_247] {strides = array<i32>} : memref<160x128xf32, #tpu.memory_space<vmem>>, vector<16xf32>,
      tpu.vector_store %arg19[%parallel_loop3A_246, %parallel_loop3A_247], %broadcast_in_dim3A_1 {strides = array<i32>} : memref<160x128xf32, #tpu.memory_space<vmem>>, vector<16xf32>,
      %parallel_loop3A_249 = arith.index_cast %parallel_loop3A_227 : i32 to index
      %parallel_loop3A_250 = arith.constant 112 : index
      %parallel_loop3A_251 = tpu.vector_load %arg19[%parallel_loop3A_249, %parallel_loop3A_250] {strides = array<i32>} : memref<160x128xf32, #tpu.memory_space<vmem>>, vector<16xf32>,
      tpu.vector_store %arg19[%parallel_loop3A_249, %parallel_loop3A_250], %broadcast_in_dim3A_1 {strides = array<i32>} : memref<160x128xf32, #tpu.memory_space<vmem>>, vector<16xf32>,
    } {sc.loop_unroll_factor = 4 : i64, sc.parallel_access}
    %scan3A_113 = arith.constant 0 : i32
    %scan3A_114 = arith.constant 0 : i32
    %scan3A_115 = arith.constant 40 : i32
    %scan3A_116 = arith.addi %scan3A_114, %scan3A_115 : i32
    %scan3A_117 = arith.constant 1 : i32
    scf.for %scan3A_227 = %scan3A_114 to %scan3A_116 step %scan3A_117  : i32 {
      %mul3A_228 = arith.constant 16 : i32
      %mul3A_229 = arith.muli %scan3A_227, %mul3A_228 : i32
      %swap3A = arith.index_cast %mul3A_229 : i32 to index
      %swap3A_230 = tpu.vector_load %arg21[%swap3A] {strides = array<i32>} : memref<640xf32, #tpu.memory_space<vmem>>, vector<16xf32>,
      tpu.vector_store %arg21[%swap3A], %broadcast_in_dim3A_1 {strides = array<i32>} : memref<640xf32, #tpu.memory_space<vmem>>, vector<16xf32>,
    }
    %scan3A_118 = arith.constant 40 : i32
    %mul3A_119 = arith.constant 625 : i32
    %mul3A_120 = arith.muli %arg1, %mul3A_119 : i32
    %add3A_121 = arith.constant 0 : i32
    %add3A_122 = arith.addi %mul3A_120, %add3A_121 : i32
    "tpu.region"() ({
      %run_scoped3A_227 = tpu.sem_alloc : memref<!tpu.dma_semaphore, #tpu.memory_space<semaphore_mem>>
      %dma_start3A_228 = arith.constant 0 : i32
      %dma_start3A_229 = arith.constant 0 : i32
      %dma_start3A_230 = tpu.memref_slice %arg19[%dma_start3A_228, %dma_start3A_229] : memref<160x128xf32, #tpu.memory_space<vmem>> -> memref<160x128xf32, #tpu.memory_space<vmem>>
      %dma_start3A_231 = arith.constant 0 : i32
      %dma_start3A_232 = tpu.memref_slice %arg14[%add3A_122, %dma_start3A_231] : memref<10000x128xf32, #tpu.memory_space<vmem_shared>> -> memref<160x128xf32, #tpu.memory_space<vmem_shared>>
      %dma_start3A_233 = arith.constant 0 : i32
      %dma_start3A_234 = tpu.memref_slice %arg14[%add3A_122, %dma_start3A_233] : memref<10000x128xf32, #tpu.memory_space<vmem_shared>> -> memref<160x128xf32, #tpu.memory_space<vmem_shared>>
      %dma_start3A_235 = arith.constant 0 : i32
      %dma_start3A_236 = arith.constant 0 : i32
      %dma_start3A_237 = tpu.memref_slice %arg19[%dma_start3A_235, %dma_start3A_236] : memref<160x128xf32, #tpu.memory_space<vmem>> -> memref<160x128xf32, #tpu.memory_space<vmem>>
      tpu.enqueue_dma source(%dma_start3A_237 : memref<160x128xf32, #tpu.memory_space<vmem>>) target(%dma_start3A_234 : memref<160x128xf32, #tpu.memory_space<vmem_shared>>) target_semaphore(%run_scoped3A_227 : memref<!tpu.dma_semaphore, #tpu.memory_space<semaphore_mem>>)
      %dma_wait3A_238 = arith.constant 0 : i32
      %dma_wait3A_239 = arith.constant 0 : i32
      %dma_wait3A_240 = tpu.memref_slice %arg19[%dma_wait3A_238, %dma_wait3A_239] : memref<160x128xf32, #tpu.memory_space<vmem>> -> memref<160x128xf32, #tpu.memory_space<vmem>>
      %dma_wait3A_241 = arith.constant 0 : i32
      %dma_wait3A_242 = tpu.memref_slice %arg14[%add3A_122, %dma_wait3A_241] : memref<10000x128xf32, #tpu.memory_space<vmem_shared>> -> memref<160x128xf32, #tpu.memory_space<vmem_shared>>
      %dma_wait3A_243 = arith.constant 0 : i32
      %dma_wait3A_244 = tpu.memref_slice %arg14[%add3A_122, %dma_wait3A_243] : memref<10000x128xf32, #tpu.memory_space<vmem_shared>> -> memref<160x128xf32, #tpu.memory_space<vmem_shared>>
      %dma_wait3A_245 = arith.constant 0 : i32
      %dma_wait3A_246 = arith.constant 0 : i32
      %dma_wait3A_247 = tpu.memref_slice %arg19[%dma_wait3A_245, %dma_wait3A_246] : memref<160x128xf32, #tpu.memory_space<vmem>> -> memref<160x128xf32, #tpu.memory_space<vmem>>
      tpu.wait_dma2 semaphore(%run_scoped3A_227 : memref<!tpu.dma_semaphore, #tpu.memory_space<semaphore_mem>>) src(%dma_wait3A_247 : memref<160x128xf32, #tpu.memory_space<vmem>>) dst(%dma_wait3A_244 : memref<160x128xf32, #tpu.memory_space<vmem_shared>>)
      tpu.yield
    }) : () -> ()
    %add3A_123 = arith.constant 160 : i32
    %add3A_124 = arith.addi %mul3A_120, %add3A_123 : i32
    "tpu.region"() ({
      %run_scoped3A_227 = tpu.sem_alloc : memref<!tpu.dma_semaphore, #tpu.memory_space<semaphore_mem>>
      %dma_start3A_228 = arith.constant 0 : i32
      %dma_start3A_229 = arith.constant 0 : i32
      %dma_start3A_230 = tpu.memref_slice %arg19[%dma_start3A_228, %dma_start3A_229] : memref<160x128xf32, #tpu.memory_space<vmem>> -> memref<160x128xf32, #tpu.memory_space<vmem>>
      %dma_start3A_231 = arith.constant 0 : i32
      %dma_start3A_232 = tpu.memref_slice %arg14[%add3A_124, %dma_start3A_231] : memref<10000x128xf32, #tpu.memory_space<vmem_shared>> -> memref<160x128xf32, #tpu.memory_space<vmem_shared>>
      %dma_start3A_233 = arith.constant 0 : i32
      %dma_start3A_234 = tpu.memref_slice %arg14[%add3A_124, %dma_start3A_233] : memref<10000x128xf32, #tpu.memory_space<vmem_shared>> -> memref<160x128xf32, #tpu.memory_space<vmem_shared>>
      %dma_start3A_235 = arith.constant 0 : i32
      %dma_start3A_236 = arith.constant 0 : i32
      %dma_start3A_237 = tpu.memref_slice %arg19[%dma_start3A_235, %dma_start3A_236] : memref<160x128xf32, #tpu.memory_space<vmem>> -> memref<160x128xf32, #tpu.memory_space<vmem>>
      tpu.enqueue_dma source(%dma_start3A_237 : memref<160x128xf32, #tpu.memory_space<vmem>>) target(%dma_start3A_234 : memref<160x128xf32, #tpu.memory_space<vmem_shared>>) target_semaphore(%run_scoped3A_227 : memref<!tpu.dma_semaphore, #tpu.memory_space<semaphore_mem>>)
      %dma_wait3A_238 = arith.constant 0 : i32
      %dma_wait3A_239 = arith.constant 0 : i32
      %dma_wait3A_240 = tpu.memref_slice %arg19[%dma_wait3A_238, %dma_wait3A_239] : memref<160x128xf32, #tpu.memory_space<vmem>> -> memref<160x128xf32, #tpu.memory_space<vmem>>
      %dma_wait3A_241 = arith.constant 0 : i32
      %dma_wait3A_242 = tpu.memref_slice %arg14[%add3A_124, %dma_wait3A_241] : memref<10000x128xf32, #tpu.memory_space<vmem_shared>> -> memref<160x128xf32, #tpu.memory_space<vmem_shared>>
      %dma_wait3A_243 = arith.constant 0 : i32
      %dma_wait3A_244 = tpu.memref_slice %arg14[%add3A_124, %dma_wait3A_243] : memref<10000x128xf32, #tpu.memory_space<vmem_shared>> -> memref<160x128xf32, #tpu.memory_space<vmem_shared>>
      %dma_wait3A_245 = arith.constant 0 : i32
      %dma_wait3A_246 = arith.constant 0 : i32
      %dma_wait3A_247 = tpu.memref_slice %arg19[%dma_wait3A_245, %dma_wait3A_246] : memref<160x128xf32, #tpu.memory_space<vmem>> -> memref<160x128xf32, #tpu.memory_space<vmem>>
      tpu.wait_dma2 semaphore(%run_scoped3A_227 : memref<!tpu.dma_semaphore, #tpu.memory_space<semaphore_mem>>) src(%dma_wait3A_247 : memref<160x128xf32, #tpu.memory_space<vmem>>) dst(%dma_wait3A_244 : memref<160x128xf32, #tpu.memory_space<vmem_shared>>)
      tpu.yield
    }) : () -> ()
    %add3A_125 = arith.constant 320 : i32
    %add3A_126 = arith.addi %mul3A_120, %add3A_125 : i32
    "tpu.region"() ({
      %run_scoped3A_227 = tpu.sem_alloc : memref<!tpu.dma_semaphore, #tpu.memory_space<semaphore_mem>>
      %dma_start3A_228 = arith.constant 0 : i32
      %dma_start3A_229 = arith.constant 0 : i32
      %dma_start3A_230 = tpu.memref_slice %arg19[%dma_start3A_228, %dma_start3A_229] : memref<160x128xf32, #tpu.memory_space<vmem>> -> memref<160x128xf32, #tpu.memory_space<vmem>>
      %dma_start3A_231 = arith.constant 0 : i32
      %dma_start3A_232 = tpu.memref_slice %arg14[%add3A_126, %dma_start3A_231] : memref<10000x128xf32, #tpu.memory_space<vmem_shared>> -> memref<160x128xf32, #tpu.memory_space<vmem_shared>>
      %dma_start3A_233 = arith.constant 0 : i32
      %dma_start3A_234 = tpu.memref_slice %arg14[%add3A_126, %dma_start3A_233] : memref<10000x128xf32, #tpu.memory_space<vmem_shared>> -> memref<160x128xf32, #tpu.memory_space<vmem_shared>>
      %dma_start3A_235 = arith.constant 0 : i32
      %dma_start3A_236 = arith.constant 0 : i32
      %dma_start3A_237 = tpu.memref_slice %arg19[%dma_start3A_235, %dma_start3A_236] : memref<160x128xf32, #tpu.memory_space<vmem>> -> memref<160x128xf32, #tpu.memory_space<vmem>>
      tpu.enqueue_dma source(%dma_start3A_237 : memref<160x128xf32, #tpu.memory_space<vmem>>) target(%dma_start3A_234 : memref<160x128xf32, #tpu.memory_space<vmem_shared>>) target_semaphore(%run_scoped3A_227 : memref<!tpu.dma_semaphore, #tpu.memory_space<semaphore_mem>>)
      %dma_wait3A_238 = arith.constant 0 : i32
      %dma_wait3A_239 = arith.constant 0 : i32
      %dma_wait3A_240 = tpu.memref_slice %arg19[%dma_wait3A_238, %dma_wait3A_239] : memref<160x128xf32, #tpu.memory_space<vmem>> -> memref<160x128xf32, #tpu.memory_space<vmem>>
      %dma_wait3A_241 = arith.constant 0 : i32
      %dma_wait3A_242 = tpu.memref_slice %arg14[%add3A_126, %dma_wait3A_241] : memref<10000x128xf32, #tpu.memory_space<vmem_shared>> -> memref<160x128xf32, #tpu.memory_space<vmem_shared>>
      %dma_wait3A_243 = arith.constant 0 : i32
      %dma_wait3A_244 = tpu.memref_slice %arg14[%add3A_126, %dma_wait3A_243] : memref<10000x128xf32, #tpu.memory_space<vmem_shared>> -> memref<160x128xf32, #tpu.memory_space<vmem_shared>>
      %dma_wait3A_245 = arith.constant 0 : i32
      %dma_wait3A_246 = arith.constant 0 : i32
      %dma_wait3A_247 = tpu.memref_slice %arg19[%dma_wait3A_245, %dma_wait3A_246] : memref<160x128xf32, #tpu.memory_space<vmem>> -> memref<160x128xf32, #tpu.memory_space<vmem>>
      tpu.wait_dma2 semaphore(%run_scoped3A_227 : memref<!tpu.dma_semaphore, #tpu.memory_space<semaphore_mem>>) src(%dma_wait3A_247 : memref<160x128xf32, #tpu.memory_space<vmem>>) dst(%dma_wait3A_244 : memref<160x128xf32, #tpu.memory_space<vmem_shared>>)
      tpu.yield
    }) : () -> ()
    %add3A_127 = arith.constant 480 : i32
    %add3A_128 = arith.addi %mul3A_120, %add3A_127 : i32
    "tpu.region"() ({
      %run_scoped3A_227 = tpu.sem_alloc : memref<!tpu.dma_semaphore, #tpu.memory_space<semaphore_mem>>
      %dma_start3A_228 = arith.constant 0 : i32
      %dma_start3A_229 = arith.constant 0 : i32
      %dma_start3A_230 = tpu.memref_slice %arg19[%dma_start3A_228, %dma_start3A_229] : memref<160x128xf32, #tpu.memory_space<vmem>> -> memref<145x128xf32, #tpu.memory_space<vmem>>
      %dma_start3A_231 = arith.constant 0 : i32
      %dma_start3A_232 = tpu.memref_slice %arg14[%add3A_128, %dma_start3A_231] : memref<10000x128xf32, #tpu.memory_space<vmem_shared>> -> memref<145x128xf32, #tpu.memory_space<vmem_shared>>
      %dma_start3A_233 = arith.constant 0 : i32
      %dma_start3A_234 = tpu.memref_slice %arg14[%add3A_128, %dma_start3A_233] : memref<10000x128xf32, #tpu.memory_space<vmem_shared>> -> memref<145x128xf32, #tpu.memory_space<vmem_shared>>
      %dma_start3A_235 = arith.constant 0 : i32
      %dma_start3A_236 = arith.constant 0 : i32
      %dma_start3A_237 = tpu.memref_slice %arg19[%dma_start3A_235, %dma_start3A_236] : memref<160x128xf32, #tpu.memory_space<vmem>> -> memref<145x128xf32, #tpu.memory_space<vmem>>
      tpu.enqueue_dma source(%dma_start3A_237 : memref<145x128xf32, #tpu.memory_space<vmem>>) target(%dma_start3A_234 : memref<145x128xf32, #tpu.memory_space<vmem_shared>>) target_semaphore(%run_scoped3A_227 : memref<!tpu.dma_semaphore, #tpu.memory_space<semaphore_mem>>)
      %dma_wait3A_238 = arith.constant 0 : i32
      %dma_wait3A_239 = arith.constant 0 : i32
      %dma_wait3A_240 = tpu.memref_slice %arg19[%dma_wait3A_238, %dma_wait3A_239] : memref<160x128xf32, #tpu.memory_space<vmem>> -> memref<145x128xf32, #tpu.memory_space<vmem>>
      %dma_wait3A_241 = arith.constant 0 : i32
      %dma_wait3A_242 = tpu.memref_slice %arg14[%add3A_128, %dma_wait3A_241] : memref<10000x128xf32, #tpu.memory_space<vmem_shared>> -> memref<145x128xf32, #tpu.memory_space<vmem_shared>>
      %dma_wait3A_243 = arith.constant 0 : i32
      %dma_wait3A_244 = tpu.memref_slice %arg14[%add3A_128, %dma_wait3A_243] : memref<10000x128xf32, #tpu.memory_space<vmem_shared>> -> memref<145x128xf32, #tpu.memory_space<vmem_shared>>
      %dma_wait3A_245 = arith.constant 0 : i32
      %dma_wait3A_246 = arith.constant 0 : i32
      %dma_wait3A_247 = tpu.memref_slice %arg19[%dma_wait3A_245, %dma_wait3A_246] : memref<160x128xf32, #tpu.memory_space<vmem>> -> memref<145x128xf32, #tpu.memory_space<vmem>>
      tpu.wait_dma2 semaphore(%run_scoped3A_227 : memref<!tpu.dma_semaphore, #tpu.memory_space<semaphore_mem>>) src(%dma_wait3A_247 : memref<145x128xf32, #tpu.memory_space<vmem>>) dst(%dma_wait3A_244 : memref<145x128xf32, #tpu.memory_space<vmem_shared>>)
      tpu.yield
    }) : () -> ()
    %mul3A_129 = arith.constant 640 : i32
    %mul3A_130 = arith.muli %arg1, %mul3A_129 : i32
    "tpu.region"() ({
      %run_scoped3A_227 = tpu.sem_alloc : memref<!tpu.dma_semaphore, #tpu.memory_space<semaphore_mem>>
      %dma_start3A_228 = tpu.memref_slice %arg15[%mul3A_130] : memref<10240xf32, #tpu.memory_space<vmem_shared>> -> memref<640xf32, #tpu.memory_space<vmem_shared>>
      %dma_start3A_229 = tpu.memref_slice %arg15[%mul3A_130] : memref<10240xf32, #tpu.memory_space<vmem_shared>> -> memref<640xf32, #tpu.memory_space<vmem_shared>>
      tpu.enqueue_dma source(%arg21 : memref<640xf32, #tpu.memory_space<vmem>>) target(%dma_start3A_229 : memref<640xf32, #tpu.memory_space<vmem_shared>>) target_semaphore(%run_scoped3A_227 : memref<!tpu.dma_semaphore, #tpu.memory_space<semaphore_mem>>)
      %dma_wait3A_230 = tpu.memref_slice %arg15[%mul3A_130] : memref<10240xf32, #tpu.memory_space<vmem_shared>> -> memref<640xf32, #tpu.memory_space<vmem_shared>>
      %dma_wait3A_231 = tpu.memref_slice %arg15[%mul3A_130] : memref<10240xf32, #tpu.memory_space<vmem_shared>> -> memref<640xf32, #tpu.memory_space<vmem_shared>>
      tpu.wait_dma2 semaphore(%run_scoped3A_227 : memref<!tpu.dma_semaphore, #tpu.memory_space<semaphore_mem>>) src(%arg21 : memref<640xf32, #tpu.memory_space<vmem>>) dst(%dma_wait3A_231 : memref<640xf32, #tpu.memory_space<vmem_shared>>)
      tpu.yield
    }) : () -> ()
    %run_scoped3A_131 = arith.constant 0 : i32
    "tpu.region"() ({
      %run_scoped3A_227 = tpu.sem_alloc : memref<!tpu.dma_semaphore, #tpu.memory_space<semaphore_mem>>
      %dma_start3A_228 = arith.constant 0 : i32
      %dma_start3A_229 = arith.constant 0 : i32
      %dma_start3A_230 = arith.constant 0 : i32
      %dma_start3A_231 = tpu.memref_slice %arg18[%run_scoped3A_131, %dma_start3A_228, %dma_start3A_229, %dma_start3A_230] : memref<2x25x2x80xi32, #tpu.memory_space<vmem>> -> memref<1x25x2x80xi32, #tpu.memory_space<vmem>>
      %dma_start3A_232 = tpu.memref_squeeze %dma_start3A_231 : memref<1x25x2x80xi32, #tpu.memory_space<vmem>> -> memref<25x2x80xi32, #tpu.memory_space<vmem>>
      %dma_start3A_233 = arith.constant 0 : i32
      %dma_start3A_234 = arith.constant 0 : i32
      %dma_start3A_235 = arith.constant 0 : i32
      %dma_start3A_236 = tpu.memref_slice %arg9[%add3A, %dma_start3A_233, %dma_start3A_234, %dma_start3A_235] : memref<32x125x2x80xi32, #tpu.memory_space<hbm>> -> memref<1x25x2x80xi32, #tpu.memory_space<hbm>>
      %dma_start3A_237 = tpu.memref_squeeze %dma_start3A_236 : memref<1x25x2x80xi32, #tpu.memory_space<hbm>> -> memref<25x2x80xi32, #tpu.memory_space<hbm>>
      %dma_start3A_238 = arith.constant 0 : i32
      %dma_start3A_239 = arith.constant 0 : i32
      %dma_start3A_240 = arith.constant 0 : i32
      %dma_start3A_241 = tpu.memref_slice %arg18[%run_scoped3A_131, %dma_start3A_238, %dma_start3A_239, %dma_start3A_240] : memref<2x25x2x80xi32, #tpu.memory_space<vmem>> -> memref<1x25x2x80xi32, #tpu.memory_space<vmem>>
      %dma_start3A_242 = tpu.memref_squeeze %dma_start3A_241 : memref<1x25x2x80xi32, #tpu.memory_space<vmem>> -> memref<25x2x80xi32, #tpu.memory_space<vmem>>
      %dma_start3A_243 = arith.constant 0 : i32
      %dma_start3A_244 = arith.constant 0 : i32
      %dma_start3A_245 = arith.constant 0 : i32
      %dma_start3A_246 = tpu.memref_slice %arg9[%add3A, %dma_start3A_243, %dma_start3A_244, %dma_start3A_245] : memref<32x125x2x80xi32, #tpu.memory_space<hbm>> -> memref<1x25x2x80xi32, #tpu.memory_space<hbm>>
      %dma_start3A_247 = tpu.memref_squeeze %dma_start3A_246 : memref<1x25x2x80xi32, #tpu.memory_space<hbm>> -> memref<25x2x80xi32, #tpu.memory_space<hbm>>
      tpu.enqueue_dma source(%dma_start3A_247 : memref<25x2x80xi32, #tpu.memory_space<hbm>>) target(%dma_start3A_242 : memref<25x2x80xi32, #tpu.memory_space<vmem>>) target_semaphore(%run_scoped3A_227 : memref<!tpu.dma_semaphore, #tpu.memory_space<semaphore_mem>>)
      %dma_wait3A_248 = arith.constant 0 : i32
      %dma_wait3A_249 = arith.constant 0 : i32
      %dma_wait3A_250 = arith.constant 0 : i32
      %dma_wait3A_251 = tpu.memref_slice %arg18[%run_scoped3A_131, %dma_wait3A_248, %dma_wait3A_249, %dma_wait3A_250] : memref<2x25x2x80xi32, #tpu.memory_space<vmem>> -> memref<1x25x2x80xi32, #tpu.memory_space<vmem>>
      %dma_wait3A_252 = tpu.memref_squeeze %dma_wait3A_251 : memref<1x25x2x80xi32, #tpu.memory_space<vmem>> -> memref<25x2x80xi32, #tpu.memory_space<vmem>>
      %dma_wait3A_253 = arith.constant 0 : i32
      %dma_wait3A_254 = arith.constant 0 : i32
      %dma_wait3A_255 = arith.constant 0 : i32
      %dma_wait3A_256 = tpu.memref_slice %arg9[%add3A, %dma_wait3A_253, %dma_wait3A_254, %dma_wait3A_255] : memref<32x125x2x80xi32, #tpu.memory_space<hbm>> -> memref<1x25x2x80xi32, #tpu.memory_space<hbm>>
      %dma_wait3A_257 = tpu.memref_squeeze %dma_wait3A_256 : memref<1x25x2x80xi32, #tpu.memory_space<hbm>> -> memref<25x2x80xi32, #tpu.memory_space<hbm>>
      %dma_wait3A_258 = arith.constant 0 : i32
      %dma_wait3A_259 = arith.constant 0 : i32
      %dma_wait3A_260 = arith.constant 0 : i32
      %dma_wait3A_261 = tpu.memref_slice %arg18[%run_scoped3A_131, %dma_wait3A_258, %dma_wait3A_259, %dma_wait3A_260] : memref<2x25x2x80xi32, #tpu.memory_space<vmem>> -> memref<1x25x2x80xi32, #tpu.memory_space<vmem>>
      %dma_wait3A_262 = tpu.memref_squeeze %dma_wait3A_261 : memref<1x25x2x80xi32, #tpu.memory_space<vmem>> -> memref<25x2x80xi32, #tpu.memory_space<vmem>>
      %dma_wait3A_263 = arith.constant 0 : i32
      %dma_wait3A_264 = arith.constant 0 : i32
      %dma_wait3A_265 = arith.constant 0 : i32
      %dma_wait3A_266 = tpu.memref_slice %arg9[%add3A, %dma_wait3A_263, %dma_wait3A_264, %dma_wait3A_265] : memref<32x125x2x80xi32, #tpu.memory_space<hbm>> -> memref<1x25x2x80xi32, #tpu.memory_space<hbm>>
      %dma_wait3A_267 = tpu.memref_squeeze %dma_wait3A_266 : memref<1x25x2x80xi32, #tpu.memory_space<hbm>> -> memref<25x2x80xi32, #tpu.memory_space<hbm>>
      tpu.wait_dma2 semaphore(%run_scoped3A_227 : memref<!tpu.dma_semaphore, #tpu.memory_space<semaphore_mem>>) src(%dma_wait3A_267 : memref<25x2x80xi32, #tpu.memory_space<hbm>>) dst(%dma_wait3A_262 : memref<25x2x80xi32, #tpu.memory_space<vmem>>)
      tpu.yield
    }) : () -> ()
    %dma_start3A_132 = arith.constant 1 : i32
    %dma_start3A_133 = arith.constant 0 : i32
    %dma_start3A_134 = arith.constant 0 : i32
    %dma_start3A_135 = arith.constant 0 : i32
    %dma_start3A_136 = tpu.memref_slice %arg18[%dma_start3A_132, %dma_start3A_133, %dma_start3A_134, %dma_start3A_135] : memref<2x25x2x80xi32, #tpu.memory_space<vmem>> -> memref<1x25x2x80xi32, #tpu.memory_space<vmem>>
    %dma_start3A_137 = tpu.memref_squeeze %dma_start3A_136 : memref<1x25x2x80xi32, #tpu.memory_space<vmem>> -> memref<25x2x80xi32, #tpu.memory_space<vmem>>
    %dma_start3A_138 = arith.constant 25 : i32
    %dma_start3A_139 = arith.constant 0 : i32
    %dma_start3A_140 = arith.constant 0 : i32
    %dma_start3A_141 = tpu.memref_slice %arg9[%add3A, %dma_start3A_138, %dma_start3A_139, %dma_start3A_140] : memref<32x125x2x80xi32, #tpu.memory_space<hbm>> -> memref<1x25x2x80xi32, #tpu.memory_space<hbm>>
    %dma_start3A_142 = tpu.memref_squeeze %dma_start3A_141 : memref<1x25x2x80xi32, #tpu.memory_space<hbm>> -> memref<25x2x80xi32, #tpu.memory_space<hbm>>
    %dma_start3A_143 = arith.constant 0 : i32
    %dma_start3A_144 = arith.constant 0 : i32
    %dma_start3A_145 = arith.constant 0 : i32
    %dma_start3A_146 = tpu.memref_slice %arg18[%dma_start3A_132, %dma_start3A_143, %dma_start3A_144, %dma_start3A_145] : memref<2x25x2x80xi32, #tpu.memory_space<vmem>> -> memref<1x25x2x80xi32, #tpu.memory_space<vmem>>
    %dma_start3A_147 = tpu.memref_squeeze %dma_start3A_146 : memref<1x25x2x80xi32, #tpu.memory_space<vmem>> -> memref<25x2x80xi32, #tpu.memory_space<vmem>>
    %dma_start3A_148 = arith.constant 25 : i32
    %dma_start3A_149 = arith.constant 0 : i32
    %dma_start3A_150 = arith.constant 0 : i32
    %dma_start3A_151 = tpu.memref_slice %arg9[%add3A, %dma_start3A_148, %dma_start3A_149, %dma_start3A_150] : memref<32x125x2x80xi32, #tpu.memory_space<hbm>> -> memref<1x25x2x80xi32, #tpu.memory_space<hbm>>
    %dma_start3A_152 = tpu.memref_squeeze %dma_start3A_151 : memref<1x25x2x80xi32, #tpu.memory_space<hbm>> -> memref<25x2x80xi32, #tpu.memory_space<hbm>>
    tpu.enqueue_dma source(%dma_start3A_152 : memref<25x2x80xi32, #tpu.memory_space<hbm>>) target(%dma_start3A_147 : memref<25x2x80xi32, #tpu.memory_space<vmem>>) target_semaphore(%arg23 : memref<!tpu.dma_semaphore, #tpu.memory_space<semaphore_mem>>)
    %barrier3A_153 = arith.constant 0 : index
    tpu.barrier barrier_id(%barrier3A_153)
    %dma_start3A_154 = arith.constant 0 : i32
    %dma_start3A_155 = arith.constant 0 : i32
    %dma_start3A_156 = arith.constant 0 : i32
    %dma_start3A_157 = arith.constant 0 : i32
    %dma_start3A_158 = arith.constant 0 : i32
    %dma_start3A_159 = tpu.memref_slice %arg19[%dma_start3A_157, %dma_start3A_158] : memref<160x128xf32, #tpu.memory_space<vmem>> -> memref<80x128xf32, #tpu.memory_space<vmem>>
    %dma_start3A_160 = arith.constant 0 : i32
    %dma_start3A_161 = tpu.memref_slice %arg18[%dma_start3A_154, %dma_start3A_155, %dma_start3A_156, %dma_start3A_160] : memref<2x25x2x80xi32, #tpu.memory_space<vmem>> -> memref<1x1x1x80xi32, #tpu.memory_space<vmem>>
    %dma_start3A_162 = tpu.memref_squeeze %dma_start3A_161 : memref<1x1x1x80xi32, #tpu.memory_space<vmem>> -> memref<80xi32, #tpu.memory_space<vmem>>
    %dma_start3A_163 = arith.constant 0 : i32
    %dma_start3A_164 = arith.constant 0 : i32
    %dma_start3A_165 = tpu.memref_slice %arg6[%dma_start3A_163, %dma_start3A_164] : memref<10000x128xf32, #tpu.memory_space<hbm>> -> memref<10000x128xf32, #tpu.memory_space<hbm>>
    tpu.enqueue_indirect_dma source(%dma_start3A_165 : memref<10000x128xf32, #tpu.memory_space<hbm>>) target(%dma_start3A_159 : memref<80x128xf32, #tpu.memory_space<vmem>>) offsets(%dma_start3A_162 : memref<80xi32, #tpu.memory_space<vmem>>) semaphore(%arg22 : memref<!tpu.dma_semaphore, #tpu.memory_space<semaphore_mem>>)
    %scan3A_166 = arith.constant 0 : i32
    %scan3A_167 = arith.constant 0 : i32
    %scan3A_168 = arith.constant 125 : i32
    %scan3A_169 = arith.addi %scan3A_167, %scan3A_168 : i32
    %scan3A_170 = arith.constant 1 : i32
    scf.for %scan3A_227 = %scan3A_167 to %scan3A_169 step %scan3A_170  : i32 {
      %rem3A = arith.constant 2 : i32
      %rem3A_228 = arith.remsi %scan3A_227, %rem3A : i32
      %mul3A_229 = arith.constant 80 : i32
      %mul3A_230 = arith.muli %rem3A_228, %mul3A_229 : i32
      %add3A_231 = arith.constant 1 : i32
      %add3A_232 = arith.addi %scan3A_227, %add3A_231 : i32
      %rem3A_233 = arith.constant 2 : i32
      %rem3A_234 = arith.remsi %add3A_232, %rem3A_233 : i32
      %div3A = arith.constant 25 : i32
      %div3A_235 = arith.divsi %scan3A_227, %div3A : i32
      %rem3A_236 = arith.constant 25 : i32
      %rem3A_237 = arith.remsi %scan3A_227, %rem3A_236 : i32
      %rem3A_238 = arith.constant 2 : i32
      %rem3A_239 = arith.remsi %div3A_235, %rem3A_238 : i32
      %sub3A = arith.constant 1 : i32
      %sub3A_240 = arith.subi %sub3A, %rem3A_239 : i32
      %add3A_241 = arith.constant 1 : i32
      %add3A_242 = arith.addi %scan3A_227, %add3A_241 : i32
      %lt3A = arith.constant 125 : i32
      %lt3A_243 = arith.cmpi slt, %add3A_242, %lt3A : i32
      %convert_element_type3A_244 = arith.extui %lt3A_243 : i1 to i32
      %cond3A_245 = arith.constant 0 : i32
      %cond3A_246 = arith.cmpi ne, %convert_element_type3A_244, %cond3A_245 : i32
      scf.if %cond3A_246 {
        %ge3A_417 = arith.constant 1 : i32
        %ge3A_418 = arith.cmpi sge, %scan3A_227, %ge3A_417 : i32
        %convert_element_type3A_419 = arith.extui %ge3A_418 : i1 to i32
        %cond3A_420 = arith.constant 0 : i32
        %cond3A_421 = arith.cmpi ne, %convert_element_type3A_419, %cond3A_420 : i32
        scf.if %cond3A_421 {
          %eq3A_445 = arith.constant 0 : i32
          %eq3A_446 = arith.cmpi eq, %rem3A_237, %eq3A_445 : i32
          %select_n3A_447 = arith.select %eq3A_446, %sub3A_240, %rem3A_239 : i32
          %sub3A_448 = arith.constant 1 : i32
          %sub3A_449 = arith.subi %rem3A_237, %sub3A_448 : i32
          %add3A_450 = arith.constant 25 : i32
          %add3A_451 = arith.addi %sub3A_449, %add3A_450 : i32
          %rem3A_452 = arith.constant 25 : i32
          %rem3A_453 = arith.remsi %add3A_451, %rem3A_452 : i32
          %mul3A_454 = arith.constant 80 : i32
          %mul3A_455 = arith.muli %rem3A_234, %mul3A_454 : i32
          %dma_wait3A_456 = arith.constant 1 : i32
          %dma_wait3A_457 = arith.constant 0 : i32
          %dma_wait3A_458 = tpu.memref_slice %arg19[%mul3A_455, %dma_wait3A_457] : memref<160x128xf32, #tpu.memory_space<vmem>> -> memref<80x128xf32, #tpu.memory_space<vmem>>
          %dma_wait3A_459 = arith.constant 0 : i32
          %dma_wait3A_460 = tpu.memref_slice %arg18[%select_n3A_447, %rem3A_453, %dma_wait3A_456, %dma_wait3A_459] : memref<2x25x2x80xi32, #tpu.memory_space<vmem>> -> memref<1x1x1x80xi32, #tpu.memory_space<vmem>>
          %dma_wait3A_461 = tpu.memref_squeeze %dma_wait3A_460 : memref<1x1x1x80xi32, #tpu.memory_space<vmem>> -> memref<80xi32, #tpu.memory_space<vmem>>
          %dma_wait3A_462 = arith.constant 0 : i32
          %dma_wait3A_463 = arith.constant 0 : i32
          %dma_wait3A_464 = tpu.memref_slice %arg14[%dma_wait3A_462, %dma_wait3A_463] : memref<10000x128xf32, #tpu.memory_space<vmem_shared>> -> memref<10000x128xf32, #tpu.memory_space<vmem_shared>>
          tpu.wait_indirect_dma semaphore(%arg25 : memref<!tpu.dma_semaphore, #tpu.memory_space<semaphore_mem>>) src(%dma_wait3A_458 : memref<80x128xf32, #tpu.memory_space<vmem>>) dst(%dma_wait3A_464 : memref<10000x128xf32, #tpu.memory_space<vmem_shared>>)
        } else {
        }
        %eq3A_422 = arith.constant 24 : i32
        %eq3A_423 = arith.cmpi eq, %rem3A_237, %eq3A_422 : i32
        %convert_element_type3A_424 = arith.extui %eq3A_423 : i1 to i32
        %cond3A_425 = arith.constant 0 : i32
        %cond3A_426 = arith.cmpi ne, %convert_element_type3A_424, %cond3A_425 : i32
        scf.if %cond3A_426 {
          %add3A_445 = arith.constant 1 : i32
          %add3A_446 = arith.addi %div3A_235, %add3A_445 : i32
          %mul3A_447 = arith.constant 25 : i32
          %mul3A_448 = arith.muli %add3A_446, %mul3A_447 : i32
          %dma_wait3A_449 = arith.constant 0 : i32
          %dma_wait3A_450 = arith.constant 0 : i32
          %dma_wait3A_451 = arith.constant 0 : i32
          %dma_wait3A_452 = tpu.memref_slice %arg18[%sub3A_240, %dma_wait3A_449, %dma_wait3A_450, %dma_wait3A_451] : memref<2x25x2x80xi32, #tpu.memory_space<vmem>> -> memref<1x25x2x80xi32, #tpu.memory_space<vmem>>
          %dma_wait3A_453 = tpu.memref_squeeze %dma_wait3A_452 : memref<1x25x2x80xi32, #tpu.memory_space<vmem>> -> memref<25x2x80xi32, #tpu.memory_space<vmem>>
          %dma_wait3A_454 = arith.constant 0 : i32
          %dma_wait3A_455 = arith.constant 0 : i32
          %dma_wait3A_456 = tpu.memref_slice %arg9[%add3A, %mul3A_448, %dma_wait3A_454, %dma_wait3A_455] : memref<32x125x2x80xi32, #tpu.memory_space<hbm>> -> memref<1x25x2x80xi32, #tpu.memory_space<hbm>>
          %dma_wait3A_457 = tpu.memref_squeeze %dma_wait3A_456 : memref<1x25x2x80xi32, #tpu.memory_space<hbm>> -> memref<25x2x80xi32, #tpu.memory_space<hbm>>
          %dma_wait3A_458 = arith.constant 0 : i32
          %dma_wait3A_459 = arith.constant 0 : i32
          %dma_wait3A_460 = arith.constant 0 : i32
          %dma_wait3A_461 = tpu.memref_slice %arg18[%sub3A_240, %dma_wait3A_458, %dma_wait3A_459, %dma_wait3A_460] : memref<2x25x2x80xi32, #tpu.memory_space<vmem>> -> memref<1x25x2x80xi32, #tpu.memory_space<vmem>>
          %dma_wait3A_462 = tpu.memref_squeeze %dma_wait3A_461 : memref<1x25x2x80xi32, #tpu.memory_space<vmem>> -> memref<25x2x80xi32, #tpu.memory_space<vmem>>
          %dma_wait3A_463 = arith.constant 0 : i32
          %dma_wait3A_464 = arith.constant 0 : i32
          %dma_wait3A_465 = tpu.memref_slice %arg9[%add3A, %mul3A_448, %dma_wait3A_463, %dma_wait3A_464] : memref<32x125x2x80xi32, #tpu.memory_space<hbm>> -> memref<1x25x2x80xi32, #tpu.memory_space<hbm>>
          %dma_wait3A_466 = tpu.memref_squeeze %dma_wait3A_465 : memref<1x25x2x80xi32, #tpu.memory_space<hbm>> -> memref<25x2x80xi32, #tpu.memory_space<hbm>>
          tpu.wait_dma2 semaphore(%arg23 : memref<!tpu.dma_semaphore, #tpu.memory_space<semaphore_mem>>) src(%dma_wait3A_466 : memref<25x2x80xi32, #tpu.memory_space<hbm>>) dst(%dma_wait3A_462 : memref<25x2x80xi32, #tpu.memory_space<vmem>>)
        } else {
        }
        %eq3A_427 = arith.constant 24 : i32
        %eq3A_428 = arith.cmpi eq, %rem3A_237, %eq3A_427 : i32
        %select_n3A_429 = arith.select %eq3A_428, %sub3A_240, %rem3A_239 : i32
        %add3A_430 = arith.constant 1 : i32
        %add3A_431 = arith.addi %rem3A_237, %add3A_430 : i32
        %rem3A_432 = arith.constant 25 : i32
        %rem3A_433 = arith.remsi %add3A_431, %rem3A_432 : i32
        %mul3A_434 = arith.constant 80 : i32
        %mul3A_435 = arith.muli %rem3A_234, %mul3A_434 : i32
        %dma_start3A_436 = arith.constant 0 : i32
        %dma_start3A_437 = arith.constant 0 : i32
        %dma_start3A_438 = tpu.memref_slice %arg19[%mul3A_435, %dma_start3A_437] : memref<160x128xf32, #tpu.memory_space<vmem>> -> memref<80x128xf32, #tpu.memory_space<vmem>>
        %dma_start3A_439 = arith.constant 0 : i32
        %dma_start3A_440 = tpu.memref_slice %arg18[%select_n3A_429, %rem3A_433, %dma_start3A_436, %dma_start3A_439] : memref<2x25x2x80xi32, #tpu.memory_space<vmem>> -> memref<1x1x1x80xi32, #tpu.memory_space<vmem>>
        %dma_start3A_441 = tpu.memref_squeeze %dma_start3A_440 : memref<1x1x1x80xi32, #tpu.memory_space<vmem>> -> memref<80xi32, #tpu.memory_space<vmem>>
        %dma_start3A_442 = arith.constant 0 : i32
        %dma_start3A_443 = arith.constant 0 : i32
        %dma_start3A_444 = tpu.memref_slice %arg6[%dma_start3A_442, %dma_start3A_443] : memref<10000x128xf32, #tpu.memory_space<hbm>> -> memref<10000x128xf32, #tpu.memory_space<hbm>>
        tpu.enqueue_indirect_dma source(%dma_start3A_444 : memref<10000x128xf32, #tpu.memory_space<hbm>>) target(%dma_start3A_438 : memref<80x128xf32, #tpu.memory_space<vmem>>) offsets(%dma_start3A_441 : memref<80xi32, #tpu.memory_space<vmem>>) semaphore(%arg22 : memref<!tpu.dma_semaphore, #tpu.memory_space<semaphore_mem>>)
      } else {
      }
      %dma_wait3A_247 = arith.constant 0 : i32
      %dma_wait3A_248 = arith.constant 0 : i32
      %dma_wait3A_249 = tpu.memref_slice %arg19[%mul3A_230, %dma_wait3A_248] : memref<160x128xf32, #tpu.memory_space<vmem>> -> memref<80x128xf32, #tpu.memory_space<vmem>>
      %dma_wait3A_250 = arith.constant 0 : i32
      %dma_wait3A_251 = tpu.memref_slice %arg18[%rem3A_239, %rem3A_237, %dma_wait3A_247, %dma_wait3A_250] : memref<2x25x2x80xi32, #tpu.memory_space<vmem>> -> memref<1x1x1x80xi32, #tpu.memory_space<vmem>>
      %dma_wait3A_252 = tpu.memref_squeeze %dma_wait3A_251 : memref<1x1x1x80xi32, #tpu.memory_space<vmem>> -> memref<80xi32, #tpu.memory_space<vmem>>
      %dma_wait3A_253 = arith.constant 0 : i32
      %dma_wait3A_254 = arith.constant 0 : i32
      %dma_wait3A_255 = tpu.memref_slice %arg6[%dma_wait3A_253, %dma_wait3A_254] : memref<10000x128xf32, #tpu.memory_space<hbm>> -> memref<10000x128xf32, #tpu.memory_space<hbm>>
      tpu.wait_indirect_dma semaphore(%arg22 : memref<!tpu.dma_semaphore, #tpu.memory_space<semaphore_mem>>) src(%dma_wait3A_255 : memref<10000x128xf32, #tpu.memory_space<hbm>>) dst(%dma_wait3A_249 : memref<80x128xf32, #tpu.memory_space<vmem>>)
      %ge3A = arith.constant 2 : i32
      %ge3A_256 = arith.cmpi sge, %scan3A_227, %ge3A : i32
      %convert_element_type3A_257 = arith.extui %ge3A_256 : i1 to i32
      %cond3A_258 = arith.constant 0 : i32
      %cond3A_259 = arith.cmpi ne, %convert_element_type3A_257, %cond3A_258 : i32
      scf.if %cond3A_259 {
        %le3A = arith.constant 1 : i32
        %le3A_417 = arith.cmpi sle, %rem3A_237, %le3A : i32
        %select_n3A_418 = arith.select %le3A_417, %sub3A_240, %rem3A_239 : i32
        %sub3A_419 = arith.constant 2 : i32
        %sub3A_420 = arith.subi %rem3A_237, %sub3A_419 : i32
        %add3A_421 = arith.constant 25 : i32
        %add3A_422 = arith.addi %sub3A_420, %add3A_421 : i32
        %rem3A_423 = arith.constant 25 : i32
        %rem3A_424 = arith.remsi %add3A_422, %rem3A_423 : i32
        %dma_wait3A_425 = arith.constant 1 : i32
        %dma_wait3A_426 = arith.constant 0 : i32
        %dma_wait3A_427 = tpu.memref_slice %arg20[%rem3A_228, %dma_wait3A_426] : memref<2x80xf32, #tpu.memory_space<vmem>> -> memref<1x80xf32, #tpu.memory_space<vmem>>
        %dma_wait3A_428 = tpu.memref_squeeze %dma_wait3A_427 : memref<1x80xf32, #tpu.memory_space<vmem>> -> memref<80xf32, #tpu.memory_space<vmem>>
        %dma_wait3A_429 = arith.constant 0 : i32
        %dma_wait3A_430 = tpu.memref_slice %arg18[%select_n3A_418, %rem3A_424, %dma_wait3A_425, %dma_wait3A_429] : memref<2x25x2x80xi32, #tpu.memory_space<vmem>> -> memref<1x1x1x80xi32, #tpu.memory_space<vmem>>
        %dma_wait3A_431 = tpu.memref_squeeze %dma_wait3A_430 : memref<1x1x1x80xi32, #tpu.memory_space<vmem>> -> memref<80xi32, #tpu.memory_space<vmem>>
        %dma_wait3A_432 = arith.constant 0 : i32
        %dma_wait3A_433 = tpu.memref_slice %arg15[%dma_wait3A_432] : memref<10240xf32, #tpu.memory_space<vmem_shared>> -> memref<10240xf32, #tpu.memory_space<vmem_shared>>
        tpu.wait_indirect_dma semaphore(%arg24 : memref<!tpu.dma_semaphore, #tpu.memory_space<semaphore_mem>>) src(%dma_wait3A_428 : memref<80xf32, #tpu.memory_space<vmem>>) dst(%dma_wait3A_433 : memref<10240xf32, #tpu.memory_space<vmem_shared>>)
      } else {
      }
      %eq3A_260 = arith.constant 2 : i32
      %eq3A_261 = arith.cmpi eq, %rem3A_237, %eq3A_260 : i32
      %add3A_262 = arith.constant 1 : i32
      %add3A_263 = arith.addi %div3A_235, %add3A_262 : i32
      %lt3A_264 = arith.constant 5 : i32
      %lt3A_265 = arith.cmpi slt, %add3A_263, %lt3A_264 : i32
      %and3A = arith.andi %eq3A_261, %lt3A_265 : i1
      %ge3A_266 = arith.constant 1 : i32
      %ge3A_267 = arith.cmpi sge, %div3A_235, %ge3A_266 : i32
      %and3A_268 = arith.andi %and3A, %ge3A_267 : i1
      %convert_element_type3A_269 = arith.extui %and3A_268 : i1 to i32
      %cond3A_270 = arith.constant 0 : i32
      %cond3A_271 = arith.cmpi ne, %convert_element_type3A_269, %cond3A_270 : i32
      scf.if %cond3A_271 {
        %add3A_417 = arith.constant 1 : i32
        %add3A_418 = arith.addi %div3A_235, %add3A_417 : i32
        %mul3A_419 = arith.constant 25 : i32
        %mul3A_420 = arith.muli %add3A_418, %mul3A_419 : i32
        %dma_start3A_421 = arith.constant 0 : i32
        %dma_start3A_422 = arith.constant 0 : i32
        %dma_start3A_423 = arith.constant 0 : i32
        %dma_start3A_424 = tpu.memref_slice %arg18[%sub3A_240, %dma_start3A_421, %dma_start3A_422, %dma_start3A_423] : memref<2x25x2x80xi32, #tpu.memory_space<vmem>> -> memref<1x25x2x80xi32, #tpu.memory_space<vmem>>
        %dma_start3A_425 = tpu.memref_squeeze %dma_start3A_424 : memref<1x25x2x80xi32, #tpu.memory_space<vmem>> -> memref<25x2x80xi32, #tpu.memory_space<vmem>>
        %dma_start3A_426 = arith.constant 0 : i32
        %dma_start3A_427 = arith.constant 0 : i32
        %dma_start3A_428 = tpu.memref_slice %arg9[%add3A, %mul3A_420, %dma_start3A_426, %dma_start3A_427] : memref<32x125x2x80xi32, #tpu.memory_space<hbm>> -> memref<1x25x2x80xi32, #tpu.memory_space<hbm>>
        %dma_start3A_429 = tpu.memref_squeeze %dma_start3A_428 : memref<1x25x2x80xi32, #tpu.memory_space<hbm>> -> memref<25x2x80xi32, #tpu.memory_space<hbm>>
        %dma_start3A_430 = arith.constant 0 : i32
        %dma_start3A_431 = arith.constant 0 : i32
        %dma_start3A_432 = arith.constant 0 : i32
        %dma_start3A_433 = tpu.memref_slice %arg18[%sub3A_240, %dma_start3A_430, %dma_start3A_431, %dma_start3A_432] : memref<2x25x2x80xi32, #tpu.memory_space<vmem>> -> memref<1x25x2x80xi32, #tpu.memory_space<vmem>>
        %dma_start3A_434 = tpu.memref_squeeze %dma_start3A_433 : memref<1x25x2x80xi32, #tpu.memory_space<vmem>> -> memref<25x2x80xi32, #tpu.memory_space<vmem>>
        %dma_start3A_435 = arith.constant 0 : i32
        %dma_start3A_436 = arith.constant 0 : i32
        %dma_start3A_437 = tpu.memref_slice %arg9[%add3A, %mul3A_420, %dma_start3A_435, %dma_start3A_436] : memref<32x125x2x80xi32, #tpu.memory_space<hbm>> -> memref<1x25x2x80xi32, #tpu.memory_space<hbm>>
        %dma_start3A_438 = tpu.memref_squeeze %dma_start3A_437 : memref<1x25x2x80xi32, #tpu.memory_space<hbm>> -> memref<25x2x80xi32, #tpu.memory_space<hbm>>
        tpu.enqueue_dma source(%dma_start3A_438 : memref<25x2x80xi32, #tpu.memory_space<hbm>>) target(%dma_start3A_434 : memref<25x2x80xi32, #tpu.memory_space<vmem>>) target_semaphore(%arg23 : memref<!tpu.dma_semaphore, #tpu.memory_space<semaphore_mem>>)
      } else {
      }
      %get3A = arith.constant 0 : i32
      %get3A_272 = arith.index_cast %rem3A_239 : i32 to index
      %get3A_273 = arith.index_cast %rem3A_237 : i32 to index
      %get3A_274 = arith.index_cast %get3A : i32 to index
      %get3A_275 = arith.constant 0 : index
      %get3A_276 = tpu.vector_load %arg18[%get3A_272, %get3A_273, %get3A_274, %get3A_275] {strides = array<i32>} : memref<2x25x2x80xi32, #tpu.memory_space<vmem>>, vector<16xi32>,
      %get3A_277 = arith.constant 1 : i32
      %get3A_278 = arith.index_cast %rem3A_239 : i32 to index
      %get3A_279 = arith.index_cast %rem3A_237 : i32 to index
      %get3A_280 = arith.index_cast %get3A_277 : i32 to index
      %get3A_281 = arith.constant 0 : index
      %get3A_282 = tpu.vector_load %arg18[%get3A_278, %get3A_279, %get3A_280, %get3A_281] {strides = array<i32>} : memref<2x25x2x80xi32, #tpu.memory_space<vmem>>, vector<16xi32>,
      %gather3A = tpu.vector_load_idx %arg16[%get3A_276] : memref<10000xf32, #tpu.memory_space<vmem>>[vector<16xi32>], vector<16xf32>,
      %gather3A_283 = tpu.vector_load_idx %arg17[%get3A_282] : memref<10000xf32, #tpu.memory_space<vmem>>[vector<16xi32>], vector<16xf32>,
      %add3A_284 = arith.addf %gather3A, %gather3A_283 : vector<16xf32>
      %gt3A = arith.constant 0.000000e+00 : f32
      %gt3A_285 = vector.broadcast %gt3A : f32 to vector<16xf32>
      %gt3A_286 = arith.cmpf ogt, %add3A_284, %gt3A_285 : vector<16xf32>
      %mul3A_287 = arith.constant 2.000000e-01 : f32
      %mul3A_288 = vector.broadcast %mul3A_287 : f32 to vector<16xf32>
      %mul3A_289 = arith.mulf %mul3A_288, %add3A_284 : vector<16xf32>
      %select_n3A = arith.select %gt3A_286, %add3A_284, %mul3A_289 : vector<16xi1>, vector<16xf32>
      %exp3A = math.exp %select_n3A : vector<16xf32>
      %swap3A = arith.index_cast %rem3A_228 : i32 to index
      %swap3A_290 = arith.constant 0 : index
      %swap3A_291 = tpu.vector_load %arg20[%swap3A, %swap3A_290] {strides = array<i32>} : memref<2x80xf32, #tpu.memory_space<vmem>>, vector<16xf32>,
      tpu.vector_store %arg20[%swap3A, %swap3A_290], %exp3A {strides = array<i32>} : memref<2x80xf32, #tpu.memory_space<vmem>>, vector<16xf32>,
      %get3A_292 = arith.constant 0 : i32
      %get3A_293 = arith.index_cast %rem3A_239 : i32 to index
      %get3A_294 = arith.index_cast %rem3A_237 : i32 to index
      %get3A_295 = arith.index_cast %get3A_292 : i32 to index
      %get3A_296 = arith.constant 16 : index
      %get3A_297 = tpu.vector_load %arg18[%get3A_293, %get3A_294, %get3A_295, %get3A_296] {strides = array<i32>} : memref<2x25x2x80xi32, #tpu.memory_space<vmem>>, vector<16xi32>,
      %get3A_298 = arith.constant 1 : i32
      %get3A_299 = arith.index_cast %rem3A_239 : i32 to index
      %get3A_300 = arith.index_cast %rem3A_237 : i32 to index
      %get3A_301 = arith.index_cast %get3A_298 : i32 to index
      %get3A_302 = arith.constant 16 : index
      %get3A_303 = tpu.vector_load %arg18[%get3A_299, %get3A_300, %get3A_301, %get3A_302] {strides = array<i32>} : memref<2x25x2x80xi32, #tpu.memory_space<vmem>>, vector<16xi32>,
      %gather3A_304 = tpu.vector_load_idx %arg16[%get3A_297] : memref<10000xf32, #tpu.memory_space<vmem>>[vector<16xi32>], vector<16xf32>,
      %gather3A_305 = tpu.vector_load_idx %arg17[%get3A_303] : memref<10000xf32, #tpu.memory_space<vmem>>[vector<16xi32>], vector<16xf32>,
      %add3A_306 = arith.addf %gather3A_304, %gather3A_305 : vector<16xf32>
      %gt3A_307 = arith.constant 0.000000e+00 : f32
      %gt3A_308 = vector.broadcast %gt3A_307 : f32 to vector<16xf32>
      %gt3A_309 = arith.cmpf ogt, %add3A_306, %gt3A_308 : vector<16xf32>
      %mul3A_310 = arith.constant 2.000000e-01 : f32
      %mul3A_311 = vector.broadcast %mul3A_310 : f32 to vector<16xf32>
      %mul3A_312 = arith.mulf %mul3A_311, %add3A_306 : vector<16xf32>
      %select_n3A_313 = arith.select %gt3A_309, %add3A_306, %mul3A_312 : vector<16xi1>, vector<16xf32>
      %exp3A_314 = math.exp %select_n3A_313 : vector<16xf32>
      %swap3A_315 = arith.index_cast %rem3A_228 : i32 to index
      %swap3A_316 = arith.constant 16 : index
      %swap3A_317 = tpu.vector_load %arg20[%swap3A_315, %swap3A_316] {strides = array<i32>} : memref<2x80xf32, #tpu.memory_space<vmem>>, vector<16xf32>,
      tpu.vector_store %arg20[%swap3A_315, %swap3A_316], %exp3A_314 {strides = array<i32>} : memref<2x80xf32, #tpu.memory_space<vmem>>, vector<16xf32>,
      %get3A_318 = arith.constant 0 : i32
      %get3A_319 = arith.index_cast %rem3A_239 : i32 to index
      %get3A_320 = arith.index_cast %rem3A_237 : i32 to index
      %get3A_321 = arith.index_cast %get3A_318 : i32 to index
      %get3A_322 = arith.constant 32 : index
      %get3A_323 = tpu.vector_load %arg18[%get3A_319, %get3A_320, %get3A_321, %get3A_322] {strides = array<i32>} : memref<2x25x2x80xi32, #tpu.memory_space<vmem>>, vector<16xi32>,
      %get3A_324 = arith.constant 1 : i32
      %get3A_325 = arith.index_cast %rem3A_239 : i32 to index
      %get3A_326 = arith.index_cast %rem3A_237 : i32 to index
      %get3A_327 = arith.index_cast %get3A_324 : i32 to index
      %get3A_328 = arith.constant 32 : index
      %get3A_329 = tpu.vector_load %arg18[%get3A_325, %get3A_326, %get3A_327, %get3A_328] {strides = array<i32>} : memref<2x25x2x80xi32, #tpu.memory_space<vmem>>, vector<16xi32>,
      %gather3A_330 = tpu.vector_load_idx %arg16[%get3A_323] : memref<10000xf32, #tpu.memory_space<vmem>>[vector<16xi32>], vector<16xf32>,
      %gather3A_331 = tpu.vector_load_idx %arg17[%get3A_329] : memref<10000xf32, #tpu.memory_space<vmem>>[vector<16xi32>], vector<16xf32>,
      %add3A_332 = arith.addf %gather3A_330, %gather3A_331 : vector<16xf32>
      %gt3A_333 = arith.constant 0.000000e+00 : f32
      %gt3A_334 = vector.broadcast %gt3A_333 : f32 to vector<16xf32>
      %gt3A_335 = arith.cmpf ogt, %add3A_332, %gt3A_334 : vector<16xf32>
      %mul3A_336 = arith.constant 2.000000e-01 : f32
      %mul3A_337 = vector.broadcast %mul3A_336 : f32 to vector<16xf32>
      %mul3A_338 = arith.mulf %mul3A_337, %add3A_332 : vector<16xf32>
      %select_n3A_339 = arith.select %gt3A_335, %add3A_332, %mul3A_338 : vector<16xi1>, vector<16xf32>
      %exp3A_340 = math.exp %select_n3A_339 : vector<16xf32>
      %swap3A_341 = arith.index_cast %rem3A_228 : i32 to index
      %swap3A_342 = arith.constant 32 : index
      %swap3A_343 = tpu.vector_load %arg20[%swap3A_341, %swap3A_342] {strides = array<i32>} : memref<2x80xf32, #tpu.memory_space<vmem>>, vector<16xf32>,
      tpu.vector_store %arg20[%swap3A_341, %swap3A_342], %exp3A_340 {strides = array<i32>} : memref<2x80xf32, #tpu.memory_space<vmem>>, vector<16xf32>,
      %get3A_344 = arith.constant 0 : i32
      %get3A_345 = arith.index_cast %rem3A_239 : i32 to index
      %get3A_346 = arith.index_cast %rem3A_237 : i32 to index
      %get3A_347 = arith.index_cast %get3A_344 : i32 to index
      %get3A_348 = arith.constant 48 : index
      %get3A_349 = tpu.vector_load %arg18[%get3A_345, %get3A_346, %get3A_347, %get3A_348] {strides = array<i32>} : memref<2x25x2x80xi32, #tpu.memory_space<vmem>>, vector<16xi32>,
      %get3A_350 = arith.constant 1 : i32
      %get3A_351 = arith.index_cast %rem3A_239 : i32 to index
      %get3A_352 = arith.index_cast %rem3A_237 : i32 to index
      %get3A_353 = arith.index_cast %get3A_350 : i32 to index
      %get3A_354 = arith.constant 48 : index
      %get3A_355 = tpu.vector_load %arg18[%get3A_351, %get3A_352, %get3A_353, %get3A_354] {strides = array<i32>} : memref<2x25x2x80xi32, #tpu.memory_space<vmem>>, vector<16xi32>,
      %gather3A_356 = tpu.vector_load_idx %arg16[%get3A_349] : memref<10000xf32, #tpu.memory_space<vmem>>[vector<16xi32>], vector<16xf32>,
      %gather3A_357 = tpu.vector_load_idx %arg17[%get3A_355] : memref<10000xf32, #tpu.memory_space<vmem>>[vector<16xi32>], vector<16xf32>,
      %add3A_358 = arith.addf %gather3A_356, %gather3A_357 : vector<16xf32>
      %gt3A_359 = arith.constant 0.000000e+00 : f32
      %gt3A_360 = vector.broadcast %gt3A_359 : f32 to vector<16xf32>
      %gt3A_361 = arith.cmpf ogt, %add3A_358, %gt3A_360 : vector<16xf32>
      %mul3A_362 = arith.constant 2.000000e-01 : f32
      %mul3A_363 = vector.broadcast %mul3A_362 : f32 to vector<16xf32>
      %mul3A_364 = arith.mulf %mul3A_363, %add3A_358 : vector<16xf32>
      %select_n3A_365 = arith.select %gt3A_361, %add3A_358, %mul3A_364 : vector<16xi1>, vector<16xf32>
      %exp3A_366 = math.exp %select_n3A_365 : vector<16xf32>
      %swap3A_367 = arith.index_cast %rem3A_228 : i32 to index
      %swap3A_368 = arith.constant 48 : index
      %swap3A_369 = tpu.vector_load %arg20[%swap3A_367, %swap3A_368] {strides = array<i32>} : memref<2x80xf32, #tpu.memory_space<vmem>>, vector<16xf32>,
      tpu.vector_store %arg20[%swap3A_367, %swap3A_368], %exp3A_366 {strides = array<i32>} : memref<2x80xf32, #tpu.memory_space<vmem>>, vector<16xf32>,
      %get3A_370 = arith.constant 0 : i32
      %get3A_371 = arith.index_cast %rem3A_239 : i32 to index
      %get3A_372 = arith.index_cast %rem3A_237 : i32 to index
      %get3A_373 = arith.index_cast %get3A_370 : i32 to index
      %get3A_374 = arith.constant 64 : index
      %get3A_375 = tpu.vector_load %arg18[%get3A_371, %get3A_372, %get3A_373, %get3A_374] {strides = array<i32>} : memref<2x25x2x80xi32, #tpu.memory_space<vmem>>, vector<16xi32>,
      %get3A_376 = arith.constant 1 : i32
      %get3A_377 = arith.index_cast %rem3A_239 : i32 to index
      %get3A_378 = arith.index_cast %rem3A_237 : i32 to index
      %get3A_379 = arith.index_cast %get3A_376 : i32 to index
      %get3A_380 = arith.constant 64 : index
      %get3A_381 = tpu.vector_load %arg18[%get3A_377, %get3A_378, %get3A_379, %get3A_380] {strides = array<i32>} : memref<2x25x2x80xi32, #tpu.memory_space<vmem>>, vector<16xi32>,
      %gather3A_382 = tpu.vector_load_idx %arg16[%get3A_375] : memref<10000xf32, #tpu.memory_space<vmem>>[vector<16xi32>], vector<16xf32>,
      %gather3A_383 = tpu.vector_load_idx %arg17[%get3A_381] : memref<10000xf32, #tpu.memory_space<vmem>>[vector<16xi32>], vector<16xf32>,
      %add3A_384 = arith.addf %gather3A_382, %gather3A_383 : vector<16xf32>
      %gt3A_385 = arith.constant 0.000000e+00 : f32
      %gt3A_386 = vector.broadcast %gt3A_385 : f32 to vector<16xf32>
      %gt3A_387 = arith.cmpf ogt, %add3A_384, %gt3A_386 : vector<16xf32>
      %mul3A_388 = arith.constant 2.000000e-01 : f32
      %mul3A_389 = vector.broadcast %mul3A_388 : f32 to vector<16xf32>
      %mul3A_390 = arith.mulf %mul3A_389, %add3A_384 : vector<16xf32>
      %select_n3A_391 = arith.select %gt3A_387, %add3A_384, %mul3A_390 : vector<16xi1>, vector<16xf32>
      %exp3A_392 = math.exp %select_n3A_391 : vector<16xf32>
      %swap3A_393 = arith.index_cast %rem3A_228 : i32 to index
      %swap3A_394 = arith.constant 64 : index
      %swap3A_395 = tpu.vector_load %arg20[%swap3A_393, %swap3A_394] {strides = array<i32>} : memref<2x80xf32, #tpu.memory_space<vmem>>, vector<16xf32>,
      tpu.vector_store %arg20[%swap3A_393, %swap3A_394], %exp3A_392 {strides = array<i32>} : memref<2x80xf32, #tpu.memory_space<vmem>>, vector<16xf32>,
      %dma_start3A_396 = arith.constant 1 : i32
      %dma_start3A_397 = arith.constant 0 : i32
      %dma_start3A_398 = tpu.memref_slice %arg20[%rem3A_228, %dma_start3A_397] : memref<2x80xf32, #tpu.memory_space<vmem>> -> memref<1x80xf32, #tpu.memory_space<vmem>>
      %dma_start3A_399 = tpu.memref_squeeze %dma_start3A_398 : memref<1x80xf32, #tpu.memory_space<vmem>> -> memref<80xf32, #tpu.memory_space<vmem>>
      %dma_start3A_400 = arith.constant 0 : i32
      %dma_start3A_401 = tpu.memref_slice %arg18[%rem3A_239, %rem3A_237, %dma_start3A_396, %dma_start3A_400] : memref<2x25x2x80xi32, #tpu.memory_space<vmem>> -> memref<1x1x1x80xi32, #tpu.memory_space<vmem>>
      %dma_start3A_402 = tpu.memref_squeeze %dma_start3A_401 : memref<1x1x1x80xi32, #tpu.memory_space<vmem>> -> memref<80xi32, #tpu.memory_space<vmem>>
      %dma_start3A_403 = arith.constant 0 : i32
      %dma_start3A_404 = tpu.memref_slice %arg15[%dma_start3A_403] : memref<10240xf32, #tpu.memory_space<vmem_shared>> -> memref<10240xf32, #tpu.memory_space<vmem_shared>>
      tpu.enqueue_indirect_dma source(%dma_start3A_399 : memref<80xf32, #tpu.memory_space<vmem>>) target(%dma_start3A_404 : memref<10240xf32, #tpu.memory_space<vmem_shared>>) offsets(%dma_start3A_402 : memref<80xi32, #tpu.memory_space<vmem>>) semaphore(%arg24 : memref<!tpu.dma_semaphore, #tpu.memory_space<semaphore_mem>>) {add = true}
      %parallel_loop3A_405 = arith.constant 0 : i32
      %parallel_loop3A_406 = arith.constant 80 : i32
      %parallel_loop3A_407 = arith.constant 1 : i32
      scf.for %parallel_loop3A_417 = %parallel_loop3A_405 to %parallel_loop3A_406 step %parallel_loop3A_407  : i32 {
        %parallel_loop3A_418 = vector.broadcast %rem3A_228 : i32 to vector<16xi32>
        %parallel_loop3A_419 = vector.broadcast %parallel_loop3A_417 : i32 to vector<16xi32>
        %parallel_loop3A_420 = tpu.vector_load_idx %arg20[%parallel_loop3A_418, %parallel_loop3A_419] : memref<2x80xf32, #tpu.memory_space<vmem>>[vector<16xi32>, vector<16xi32>], vector<16xf32>,
        %parallel_loop3A_421 = arith.addi %mul3A_230, %parallel_loop3A_417 : i32
        %parallel_loop3A_422 = arith.index_cast %parallel_loop3A_421 : i32 to index
        %parallel_loop3A_423 = arith.constant 0 : index
        %parallel_loop3A_424 = tpu.vector_load %arg19[%parallel_loop3A_422, %parallel_loop3A_423] {strides = array<i32>} : memref<160x128xf32, #tpu.memory_space<vmem>>, vector<16xf32>,
        %parallel_loop3A_425 = arith.mulf %parallel_loop3A_424, %parallel_loop3A_420 : vector<16xf32>
        %parallel_loop3A_426 = arith.addi %mul3A_230, %parallel_loop3A_417 : i32
        %parallel_loop3A_427 = arith.index_cast %parallel_loop3A_426 : i32 to index
        %parallel_loop3A_428 = arith.constant 0 : index
        %parallel_loop3A_429 = tpu.vector_load %arg19[%parallel_loop3A_427, %parallel_loop3A_428] {strides = array<i32>} : memref<160x128xf32, #tpu.memory_space<vmem>>, vector<16xf32>,
        tpu.vector_store %arg19[%parallel_loop3A_427, %parallel_loop3A_428], %parallel_loop3A_425 {strides = array<i32>} : memref<160x128xf32, #tpu.memory_space<vmem>>, vector<16xf32>,
        %parallel_loop3A_430 = arith.addi %mul3A_230, %parallel_loop3A_417 : i32
        %parallel_loop3A_431 = arith.index_cast %parallel_loop3A_430 : i32 to index
        %parallel_loop3A_432 = arith.constant 16 : index
        %parallel_loop3A_433 = tpu.vector_load %arg19[%parallel_loop3A_431, %parallel_loop3A_432] {strides = array<i32>} : memref<160x128xf32, #tpu.memory_space<vmem>>, vector<16xf32>,
        %parallel_loop3A_434 = arith.mulf %parallel_loop3A_433, %parallel_loop3A_420 : vector<16xf32>
        %parallel_loop3A_435 = arith.addi %mul3A_230, %parallel_loop3A_417 : i32
        %parallel_loop3A_436 = arith.index_cast %parallel_loop3A_435 : i32 to index
        %parallel_loop3A_437 = arith.constant 16 : index
        %parallel_loop3A_438 = tpu.vector_load %arg19[%parallel_loop3A_436, %parallel_loop3A_437] {strides = array<i32>} : memref<160x128xf32, #tpu.memory_space<vmem>>, vector<16xf32>,
        tpu.vector_store %arg19[%parallel_loop3A_436, %parallel_loop3A_437], %parallel_loop3A_434 {strides = array<i32>} : memref<160x128xf32, #tpu.memory_space<vmem>>, vector<16xf32>,
        %parallel_loop3A_439 = arith.addi %mul3A_230, %parallel_loop3A_417 : i32
        %parallel_loop3A_440 = arith.index_cast %parallel_loop3A_439 : i32 to index
        %parallel_loop3A_441 = arith.constant 32 : index
        %parallel_loop3A_442 = tpu.vector_load %arg19[%parallel_loop3A_440, %parallel_loop3A_441] {strides = array<i32>} : memref<160x128xf32, #tpu.memory_space<vmem>>, vector<16xf32>,
        %parallel_loop3A_443 = arith.mulf %parallel_loop3A_442, %parallel_loop3A_420 : vector<16xf32>
        %parallel_loop3A_444 = arith.addi %mul3A_230, %parallel_loop3A_417 : i32
        %parallel_loop3A_445 = arith.index_cast %parallel_loop3A_444 : i32 to index
        %parallel_loop3A_446 = arith.constant 32 : index
        %parallel_loop3A_447 = tpu.vector_load %arg19[%parallel_loop3A_445, %parallel_loop3A_446] {strides = array<i32>} : memref<160x128xf32, #tpu.memory_space<vmem>>, vector<16xf32>,
        tpu.vector_store %arg19[%parallel_loop3A_445, %parallel_loop3A_446], %parallel_loop3A_443 {strides = array<i32>} : memref<160x128xf32, #tpu.memory_space<vmem>>, vector<16xf32>,
        %parallel_loop3A_448 = arith.addi %mul3A_230, %parallel_loop3A_417 : i32
        %parallel_loop3A_449 = arith.index_cast %parallel_loop3A_448 : i32 to index
        %parallel_loop3A_450 = arith.constant 48 : index
        %parallel_loop3A_451 = tpu.vector_load %arg19[%parallel_loop3A_449, %parallel_loop3A_450] {strides = array<i32>} : memref<160x128xf32, #tpu.memory_space<vmem>>, vector<16xf32>,
        %parallel_loop3A_452 = arith.mulf %parallel_loop3A_451, %parallel_loop3A_420 : vector<16xf32>
        %parallel_loop3A_453 = arith.addi %mul3A_230, %parallel_loop3A_417 : i32
        %parallel_loop3A_454 = arith.index_cast %parallel_loop3A_453 : i32 to index
        %parallel_loop3A_455 = arith.constant 48 : index
        %parallel_loop3A_456 = tpu.vector_load %arg19[%parallel_loop3A_454, %parallel_loop3A_455] {strides = array<i32>} : memref<160x128xf32, #tpu.memory_space<vmem>>, vector<16xf32>,
        tpu.vector_store %arg19[%parallel_loop3A_454, %parallel_loop3A_455], %parallel_loop3A_452 {strides = array<i32>} : memref<160x128xf32, #tpu.memory_space<vmem>>, vector<16xf32>,
        %parallel_loop3A_457 = arith.addi %mul3A_230, %parallel_loop3A_417 : i32
        %parallel_loop3A_458 = arith.index_cast %parallel_loop3A_457 : i32 to index
        %parallel_loop3A_459 = arith.constant 64 : index
        %parallel_loop3A_460 = tpu.vector_load %arg19[%parallel_loop3A_458, %parallel_loop3A_459] {strides = array<i32>} : memref<160x128xf32, #tpu.memory_space<vmem>>, vector<16xf32>,
        %parallel_loop3A_461 = arith.mulf %parallel_loop3A_460, %parallel_loop3A_420 : vector<16xf32>
        %parallel_loop3A_462 = arith.addi %mul3A_230, %parallel_loop3A_417 : i32
        %parallel_loop3A_463 = arith.index_cast %parallel_loop3A_462 : i32 to index
        %parallel_loop3A_464 = arith.constant 64 : index
        %parallel_loop3A_465 = tpu.vector_load %arg19[%parallel_loop3A_463, %parallel_loop3A_464] {strides = array<i32>} : memref<160x128xf32, #tpu.memory_space<vmem>>, vector<16xf32>,
        tpu.vector_store %arg19[%parallel_loop3A_463, %parallel_loop3A_464], %parallel_loop3A_461 {strides = array<i32>} : memref<160x128xf32, #tpu.memory_space<vmem>>, vector<16xf32>,
        %parallel_loop3A_466 = arith.addi %mul3A_230, %parallel_loop3A_417 : i32
        %parallel_loop3A_467 = arith.index_cast %parallel_loop3A_466 : i32 to index
        %parallel_loop3A_468 = arith.constant 80 : index
        %parallel_loop3A_469 = tpu.vector_load %arg19[%parallel_loop3A_467, %parallel_loop3A_468] {strides = array<i32>} : memref<160x128xf32, #tpu.memory_space<vmem>>, vector<16xf32>,
        %parallel_loop3A_470 = arith.mulf %parallel_loop3A_469, %parallel_loop3A_420 : vector<16xf32>
        %parallel_loop3A_471 = arith.addi %mul3A_230, %parallel_loop3A_417 : i32
        %parallel_loop3A_472 = arith.index_cast %parallel_loop3A_471 : i32 to index
        %parallel_loop3A_473 = arith.constant 80 : index
        %parallel_loop3A_474 = tpu.vector_load %arg19[%parallel_loop3A_472, %parallel_loop3A_473] {strides = array<i32>} : memref<160x128xf32, #tpu.memory_space<vmem>>, vector<16xf32>,
        tpu.vector_store %arg19[%parallel_loop3A_472, %parallel_loop3A_473], %parallel_loop3A_470 {strides = array<i32>} : memref<160x128xf32, #tpu.memory_space<vmem>>, vector<16xf32>,
        %parallel_loop3A_475 = arith.addi %mul3A_230, %parallel_loop3A_417 : i32
        %parallel_loop3A_476 = arith.index_cast %parallel_loop3A_475 : i32 to index
        %parallel_loop3A_477 = arith.constant 96 : index
        %parallel_loop3A_478 = tpu.vector_load %arg19[%parallel_loop3A_476, %parallel_loop3A_477] {strides = array<i32>} : memref<160x128xf32, #tpu.memory_space<vmem>>, vector<16xf32>,
        %parallel_loop3A_479 = arith.mulf %parallel_loop3A_478, %parallel_loop3A_420 : vector<16xf32>
        %parallel_loop3A_480 = arith.addi %mul3A_230, %parallel_loop3A_417 : i32
        %parallel_loop3A_481 = arith.index_cast %parallel_loop3A_480 : i32 to index
        %parallel_loop3A_482 = arith.constant 96 : index
        %parallel_loop3A_483 = tpu.vector_load %arg19[%parallel_loop3A_481, %parallel_loop3A_482] {strides = array<i32>} : memref<160x128xf32, #tpu.memory_space<vmem>>, vector<16xf32>,
        tpu.vector_store %arg19[%parallel_loop3A_481, %parallel_loop3A_482], %parallel_loop3A_479 {strides = array<i32>} : memref<160x128xf32, #tpu.memory_space<vmem>>, vector<16xf32>,
        %parallel_loop3A_484 = arith.addi %mul3A_230, %parallel_loop3A_417 : i32
        %parallel_loop3A_485 = arith.index_cast %parallel_loop3A_484 : i32 to index
        %parallel_loop3A_486 = arith.constant 112 : index
        %parallel_loop3A_487 = tpu.vector_load %arg19[%parallel_loop3A_485, %parallel_loop3A_486] {strides = array<i32>} : memref<160x128xf32, #tpu.memory_space<vmem>>, vector<16xf32>,
        %parallel_loop3A_488 = arith.mulf %parallel_loop3A_487, %parallel_loop3A_420 : vector<16xf32>
        %parallel_loop3A_489 = arith.addi %mul3A_230, %parallel_loop3A_417 : i32
        %parallel_loop3A_490 = arith.index_cast %parallel_loop3A_489 : i32 to index
        %parallel_loop3A_491 = arith.constant 112 : index
        %parallel_loop3A_492 = tpu.vector_load %arg19[%parallel_loop3A_490, %parallel_loop3A_491] {strides = array<i32>} : memref<160x128xf32, #tpu.memory_space<vmem>>, vector<16xf32>,
        tpu.vector_store %arg19[%parallel_loop3A_490, %parallel_loop3A_491], %parallel_loop3A_488 {strides = array<i32>} : memref<160x128xf32, #tpu.memory_space<vmem>>, vector<16xf32>,
      } {sc.loop_unroll_factor = 4 : i64, sc.parallel_access}
      %dma_start3A_408 = arith.constant 1 : i32
      %dma_start3A_409 = arith.constant 0 : i32
      %dma_start3A_410 = tpu.memref_slice %arg19[%mul3A_230, %dma_start3A_409] : memref<160x128xf32, #tpu.memory_space<vmem>> -> memref<80x128xf32, #tpu.memory_space<vmem>>
      %dma_start3A_411 = arith.constant 0 : i32
      %dma_start3A_412 = tpu.memref_slice %arg18[%rem3A_239, %rem3A_237, %dma_start3A_408, %dma_start3A_411] : memref<2x25x2x80xi32, #tpu.memory_space<vmem>> -> memref<1x1x1x80xi32, #tpu.memory_space<vmem>>
      %dma_start3A_413 = tpu.memref_squeeze %dma_start3A_412 : memref<1x1x1x80xi32, #tpu.memory_space<vmem>> -> memref<80xi32, #tpu.memory_space<vmem>>
      %dma_start3A_414 = arith.constant 0 : i32
      %dma_start3A_415 = arith.constant 0 : i32
      %dma_start3A_416 = tpu.memref_slice %arg14[%dma_start3A_414, %dma_start3A_415] : memref<10000x128xf32, #tpu.memory_space<vmem_shared>> -> memref<10000x128xf32, #tpu.memory_space<vmem_shared>>
      tpu.enqueue_indirect_dma source(%dma_start3A_410 : memref<80x128xf32, #tpu.memory_space<vmem>>) target(%dma_start3A_416 : memref<10000x128xf32, #tpu.memory_space<vmem_shared>>) offsets(%dma_start3A_413 : memref<80xi32, #tpu.memory_space<vmem>>) semaphore(%arg25 : memref<!tpu.dma_semaphore, #tpu.memory_space<semaphore_mem>>) {add = true}
    }
    %scan3A_171 = arith.constant 125 : i32
    %dma_wait3A_172 = arith.constant 0 : i32
    %dma_wait3A_173 = arith.constant 0 : i32
    %dma_wait3A_174 = arith.constant 24 : i32
    %dma_wait3A_175 = arith.constant 1 : i32
    %dma_wait3A_176 = arith.constant 0 : i32
    %dma_wait3A_177 = tpu.memref_slice %arg20[%dma_wait3A_172, %dma_wait3A_176] : memref<2x80xf32, #tpu.memory_space<vmem>> -> memref<1x80xf32, #tpu.memory_space<vmem>>
    %dma_wait3A_178 = tpu.memref_squeeze %dma_wait3A_177 : memref<1x80xf32, #tpu.memory_space<vmem>> -> memref<80xf32, #tpu.memory_space<vmem>>
    %dma_wait3A_179 = arith.constant 0 : i32
    %dma_wait3A_180 = tpu.memref_slice %arg18[%dma_wait3A_173, %dma_wait3A_174, %dma_wait3A_175, %dma_wait3A_179] : memref<2x25x2x80xi32, #tpu.memory_space<vmem>> -> memref<1x1x1x80xi32, #tpu.memory_space<vmem>>
    %dma_wait3A_181 = tpu.memref_squeeze %dma_wait3A_180 : memref<1x1x1x80xi32, #tpu.memory_space<vmem>> -> memref<80xi32, #tpu.memory_space<vmem>>
    %dma_wait3A_182 = arith.constant 0 : i32
    %dma_wait3A_183 = tpu.memref_slice %arg15[%dma_wait3A_182] : memref<10240xf32, #tpu.memory_space<vmem_shared>> -> memref<10240xf32, #tpu.memory_space<vmem_shared>>
    tpu.wait_indirect_dma semaphore(%arg24 : memref<!tpu.dma_semaphore, #tpu.memory_space<semaphore_mem>>) src(%dma_wait3A_178 : memref<80xf32, #tpu.memory_space<vmem>>) dst(%dma_wait3A_183 : memref<10240xf32, #tpu.memory_space<vmem_shared>>)
    %dma_wait3A_184 = arith.constant 1 : i32
    %dma_wait3A_185 = arith.constant 0 : i32
    %dma_wait3A_186 = arith.constant 23 : i32
    %dma_wait3A_187 = arith.constant 1 : i32
    %dma_wait3A_188 = arith.constant 0 : i32
    %dma_wait3A_189 = tpu.memref_slice %arg20[%dma_wait3A_184, %dma_wait3A_188] : memref<2x80xf32, #tpu.memory_space<vmem>> -> memref<1x80xf32, #tpu.memory_space<vmem>>
    %dma_wait3A_190 = tpu.memref_squeeze %dma_wait3A_189 : memref<1x80xf32, #tpu.memory_space<vmem>> -> memref<80xf32, #tpu.memory_space<vmem>>
    %dma_wait3A_191 = arith.constant 0 : i32
    %dma_wait3A_192 = tpu.memref_slice %arg18[%dma_wait3A_185, %dma_wait3A_186, %dma_wait3A_187, %dma_wait3A_191] : memref<2x25x2x80xi32, #tpu.memory_space<vmem>> -> memref<1x1x1x80xi32, #tpu.memory_space<vmem>>
    %dma_wait3A_193 = tpu.memref_squeeze %dma_wait3A_192 : memref<1x1x1x80xi32, #tpu.memory_space<vmem>> -> memref<80xi32, #tpu.memory_space<vmem>>
    %dma_wait3A_194 = arith.constant 0 : i32
    %dma_wait3A_195 = tpu.memref_slice %arg15[%dma_wait3A_194] : memref<10240xf32, #tpu.memory_space<vmem_shared>> -> memref<10240xf32, #tpu.memory_space<vmem_shared>>
    tpu.wait_indirect_dma semaphore(%arg24 : memref<!tpu.dma_semaphore, #tpu.memory_space<semaphore_mem>>) src(%dma_wait3A_190 : memref<80xf32, #tpu.memory_space<vmem>>) dst(%dma_wait3A_195 : memref<10240xf32, #tpu.memory_space<vmem_shared>>)
    %dma_wait3A_196 = arith.constant 0 : i32
    %dma_wait3A_197 = arith.constant 24 : i32
    %dma_wait3A_198 = arith.constant 1 : i32
    %dma_wait3A_199 = arith.constant 0 : i32
    %dma_wait3A_200 = arith.constant 0 : i32
    %dma_wait3A_201 = tpu.memref_slice %arg19[%dma_wait3A_199, %dma_wait3A_200] : memref<160x128xf32, #tpu.memory_space<vmem>> -> memref<80x128xf32, #tpu.memory_space<vmem>>
    %dma_wait3A_202 = arith.constant 0 : i32
    %dma_wait3A_203 = tpu.memref_slice %arg18[%dma_wait3A_196, %dma_wait3A_197, %dma_wait3A_198, %dma_wait3A_202] : memref<2x25x2x80xi32, #tpu.memory_space<vmem>> -> memref<1x1x1x80xi32, #tpu.memory_space<vmem>>
    %dma_wait3A_204 = tpu.memref_squeeze %dma_wait3A_203 : memref<1x1x1x80xi32, #tpu.memory_space<vmem>> -> memref<80xi32, #tpu.memory_space<vmem>>
    %dma_wait3A_205 = arith.constant 0 : i32
    %dma_wait3A_206 = arith.constant 0 : i32
    %dma_wait3A_207 = tpu.memref_slice %arg14[%dma_wait3A_205, %dma_wait3A_206] : memref<10000x128xf32, #tpu.memory_space<vmem_shared>> -> memref<10000x128xf32, #tpu.memory_space<vmem_shared>>
    tpu.wait_indirect_dma semaphore(%arg25 : memref<!tpu.dma_semaphore, #tpu.memory_space<semaphore_mem>>) src(%dma_wait3A_201 : memref<80x128xf32, #tpu.memory_space<vmem>>) dst(%dma_wait3A_207 : memref<10000x128xf32, #tpu.memory_space<vmem_shared>>)
    %dma_wait3A_208 = arith.constant 0 : i32
    %dma_wait3A_209 = arith.constant 23 : i32
    %dma_wait3A_210 = arith.constant 1 : i32
    %dma_wait3A_211 = arith.constant 80 : i32
    %dma_wait3A_212 = arith.constant 0 : i32
    %dma_wait3A_213 = tpu.memref_slice %arg19[%dma_wait3A_211, %dma_wait3A_212] : memref<160x128xf32, #tpu.memory_space<vmem>> -> memref<80x128xf32, #tpu.memory_space<vmem>>
    %dma_wait3A_214 = arith.constant 0 : i32
    %dma_wait3A_215 = tpu.memref_slice %arg18[%dma_wait3A_208, %dma_wait3A_209, %dma_wait3A_210, %dma_wait3A_214] : memref<2x25x2x80xi32, #tpu.memory_space<vmem>> -> memref<1x1x1x80xi32, #tpu.memory_space<vmem>>
    %dma_wait3A_216 = tpu.memref_squeeze %dma_wait3A_215 : memref<1x1x1x80xi32, #tpu.memory_space<vmem>> -> memref<80xi32, #tpu.memory_space<vmem>>
    %dma_wait3A_217 = arith.constant 0 : i32
    %dma_wait3A_218 = arith.constant 0 : i32
    %dma_wait3A_219 = tpu.memref_slice %arg14[%dma_wait3A_217, %dma_wait3A_218] : memref<10000x128xf32, #tpu.memory_space<vmem_shared>> -> memref<10000x128xf32, #tpu.memory_space<vmem_shared>>
    tpu.wait_indirect_dma semaphore(%arg25 : memref<!tpu.dma_semaphore, #tpu.memory_space<semaphore_mem>>) src(%dma_wait3A_213 : memref<80x128xf32, #tpu.memory_space<vmem>>) dst(%dma_wait3A_219 : memref<10000x128xf32, #tpu.memory_space<vmem_shared>>)
    %barrier3A_220 = arith.constant 0 : index
    tpu.barrier barrier_id(%barrier3A_220)
    "tpu.region"() ({
      %run_scoped3A_227 = tpu.sem_alloc : memref<!tpu.dma_semaphore, #tpu.memory_space<semaphore_mem>>
      %dma_start3A_228 = arith.constant 0 : i32
      %dma_start3A_229 = tpu.memref_slice %arg12[%arg0, %mul3A_120, %dma_start3A_228] : memref<2x10000x128xf32, #tpu.memory_space<hbm>> -> memref<1x625x128xf32, #tpu.memory_space<hbm>>
      %dma_start3A_230 = tpu.memref_squeeze %dma_start3A_229 : memref<1x625x128xf32, #tpu.memory_space<hbm>> -> memref<625x128xf32, #tpu.memory_space<hbm>>
      %dma_start3A_231 = arith.constant 0 : i32
      %dma_start3A_232 = tpu.memref_slice %arg14[%mul3A_120, %dma_start3A_231] : memref<10000x128xf32, #tpu.memory_space<vmem_shared>> -> memref<625x128xf32, #tpu.memory_space<vmem_shared>>
      tpu.enqueue_dma source(%dma_start3A_232 : memref<625x128xf32, #tpu.memory_space<vmem_shared>>) target(%dma_start3A_230 : memref<625x128xf32, #tpu.memory_space<hbm>>) target_semaphore(%run_scoped3A_227 : memref<!tpu.dma_semaphore, #tpu.memory_space<semaphore_mem>>)
      %dma_wait3A_233 = arith.constant 0 : i32
      %dma_wait3A_234 = tpu.memref_slice %arg12[%arg0, %mul3A_120, %dma_wait3A_233] : memref<2x10000x128xf32, #tpu.memory_space<hbm>> -> memref<1x625x128xf32, #tpu.memory_space<hbm>>
      %dma_wait3A_235 = tpu.memref_squeeze %dma_wait3A_234 : memref<1x625x128xf32, #tpu.memory_space<hbm>> -> memref<625x128xf32, #tpu.memory_space<hbm>>
      %dma_wait3A_236 = arith.constant 0 : i32
      %dma_wait3A_237 = tpu.memref_slice %arg14[%mul3A_120, %dma_wait3A_236] : memref<10000x128xf32, #tpu.memory_space<vmem_shared>> -> memref<625x128xf32, #tpu.memory_space<vmem_shared>>
      tpu.wait_dma2 semaphore(%run_scoped3A_227 : memref<!tpu.dma_semaphore, #tpu.memory_space<semaphore_mem>>) src(%dma_wait3A_237 : memref<625x128xf32, #tpu.memory_space<vmem_shared>>) dst(%dma_wait3A_235 : memref<625x128xf32, #tpu.memory_space<hbm>>)
      tpu.yield
    }) : () -> ()
    %eq3A_221 = arith.constant 0 : i32
    %eq3A_222 = arith.cmpi eq, %arg1, %eq3A_221 : i32
    %convert_element_type3A_223 = arith.extui %eq3A_222 : i1 to i32
    %cond3A_224 = arith.constant 0 : i32
    %cond3A_225 = arith.cmpi ne, %convert_element_type3A_223, %cond3A_224 : i32
    scf.if %cond3A_225 {
      "tpu.region"() ({
        %run_scoped3A_227 = tpu.sem_alloc : memref<!tpu.dma_semaphore, #tpu.memory_space<semaphore_mem>>
        %dma_start3A_228 = arith.constant 0 : i32
        %dma_start3A_229 = tpu.memref_slice %arg13[%arg0, %dma_start3A_228] : memref<2x10240xf32, #tpu.memory_space<hbm>> -> memref<1x10240xf32, #tpu.memory_space<hbm>>
        %dma_start3A_230 = tpu.memref_squeeze %dma_start3A_229 : memref<1x10240xf32, #tpu.memory_space<hbm>> -> memref<10240xf32, #tpu.memory_space<hbm>>
        tpu.enqueue_dma source(%arg15 : memref<10240xf32, #tpu.memory_space<vmem_shared>>) target(%dma_start3A_230 : memref<10240xf32, #tpu.memory_space<hbm>>) target_semaphore(%run_scoped3A_227 : memref<!tpu.dma_semaphore, #tpu.memory_space<semaphore_mem>>)
        %dma_wait3A_231 = arith.constant 0 : i32
        %dma_wait3A_232 = tpu.memref_slice %arg13[%arg0, %dma_wait3A_231] : memref<2x10240xf32, #tpu.memory_space<hbm>> -> memref<1x10240xf32, #tpu.memory_space<hbm>>
        %dma_wait3A_233 = tpu.memref_squeeze %dma_wait3A_232 : memref<1x10240xf32, #tpu.memory_space<hbm>> -> memref<10240xf32, #tpu.memory_space<hbm>>
        tpu.wait_dma2 semaphore(%run_scoped3A_227 : memref<!tpu.dma_semaphore, #tpu.memory_space<semaphore_mem>>) src(%arg15 : memref<10240xf32, #tpu.memory_space<vmem_shared>>) dst(%dma_wait3A_233 : memref<10240xf32, #tpu.memory_space<hbm>>)
        tpu.yield
      }) : () -> ()
    } else {
    }
    %barrier3A_226 = arith.constant 0 : index
    tpu.barrier barrier_id(%barrier3A_226)
    return
  }
}

module attributes {stable_mosaic.version = 14 : i64} {
  func.func @_proj_body(%arg0: memref<10000x128xf32, #tpu.memory_space<vmem>>, %arg1: memref<10000x128xf32, #tpu.memory_space<vmem>>, %arg2: memref<10000x128xf32, #tpu.memory_space<vmem>>, %arg3: memref<128x128xf32, #tpu.memory_space<vmem>>, %arg4: memref<1x128xf32, #tpu.memory_space<vmem>>, %arg5: memref<1x128xf32, #tpu.memory_space<vmem>>, %arg6: memref<128x128xf32, #tpu.memory_space<vmem>>, %arg7: memref<1x128xf32, #tpu.memory_space<vmem>>, %arg8: memref<1x128xf32, #tpu.memory_space<vmem>>, %arg9: memref<10000x128xf32, #tpu.memory_space<vmem>>, %arg10: memref<10000x128xf32, #tpu.memory_space<vmem>>, %arg11: memref<10000x4xf32, #tpu.memory_space<vmem>>) attributes {dimension_semantics = [], scalar_prefetch = 0 : i64, scratch_operands = 0 : i64, tpu.core_type = #tpu.core_type<tc>} {
    %get3A = arith.constant 0 : index
    %get3A_0 = arith.constant 0 : index
    %get3A_1 = vector.load %arg1[%get3A, %get3A_0] : memref<10000x128xf32, #tpu.memory_space<vmem>>, vector<10000x128xf32>
    %get3A_2 = arith.constant 0 : index
    %get3A_3 = arith.constant 0 : index
    %get3A_4 = vector.load %arg3[%get3A_2, %get3A_3] : memref<128x128xf32, #tpu.memory_space<vmem>>, vector<128x128xf32>
    %dot_general3A = arith.constant dense<0.000000e+00> : vector<10000x128xf32>
    %dot_general3A_5 = tpu.matmul %get3A_1, %get3A_4, %dot_general3A {dimension_numbers = #tpu.dot_dimension_numbers<[1], [0], [0], [1], [0, 0, 1, 1], [], []>, transpose_lhs_hint = false} : vector<10000x128xf32>, vector<128x128xf32>, vector<10000x128xf32> -> vector<10000x128xf32>
    %get3A_6 = arith.constant 0 : index
    %get3A_7 = arith.constant 0 : index
    %get3A_8 = vector.load %arg2[%get3A_6, %get3A_7] : memref<10000x128xf32, #tpu.memory_space<vmem>>, vector<10000x128xf32>
    %get3A_9 = arith.constant 0 : index
    %get3A_10 = arith.constant 0 : index
    %get3A_11 = vector.load %arg6[%get3A_9, %get3A_10] : memref<128x128xf32, #tpu.memory_space<vmem>>, vector<128x128xf32>
    %dot_general3A_12 = arith.constant dense<0.000000e+00> : vector<10000x128xf32>
    %dot_general3A_13 = tpu.matmul %get3A_8, %get3A_11, %dot_general3A_12 {dimension_numbers = #tpu.dot_dimension_numbers<[1], [0], [0], [1], [0, 0, 1, 1], [], []>, transpose_lhs_hint = false} : vector<10000x128xf32>, vector<128x128xf32>, vector<10000x128xf32> -> vector<10000x128xf32>
    %get3A_14 = arith.constant 0 : index
    %get3A_15 = arith.constant 0 : index
    %get3A_16 = vector.load %arg0[%get3A_14, %get3A_15] : memref<10000x128xf32, #tpu.memory_space<vmem>>, vector<10000x128xf32>
    %get3A_17 = arith.constant 0 : index
    %get3A_18 = arith.constant 0 : index
    %get3A_19 = vector.load %arg3[%get3A_17, %get3A_18] : memref<128x128xf32, #tpu.memory_space<vmem>>, vector<128x128xf32>
    %dot_general3A_20 = arith.constant dense<0.000000e+00> : vector<10000x128xf32>
    %dot_general3A_21 = tpu.matmul %get3A_16, %get3A_19, %dot_general3A_20 {dimension_numbers = #tpu.dot_dimension_numbers<[1], [0], [0], [1], [0, 0, 1, 1], [], []>, transpose_lhs_hint = false} : vector<10000x128xf32>, vector<128x128xf32>, vector<10000x128xf32> -> vector<10000x128xf32>
    %get3A_22 = arith.constant 0 : index
    %get3A_23 = arith.constant 0 : index
    %get3A_24 = vector.load %arg0[%get3A_22, %get3A_23] : memref<10000x128xf32, #tpu.memory_space<vmem>>, vector<10000x128xf32>
    %get3A_25 = arith.constant 0 : index
    %get3A_26 = arith.constant 0 : index
    %get3A_27 = vector.load %arg6[%get3A_25, %get3A_26] : memref<128x128xf32, #tpu.memory_space<vmem>>, vector<128x128xf32>
    %dot_general3A_28 = arith.constant dense<0.000000e+00> : vector<10000x128xf32>
    %dot_general3A_29 = tpu.matmul %get3A_24, %get3A_27, %dot_general3A_28 {dimension_numbers = #tpu.dot_dimension_numbers<[1], [0], [0], [1], [0, 0, 1, 1], [], []>, transpose_lhs_hint = false} : vector<10000x128xf32>, vector<128x128xf32>, vector<10000x128xf32> -> vector<10000x128xf32>
    %swap3A = arith.constant 0 : index
    %swap3A_30 = arith.constant 0 : index
    %swap3A_31 = vector.load %arg9[%swap3A, %swap3A_30] : memref<10000x128xf32, #tpu.memory_space<vmem>>, vector<10000x128xf32>
    tpu.vector_store %arg9[%swap3A, %swap3A_30], %dot_general3A_5 {strides = array<i32>} : memref<10000x128xf32, #tpu.memory_space<vmem>>, vector<10000x128xf32>,
    %swap3A_32 = arith.constant 0 : index
    %swap3A_33 = arith.constant 0 : index
    %swap3A_34 = vector.load %arg10[%swap3A_32, %swap3A_33] : memref<10000x128xf32, #tpu.memory_space<vmem>>, vector<10000x128xf32>
    tpu.vector_store %arg10[%swap3A_32, %swap3A_33], %dot_general3A_13 {strides = array<i32>} : memref<10000x128xf32, #tpu.memory_space<vmem>>, vector<10000x128xf32>,
    %get3A_35 = arith.constant 0 : index
    %get3A_36 = arith.constant 0 : index
    %get3A_37 = vector.load %arg4[%get3A_35, %get3A_36] : memref<1x128xf32, #tpu.memory_space<vmem>>, vector<1x128xf32>
    %mul3A = vector.broadcast %get3A_37 : vector<1x128xf32> to vector<10000x128xf32>
    %mul3A_38 = arith.mulf %dot_general3A_5, %mul3A : vector<10000x128xf32>
    %reduce_sum3A = arith.constant dense<0.000000e+00> : vector<10000xf32>
    %reduce_sum3A_39 = vector.multi_reduction <add>, %mul3A_38, %reduce_sum3A [1] : vector<10000x128xf32> to vector<10000xf32>
    %broadcast_in_dim3A = vector.shape_cast %reduce_sum3A_39 : vector<10000xf32> to vector<10000x1xf32>
    %get3A_40 = arith.constant 0 : index
    %get3A_41 = arith.constant 0 : index
    %get3A_42 = vector.load %arg5[%get3A_40, %get3A_41] : memref<1x128xf32, #tpu.memory_space<vmem>>, vector<1x128xf32>
    %mul3A_43 = vector.broadcast %get3A_42 : vector<1x128xf32> to vector<10000x128xf32>
    %mul3A_44 = arith.mulf %dot_general3A_21, %mul3A_43 : vector<10000x128xf32>
    %reduce_sum3A_45 = arith.constant dense<0.000000e+00> : vector<10000xf32>
    %reduce_sum3A_46 = vector.multi_reduction <add>, %mul3A_44, %reduce_sum3A_45 [1] : vector<10000x128xf32> to vector<10000xf32>
    %broadcast_in_dim3A_47 = vector.shape_cast %reduce_sum3A_46 : vector<10000xf32> to vector<10000x1xf32>
    %get3A_48 = arith.constant 0 : index
    %get3A_49 = arith.constant 0 : index
    %get3A_50 = vector.load %arg7[%get3A_48, %get3A_49] : memref<1x128xf32, #tpu.memory_space<vmem>>, vector<1x128xf32>
    %mul3A_51 = vector.broadcast %get3A_50 : vector<1x128xf32> to vector<10000x128xf32>
    %mul3A_52 = arith.mulf %dot_general3A_13, %mul3A_51 : vector<10000x128xf32>
    %reduce_sum3A_53 = arith.constant dense<0.000000e+00> : vector<10000xf32>
    %reduce_sum3A_54 = vector.multi_reduction <add>, %mul3A_52, %reduce_sum3A_53 [1] : vector<10000x128xf32> to vector<10000xf32>
    %broadcast_in_dim3A_55 = vector.shape_cast %reduce_sum3A_54 : vector<10000xf32> to vector<10000x1xf32>
    %get3A_56 = arith.constant 0 : index
    %get3A_57 = arith.constant 0 : index
    %get3A_58 = vector.load %arg8[%get3A_56, %get3A_57] : memref<1x128xf32, #tpu.memory_space<vmem>>, vector<1x128xf32>
    %mul3A_59 = vector.broadcast %get3A_58 : vector<1x128xf32> to vector<10000x128xf32>
    %mul3A_60 = arith.mulf %dot_general3A_29, %mul3A_59 : vector<10000x128xf32>
    %reduce_sum3A_61 = arith.constant dense<0.000000e+00> : vector<10000xf32>
    %reduce_sum3A_62 = vector.multi_reduction <add>, %mul3A_60, %reduce_sum3A_61 [1] : vector<10000x128xf32> to vector<10000xf32>
    %broadcast_in_dim3A_63 = vector.shape_cast %reduce_sum3A_62 : vector<10000xf32> to vector<10000x1xf32>
    %concatenate3A = tpu.concatenate %broadcast_in_dim3A, %broadcast_in_dim3A_47, %broadcast_in_dim3A_55, %broadcast_in_dim3A_63 in 1 : vector<10000x1xf32>, vector<10000x1xf32>, vector<10000x1xf32>, vector<10000x1xf32> -> vector<10000x4xf32>
    %swap3A_64 = arith.constant 0 : index
    %swap3A_65 = arith.constant 0 : index
    %swap3A_66 = vector.load %arg11[%swap3A_64, %swap3A_65] : memref<10000x4xf32, #tpu.memory_space<vmem>>, vector<10000x4xf32>
    tpu.vector_store %arg11[%swap3A_64, %swap3A_65], %concatenate3A {strides = array<i32>} : memref<10000x4xf32, #tpu.memory_space<vmem>>, vector<10000x4xf32>,
    return
  }
}

module attributes {stable_mosaic.version = 14 : i64} {
  func.func @_fuse_body(%arg0: memref<2x10000x128xf32, #tpu.memory_space<vmem>>, %arg1: memref<2x10240xf32, #tpu.memory_space<vmem>>, %arg2: memref<2x10000x128xf32, #tpu.memory_space<vmem>>, %arg3: memref<2x10240xf32, #tpu.memory_space<vmem>>, %arg4: memref<1x128xf32, #tpu.memory_space<vmem>>, %arg5: memref<1x128xf32, #tpu.memory_space<vmem>>, %arg6: memref<128x128xf32, #tpu.memory_space<vmem>>, %arg7: memref<1x128xf32, #tpu.memory_space<vmem>>, %arg8: memref<128x1xf32, #tpu.memory_space<vmem>>, %arg9: memref<10000x128xf32, #tpu.memory_space<vmem>>, %arg10: memref<1x2xf32, #tpu.memory_space<vmem>>) attributes {dimension_semantics = [], scalar_prefetch = 0 : i64, scratch_operands = 0 : i64, tpu.core_type = #tpu.core_type<tc>} {
    %get3A = arith.constant 0 : index
    %get3A_0 = arith.constant 0 : index
    %get3A_1 = vector.load %arg1[%get3A, %get3A_0] : memref<2x10240xf32, #tpu.memory_space<vmem>>, vector<1x10000xf32>
    %get3A_2 = vector.shape_cast %get3A_1 : vector<1x10000xf32> to vector<10000xf32>
    %get3A_3 = arith.constant 1 : index
    %get3A_4 = arith.constant 0 : index
    %get3A_5 = vector.load %arg1[%get3A_3, %get3A_4] : memref<2x10240xf32, #tpu.memory_space<vmem>>, vector<1x10000xf32>
    %get3A_6 = vector.shape_cast %get3A_5 : vector<1x10000xf32> to vector<10000xf32>
    %add3A = arith.addf %get3A_2, %get3A_6 : vector<10000xf32>
    %reshape3A = vector.shape_cast %add3A : vector<10000xf32> to vector<10000x1xf32>
    %get3A_7 = arith.constant 0 : index
    %get3A_8 = arith.constant 0 : index
    %get3A_9 = vector.load %arg3[%get3A_7, %get3A_8] : memref<2x10240xf32, #tpu.memory_space<vmem>>, vector<1x10000xf32>
    %get3A_10 = vector.shape_cast %get3A_9 : vector<1x10000xf32> to vector<10000xf32>
    %get3A_11 = arith.constant 1 : index
    %get3A_12 = arith.constant 0 : index
    %get3A_13 = vector.load %arg3[%get3A_11, %get3A_12] : memref<2x10240xf32, #tpu.memory_space<vmem>>, vector<1x10000xf32>
    %get3A_14 = vector.shape_cast %get3A_13 : vector<1x10000xf32> to vector<10000xf32>
    %add3A_15 = arith.addf %get3A_10, %get3A_14 : vector<10000xf32>
    %reshape3A_16 = vector.shape_cast %add3A_15 : vector<10000xf32> to vector<10000x1xf32>
    %eq3A = arith.constant 0.000000e+00 : f32
    %eq3A_17 = vector.broadcast %eq3A : f32 to vector<10000x1xf32>
    %eq3A_18 = arith.cmpf oeq, %reshape3A, %eq3A_17 : vector<10000x1xf32>
    %jit3A = arith.constant 1.000000e+00 : f32
    %broadcast_in_dim3A = vector.broadcast %jit3A : f32 to vector<10000x1xf32>
    %select_n3A = arith.select %eq3A_18, %broadcast_in_dim3A, %reshape3A : vector<10000x1xi1>, vector<10000x1xf32>
    %eq3A_19 = arith.constant 0.000000e+00 : f32
    %eq3A_20 = vector.broadcast %eq3A_19 : f32 to vector<10000x1xf32>
    %eq3A_21 = arith.cmpf oeq, %reshape3A_16, %eq3A_20 : vector<10000x1xf32>
    %jit3A_22 = arith.constant 1.000000e+00 : f32
    %broadcast_in_dim3A_23 = vector.broadcast %jit3A_22 : f32 to vector<10000x1xf32>
    %select_n3A_24 = arith.select %eq3A_21, %broadcast_in_dim3A_23, %reshape3A_16 : vector<10000x1xi1>, vector<10000x1xf32>
    %get3A_25 = arith.constant 0 : index
    %get3A_26 = arith.constant 0 : index
    %get3A_27 = arith.constant 0 : index
    %get3A_28 = vector.load %arg0[%get3A_25, %get3A_26, %get3A_27] : memref<2x10000x128xf32, #tpu.memory_space<vmem>>, vector<1x10000x128xf32>
    %get3A_29 = vector.shape_cast %get3A_28 : vector<1x10000x128xf32> to vector<10000x128xf32>
    %get3A_30 = arith.constant 1 : index
    %get3A_31 = arith.constant 0 : index
    %get3A_32 = arith.constant 0 : index
    %get3A_33 = vector.load %arg0[%get3A_30, %get3A_31, %get3A_32] : memref<2x10000x128xf32, #tpu.memory_space<vmem>>, vector<1x10000x128xf32>
    %get3A_34 = vector.shape_cast %get3A_33 : vector<1x10000x128xf32> to vector<10000x128xf32>
    %add3A_35 = arith.addf %get3A_29, %get3A_34 : vector<10000x128xf32>
    %div3A = vector.broadcast %select_n3A : vector<10000x1xf32> to vector<10000x128xf32>
    %div3A_36 = arith.divf %add3A_35, %div3A : vector<10000x128xf32>
    %get3A_37 = arith.constant 0 : index
    %get3A_38 = arith.constant 0 : index
    %get3A_39 = vector.load %arg4[%get3A_37, %get3A_38] : memref<1x128xf32, #tpu.memory_space<vmem>>, vector<1x128xf32>
    %add3A_40 = vector.broadcast %get3A_39 : vector<1x128xf32> to vector<10000x128xf32>
    %add3A_41 = arith.addf %div3A_36, %add3A_40 : vector<10000x128xf32>
    %get3A_42 = arith.constant 0 : index
    %get3A_43 = arith.constant 0 : index
    %get3A_44 = arith.constant 0 : index
    %get3A_45 = vector.load %arg2[%get3A_42, %get3A_43, %get3A_44] : memref<2x10000x128xf32, #tpu.memory_space<vmem>>, vector<1x10000x128xf32>
    %get3A_46 = vector.shape_cast %get3A_45 : vector<1x10000x128xf32> to vector<10000x128xf32>
    %get3A_47 = arith.constant 1 : index
    %get3A_48 = arith.constant 0 : index
    %get3A_49 = arith.constant 0 : index
    %get3A_50 = vector.load %arg2[%get3A_47, %get3A_48, %get3A_49] : memref<2x10000x128xf32, #tpu.memory_space<vmem>>, vector<1x10000x128xf32>
    %get3A_51 = vector.shape_cast %get3A_50 : vector<1x10000x128xf32> to vector<10000x128xf32>
    %add3A_52 = arith.addf %get3A_46, %get3A_51 : vector<10000x128xf32>
    %div3A_53 = vector.broadcast %select_n3A_24 : vector<10000x1xf32> to vector<10000x128xf32>
    %div3A_54 = arith.divf %add3A_52, %div3A_53 : vector<10000x128xf32>
    %get3A_55 = arith.constant 0 : index
    %get3A_56 = arith.constant 0 : index
    %get3A_57 = vector.load %arg5[%get3A_55, %get3A_56] : memref<1x128xf32, #tpu.memory_space<vmem>>, vector<1x128xf32>
    %add3A_58 = vector.broadcast %get3A_57 : vector<1x128xf32> to vector<10000x128xf32>
    %add3A_59 = arith.addf %div3A_54, %add3A_58 : vector<10000x128xf32>
    %gt3A = arith.constant 0.000000e+00 : f32
    %gt3A_60 = vector.broadcast %gt3A : f32 to vector<10000x128xf32>
    %gt3A_61 = arith.cmpf ogt, %add3A_41, %gt3A_60 : vector<10000x128xf32>
    %exp3A = math.exp %add3A_41 : vector<10000x128xf32>
    %sub3A = arith.constant 1.000000e+00 : f32
    %sub3A_62 = vector.broadcast %sub3A : f32 to vector<10000x128xf32>
    %sub3A_63 = arith.subf %exp3A, %sub3A_62 : vector<10000x128xf32>
    %select_n3A_64 = arith.select %gt3A_61, %add3A_41, %sub3A_63 : vector<10000x128xi1>, vector<10000x128xf32>
    %gt3A_65 = arith.constant 0.000000e+00 : f32
    %gt3A_66 = vector.broadcast %gt3A_65 : f32 to vector<10000x128xf32>
    %gt3A_67 = arith.cmpf ogt, %add3A_59, %gt3A_66 : vector<10000x128xf32>
    %exp3A_68 = math.exp %add3A_59 : vector<10000x128xf32>
    %sub3A_69 = arith.constant 1.000000e+00 : f32
    %sub3A_70 = vector.broadcast %sub3A_69 : f32 to vector<10000x128xf32>
    %sub3A_71 = arith.subf %exp3A_68, %sub3A_70 : vector<10000x128xf32>
    %select_n3A_72 = arith.select %gt3A_67, %add3A_59, %sub3A_71 : vector<10000x128xi1>, vector<10000x128xf32>
    %get3A_73 = arith.constant 0 : index
    %get3A_74 = arith.constant 0 : index
    %get3A_75 = vector.load %arg6[%get3A_73, %get3A_74] : memref<128x128xf32, #tpu.memory_space<vmem>>, vector<128x128xf32>
    %dot_general3A = arith.constant dense<0.000000e+00> : vector<10000x128xf32>
    %dot_general3A_76 = tpu.matmul %select_n3A_64, %get3A_75, %dot_general3A {dimension_numbers = #tpu.dot_dimension_numbers<[1], [0], [0], [1], [0, 0, 1, 1], [], []>, transpose_lhs_hint = false} : vector<10000x128xf32>, vector<128x128xf32>, vector<10000x128xf32> -> vector<10000x128xf32>
    %get3A_77 = arith.constant 0 : index
    %get3A_78 = arith.constant 0 : index
    %get3A_79 = vector.load %arg7[%get3A_77, %get3A_78] : memref<1x128xf32, #tpu.memory_space<vmem>>, vector<1x128xf32>
    %add3A_80 = vector.broadcast %get3A_79 : vector<1x128xf32> to vector<10000x128xf32>
    %add3A_81 = arith.addf %dot_general3A_76, %add3A_80 : vector<10000x128xf32>
    %tanh3A = math.tanh %add3A_81 : vector<10000x128xf32>
    %get3A_82 = arith.constant 0 : index
    %get3A_83 = arith.constant 0 : index
    %get3A_84 = vector.load %arg8[%get3A_82, %get3A_83] : memref<128x1xf32, #tpu.memory_space<vmem>>, vector<128x1xf32>
    %dot_general3A_85 = arith.constant dense<0.000000e+00> : vector<10000x1xf32>
    %dot_general3A_86 = tpu.matmul %tanh3A, %get3A_84, %dot_general3A_85 {dimension_numbers = #tpu.dot_dimension_numbers<[1], [0], [0], [1], [0, 0, 1, 1], [], []>, transpose_lhs_hint = false} : vector<10000x128xf32>, vector<128x1xf32>, vector<10000x1xf32> -> vector<10000x1xf32>
    %get3A_87 = arith.constant 0 : index
    %get3A_88 = arith.constant 0 : index
    %get3A_89 = vector.load %arg6[%get3A_87, %get3A_88] : memref<128x128xf32, #tpu.memory_space<vmem>>, vector<128x128xf32>
    %dot_general3A_90 = arith.constant dense<0.000000e+00> : vector<10000x128xf32>
    %dot_general3A_91 = tpu.matmul %select_n3A_72, %get3A_89, %dot_general3A_90 {dimension_numbers = #tpu.dot_dimension_numbers<[1], [0], [0], [1], [0, 0, 1, 1], [], []>, transpose_lhs_hint = false} : vector<10000x128xf32>, vector<128x128xf32>, vector<10000x128xf32> -> vector<10000x128xf32>
    %get3A_92 = arith.constant 0 : index
    %get3A_93 = arith.constant 0 : index
    %get3A_94 = vector.load %arg7[%get3A_92, %get3A_93] : memref<1x128xf32, #tpu.memory_space<vmem>>, vector<1x128xf32>
    %add3A_95 = vector.broadcast %get3A_94 : vector<1x128xf32> to vector<10000x128xf32>
    %add3A_96 = arith.addf %dot_general3A_91, %add3A_95 : vector<10000x128xf32>
    %tanh3A_97 = math.tanh %add3A_96 : vector<10000x128xf32>
    %get3A_98 = arith.constant 0 : index
    %get3A_99 = arith.constant 0 : index
    %get3A_100 = vector.load %arg8[%get3A_98, %get3A_99] : memref<128x1xf32, #tpu.memory_space<vmem>>, vector<128x1xf32>
    %dot_general3A_101 = arith.constant dense<0.000000e+00> : vector<10000x1xf32>
    %dot_general3A_102 = tpu.matmul %tanh3A_97, %get3A_100, %dot_general3A_101 {dimension_numbers = #tpu.dot_dimension_numbers<[1], [0], [0], [1], [0, 0, 1, 1], [], []>, transpose_lhs_hint = false} : vector<10000x128xf32>, vector<128x1xf32>, vector<10000x1xf32> -> vector<10000x1xf32>
    %reduce_sum3A = vector.shape_cast %dot_general3A_86 : vector<10000x1xf32> to vector<1x10000x1xf32>
    %reduce_sum3A_103 = arith.constant dense<0.000000e+00> : vector<1xf32>
    %reduce_sum3A_104 = vector.multi_reduction <add>, %reduce_sum3A, %reduce_sum3A_103 [1, 2] : vector<1x10000x1xf32> to vector<1xf32>
    %reduce_sum3A_105 = vector.shape_cast %reduce_sum3A_104 : vector<1xf32> to vector<1x1x1xf32>
    %reduce_sum3A_106 = vector.extract %reduce_sum3A_105[0, 0, 0] : f32 from vector<1x1x1xf32>
    %div3A_107 = arith.constant 1.000000e+04 : f32
    %div3A_108 = arith.divf %reduce_sum3A_106, %div3A_107 : f32
    %reduce_sum3A_109 = vector.shape_cast %dot_general3A_102 : vector<10000x1xf32> to vector<1x10000x1xf32>
    %reduce_sum3A_110 = arith.constant dense<0.000000e+00> : vector<1xf32>
    %reduce_sum3A_111 = vector.multi_reduction <add>, %reduce_sum3A_109, %reduce_sum3A_110 [1, 2] : vector<1x10000x1xf32> to vector<1xf32>
    %reduce_sum3A_112 = vector.shape_cast %reduce_sum3A_111 : vector<1xf32> to vector<1x1x1xf32>
    %reduce_sum3A_113 = vector.extract %reduce_sum3A_112[0, 0, 0] : f32 from vector<1x1x1xf32>
    %div3A_114 = arith.constant 1.000000e+04 : f32
    %div3A_115 = arith.divf %reduce_sum3A_113, %div3A_114 : f32
    %max3A = arith.maximumf %div3A_108, %div3A_115 : f32
    %sub3A_116 = arith.subf %div3A_108, %max3A : f32
    %exp3A_117 = math.exp %sub3A_116 : f32
    %sub3A_118 = arith.subf %div3A_115, %max3A : f32
    %exp3A_119 = math.exp %sub3A_118 : f32
    %add3A_120 = arith.addf %exp3A_117, %exp3A_119 : f32
    %div3A_121 = arith.divf %exp3A_117, %add3A_120 : f32
    %add3A_122 = arith.addf %exp3A_117, %exp3A_119 : f32
    %div3A_123 = arith.divf %exp3A_119, %add3A_122 : f32
    %mul3A = vector.broadcast %div3A_121 : f32 to vector<10000x128xf32>
    %mul3A_124 = arith.mulf %mul3A, %select_n3A_64 : vector<10000x128xf32>
    %mul3A_125 = vector.broadcast %div3A_123 : f32 to vector<10000x128xf32>
    %mul3A_126 = arith.mulf %mul3A_125, %select_n3A_72 : vector<10000x128xf32>
    %add3A_127 = arith.addf %mul3A_124, %mul3A_126 : vector<10000x128xf32>
    %swap3A = arith.constant 0 : index
    %swap3A_128 = arith.constant 0 : index
    %swap3A_129 = vector.load %arg9[%swap3A, %swap3A_128] : memref<10000x128xf32, #tpu.memory_space<vmem>>, vector<10000x128xf32>
    tpu.vector_store %arg9[%swap3A, %swap3A_128], %add3A_127 {strides = array<i32>} : memref<10000x128xf32, #tpu.memory_space<vmem>>, vector<10000x128xf32>,
    %broadcast_in_dim3A_130 = vector.broadcast %div3A_121 : f32 to vector<1x1xf32>
    %broadcast_in_dim3A_131 = vector.broadcast %div3A_123 : f32 to vector<1x1xf32>
    %concatenate3A = tpu.concatenate %broadcast_in_dim3A_130, %broadcast_in_dim3A_131 in 1 : vector<1x1xf32>, vector<1x1xf32> -> vector<1x2xf32>
    %swap3A_132 = arith.constant 0 : index
    %swap3A_133 = arith.constant 0 : index
    %swap3A_134 = vector.load %arg10[%swap3A_132, %swap3A_133] : memref<1x2xf32, #tpu.memory_space<vmem>>, vector<1x2xf32>
    tpu.vector_store %arg10[%swap3A_132, %swap3A_133], %concatenate3A {strides = array<i32>} : memref<1x2xf32, #tpu.memory_space<vmem>>, vector<1x2xf32>,
    return
  }
}

</mosaic_0001>

<sc_bundles>
// kernel: kernel.5.cloned.1.call-start
scs
__scs_entry_jumppad:
0x0: {  	(pc) =	sbr.rel $0x88, $3  }
0x1: {  	(tag) =	ssettag $0x0;
	lr =	simm.s32 $0x1  }
0x2: {  	[smem:$0x3F91] =	sst lr;
	_ =	strace $0xD0000000  }
0x3: {  	_ = 	snop  }
0x4: {  	_ = 	snop  }
0x5: {  	_ = 	snop  }
0x6: {  	_ = 	snop  }
0x7: {  	_ = 	snop  }
__scs_overlays_trampoline_lowered:
0x8: {  	[smem:$0x3FA0] =	sst s0  }
0x9: {  	[smem:$0x3FA1] =	sst s1  }
0xa: {  	[smem:$0x3FA2] =	sst s2  }
0xb: {  	[smem:$0x3FA3] =	sst s3  }
0xc: {  	[smem:$0x3FA4] =	sst s4  }
0xd: {  	[smem:$0x3FA5] =	sst s5  }
0xe: {  	[smem:$0x3FA6] =	sst s6  }
0xf: {  	[smem:$0x3FA7] =	sst s7  }
0x10: {  	[smem:$0x3FA8] =	sst s8  }
0x11: {  	[smem:$0x3FA9] =	sst s9;
	s0 =	simm.s32 @!p0 $0x0  }
0x12: {  	s1 =	sld [smem:$0x3F8F];
	s0 =	simm.s32 @p0 $0x1  }
0x13: {  	[smem:$0x3FAA] =	sst s0;
	s0 =	simm.s32 @!p1 $0x0  }
0x14: {  	s2 =	sld [smem:$0x3F8E];
	s0 =	simm.s32 @p1 $0x1  }
0x15: {  	[smem:$0x3FAB] =	sst s0;
	s0 =	simm.s32 @!p2 $0x0  }
0x16: {  	s3 =	sld [smem:$0x3FDB];
	s0 =	simm.s32 @p2 $0x1  }
0x17: {  	s4 =	simm.s32 $0x1BF5;
	[smem:$0x3FAD] =	sst s0  }
0x18: {  	s0 =	sld [smem:$0x3F90];
	_ =	swait.ge [sflag:s4], $0x0  }
0x19: {  	s7 =	sld [smem:$0x3F91]  }
0x1a: {  	s8 =	sadd.s32 $0xFFFFE003, lr  }
0x1b: {  	s9 =	sadd.s32 $0xFFFFFEF7, lr;
	s5 =	simm.s32 $0xFFFFFFFF;
	p2 =	slt.u32 s8, $0xFFFFF086  }
0x1c: {  	p1 =	slt.u32 s9, $0xF7A;
	s5 =	simm.s32 @!p2 $0x0  }
0x1d: {  	s5 =	simm.s32 @p1 $0x1;
	p0 =	seq.s32 s7, s2  }
0x1e: {  	s7 =	smul.u32 @!p0 $0xF7A, s2;
	p2 =	seq.s32 @!p0 s5, $0x0  }
0x1f: {  	s9 =	smul.u32 $0xF7A, s1;
	s8 =	simm.s32 @!p0 $0x1BF5;
	p2 =	por !p2, p0  }
0x20: {  	[sflag:s8] =	ssyncset.s32 @!p0 $0xFFFFF086;
	s6 =	sadd.s32 @!p0 s3, s7;
	s7 =	simm.s32 @!p0 $0x108  }
0x21: {  	s3 =	sadd.s32 s3, s9;
	s6 =	sadd.s32 @!p0 $0x88, s6;
	s7 =	simm.s32 @p2 $0x1082  }
0x22: {  	[simem:s7], [sflag:s8] =	dma.local @!p0 [hbm:s6], $0xF7A  }
0x23: {  	s9 =	sor.u32 $0xD0000000, s2;
	s6 =	simm.s32 $0x108;
	_ =	swait.ge @!p0 [sflag:s8], $0x0  }
0x24: {  	s3 =	sadd.s32 $0x88, s3;
	s6 =	simm.s32 @!p1 $0x1082;
	[sflag:s4] =	ssyncset.s32 $0xFFFFF086  }
0x25: {  	[simem:s6], [sflag:s4] =	dma.local [hbm:s3], $0xF7A  }
0x26: {  	[smem:$0x3F91] =	sst s1;
	(tag) =	ssettag s2;
	_ =	strace s9  }
0x27: {  	s1 =	sld [smem:$0x3FA1]  }
0x28: {  	s2 =	sld [smem:$0x3FA2]  }
0x29: {  	s4 =	sld [smem:$0x3FA4]  }
0x2a: {  	p0 =	seq.s32 s5, $0x0;
	s5 =	sld [smem:$0x3FA5]  }
0x2b: {  	s6 =	sld [smem:$0x3FA6]  }
0x2c: {  	s7 =	sld [smem:$0x3FA7]  }
0x2d: {  	s3 =	simm.s32 $0x108;
	s8 =	sld [smem:$0x3FA8]  }
0x2e: {  	s3 =	simm.s32 @!p0 $0x1082;
	s9 =	sld [smem:$0x3FA9]  }
0x2f: {  	lr =	sadd.s32 s0, s3;
	s0 =	sld [smem:$0x3FA0]  }
0x30: {  	s3 =	sld [smem:$0x3FA3]  }
0x31: {  	[smem:$0x3FAC] =	sst s10  }
0x32: {  	s10 =	sld [smem:$0x3FAA];
	_ =	sdelay $0x3  }
0x33: {  	p0 =	seq.s32 s10, $0x1;
	s10 =	sld [smem:$0x3FAC];
	_ =	sdelay $0x3  }
0x34: {  	[smem:$0x3FAC] =	sst s10  }
0x35: {  	s10 =	sld [smem:$0x3FAB];
	_ =	sdelay $0x3  }
0x36: {  	p1 =	seq.s32 s10, $0x1;
	s10 =	sld [smem:$0x3FAC];
	_ =	sdelay $0x3  }
0x37: {  	[smem:$0x3FAC] =	sst s10  }
0x38: {  	s10 =	sld [smem:$0x3FAD]  }
0x39: {  	_ = 	snop;
	(pc) =	sbr.ind lr, $3  }
0x3a: {  	_ = 	snop  }
0x3b: {  	_ = 	snop  }
0x3c: {  	p2 =	seq.s32 s10, $0x1;
	s10 =	sld [smem:$0x3FAC]  }
0x3d: {  	_ =	shalt  }
0x3e: {  	_ =	shalt  }
0x3f: {  	_ =	shalt  }
0x40: {  	_ =	shalt  }
0x41: {  	_ =	shalt  }
0x42: {  	_ =	shalt  }
0x43: {  	_ =	shalt  }
0x44: {  	_ =	shalt  }
0x45: {  	_ =	shalt  }
0x46: {  	_ =	shalt  }
0x47: {  	_ =	shalt  }
0x48: {  	_ =	shalt  }
0x49: {  	_ =	shalt  }
0x4a: {  	_ =	shalt  }
0x4b: {  	_ =	shalt  }
0x4c: {  	_ =	shalt  }
0x4d: {  	_ =	shalt  }
0x4e: {  	_ =	shalt  }
0x4f: {  	_ =	shalt  }
0x50: {  	_ =	shalt  }
0x51: {  	_ =	shalt  }
0x52: {  	_ =	shalt  }
0x53: {  	_ =	shalt  }
0x54: {  	_ =	shalt  }
0x55: {  	_ =	shalt  }
0x56: {  	_ =	shalt  }
0x57: {  	_ =	shalt  }
0x58: {  	_ =	shalt  }
0x59: {  	_ =	shalt  }
0x5a: {  	_ =	shalt  }
0x5b: {  	_ =	shalt  }
0x5c: {  	_ =	shalt  }
0x5d: {  	_ =	shalt  }
0x5e: {  	_ =	shalt  }
0x5f: {  	_ =	shalt  }
0x60: {  	_ =	shalt  }
0x61: {  	_ =	shalt  }
0x62: {  	_ =	shalt  }
0x63: {  	_ =	shalt  }
0x64: {  	_ =	shalt  }
0x65: {  	_ =	shalt  }
0x66: {  	_ =	shalt  }
0x67: {  	_ =	shalt  }
0x68: {  	_ =	shalt  }
0x69: {  	_ =	shalt  }
0x6a: {  	_ =	shalt  }
0x6b: {  	_ =	shalt  }
0x6c: {  	_ =	shalt  }
0x6d: {  	_ =	shalt  }
0x6e: {  	_ =	shalt  }
0x6f: {  	_ =	shalt  }
0x70: {  	_ =	shalt  }
0x71: {  	_ =	shalt  }
0x72: {  	_ =	shalt  }
0x73: {  	_ =	shalt  }
0x74: {  	_ =	shalt  }
0x75: {  	_ =	shalt  }
0x76: {  	_ =	shalt  }
0x77: {  	_ =	shalt  }
0x78: {  	_ =	shalt  }
0x79: {  	_ =	shalt  }
0x7a: {  	_ =	shalt  }
0x7b: {  	_ =	shalt  }
0x7c: {  	_ =	shalt  }
0x7d: {  	_ =	shalt  }
0x7e: {  	_ =	shalt  }
0x7f: {  	_ =	shalt  }
0x80: {  	_ =	shalt  }
0x81: {  	_ =	shalt  }
0x82: {  	_ =	shalt  }
0x83: {  	_ =	shalt  }
0x84: {  	_ =	shalt  }
0x85: {  	_ =	shalt  }
0x86: {  	_ =	shalt  }
0x87: {  	_ =	shalt  }
.Lfunc_end0:
.L_simem_size_0:
called_computation_lowered:
.L_overlay_start_0:
0x88: {  	s2 =	sld [smem:$0x3FD9]  }
0x89: {  	s3 =	sld [smem:$0x3FFE];
	_ =	sdelay $0x1  }
0x8a: {  	s1 =	srdreg.scid  }
0x8b: {  	s0 =	sand.u32 $0x1, s1  }
0x8c: {  	s14 =	sshll.u32 s0, $0xA;
	s2 =	sadd.s32 s3, s2  }
0x8d: {  	s2 =	sadd.s32 s2, s14  }
0x8e: {  	[smem:$0x3FB8] =	sst s2  }
0x8f: {  	_ = 	snop  }
0x90: {  	s2 =	sld [smem:$0x3FD0];
	_ =	sdelay $0x2  }
0x91: {  	s15 =	simm.s32 $0xA;
	s4 =	simm.s32 $0x10  }
0x92: {  	[smem:s4], [sflag:s15] =	dma.local [hbm:s2], $0x1  }
0x93: {  	_ =	swait.eq [sflag:s15], $0x1  }
0x94: {  	[sflag:s15] =	ssyncset.done $0x0  }
0x95: {  	[sflag:s15] =	ssyncadd.s32 $0xFFFFFFFF  }
0x96: {  	s16 =	sld [smem:$0x10];
	(tm) =	ssettm $0x1  }
0x97: {  	s17 =	sld [smem:$0x3FFB];
	_ =	sdelay $0x3  }
0x98: {  	_ =	strace s17  }
0x99: {  	s3 =	sld [smem:$0x3FFC];
	_ =	sdelay $0x3  }
0x9a: {  	_ =	strace s3  }
0x9b: {  	s3 =	sld [smem:$0x3FFD];
	_ =	sdelay $0x3  }
0x9c: {  	_ =	strace s3  }
0x9d: {  	_ =	strace $0x8FFFFFFF  }
0x9e: {  	s18 =	sld [smem:$0x3FDB];
	_ =	sdelay $0x1  }
0x9f: {  	s19 =	simm.s32 $_scs_section_size  }
0xa0: {  	s5 =	simm.s32 $_size__tile_overlayer_lowered;
	s6 =	simm.s32 $_tile_overlayer_lowered  }
0xa1: {  	s22 =	simm.s32 $0x1BFF;
	s21 =	sshll.u32 s6, $0x1;
	s3 =	sadd.s32 s19, s18  }
0xa2: {  	s7 =	simm.s32 $0x0;
	s20 =	sshll.u32 s5, $0x1;
	s5 =	sadd.s32 s21, s3  }
0xa3: {  	[timem:s7], [sflag:s22] =	dma.local [hbm:s5], s20  }
0xa4: {  	_ =	swait.ge [sflag:s22], s20  }
0xa5: {  	s4 =	ssub.s32 $0x0, s20;
	[sflag:s22] =	ssyncset.done $0x0  }
0xa6: {  	[sflag:s22] =	ssyncadd.s32 s4;
	_ =	sdelay $0x1  }
0xa7: {  	s23 =	simm.s32 $0x1B8B  }
0xa8: {  	_ =	swait.ge [sflag:s23], $0x1  }
0xa9: {  	[sflag:s23] =	ssyncset.done $0x0  }
0xaa: {  	s25 =	simm.s32 $0x1B8E;
	s24 =	sld [smem:$0x3FFE];
	[sflag:s23] =	ssyncadd.s32 $0xFFFFFFFF  }
0xab: {  	s26 =	simm.s32 $execute0_lowered;
	[smem:$0x3FD2] =	sst s25  }
0xac: {  	s5 =	sshll.u32 s26, $0x1;
	_ =	strace $0x80000046;
	[dreg:$0x1] =	wrdreg $0xFFFFFFFF  }
0xad: {  	s28 =	simm.s32 $_size_execute0_lowered;
	s3 =	sadd.s32 s3, s5;
	[dreg:$0x0] =	wrdreg $0x0  }
0xae: {  	s5 =	sshll.u32 s28, $0x1;
	[dreg:$0x2] =	wrdreg s3  }
0xaf: {  	[dreg:$0x3] =	wrdreg s5  }
0xb0: {  	[dreg:$0x4] =	wrdreg $0xC0  }
0xb1: {  	_ =	task [dreg:s7], $0x5FFFF  }
0xb2: {  	[dreg:$0x1] =	wrdreg $0xFFFFFFFF  }
0xb3: {  	[dreg:$0x0] =	wrdreg $0x60  }
0xb4: {  	[dreg:$0x2] =	wrdreg s16  }
0xb5: {  	[dreg:$0x3] =	wrdreg s24  }
0xb6: {  	[dreg:$0x4] =	wrdreg $0x0  }
0xb7: {  	[dreg:$0x5] =	wrdreg $0x138800  }
0xb8: {  	[dreg:$0x6] =	wrdreg $0x9  }
0xb9: {  	_ =	task.clear_ibuf [dreg:s7], $0x7FFFF;
	_ =	strace $0x90000046  }
0xba: {  	s29 =	simm.s32 $0x9;
	_ =	strace $0x80000048  }
0xbb: {  	_ =	swait.ge [sflag:s29], $0x1  }
0xbc: {  	[sflag:s29] =	ssyncadd.s32 $0xFFFFFFFF  }
0xbd: {  	_ =	strace $0x90000048  }
0xbe: {  	_ =	sfence  }
0xbf: {  	s30 =	sld [smem:$0x0];
	_ =	sdelay $0x2  }
0xc0: {  	s31 =	sshll.u32 s1, $0xD;
	s1 =	sshrl.u32 s1, $0x2  }
0xc1: {  	s3 =	sand.u32 $0x4000, s31;
	s1 =	sadd.s32 s1, s30  }
0xc2: {  	s0 =	sor.u32 s3, s0;
	s1 =	sshll.u32 s1, $0x11  }
0xc3: {  	s0 =	sor.u32 s1, s0  }
0xc4: {  	s0 =	sadd.s32 $0x8F2B, s0  }
0xc5: {  	[sflag:s0] =	ssyncadd.remote.s32 $0x1  }
0xc6: {  	_ =	sfence.sel $0xFFFF  }
0xc7: {  	[dreg:$0x0] =	wrdreg $0xFFFFFFFF;
	(pc) =	sbr.abs _section_cstart, $3  }
0xc8: {  	[dreg:$0x1] =	wrdreg $0xFFFFFFFF  }
0xc9: {  	_ =	task.clear_ibuf [dreg:s7], $0x2FFFF;
	_ =	strace $0x9FFFFFFF  }
0xca: {  	(tm) =	ssettm $0x7FFFFFFF  }
0xcb: {  	_ =	shalt  }
tec
execute0_lowered:
.L_overlay_start_1:
0x0: {  	(tag) =	ssettag $0x1  }
0x1: {  	s1 =	rddreg [dreg:$0x0]  }
0x2: {  	s0 =	rddreg [dreg:$0x1]  }
0x3: {  	s2 =	rddreg [dreg:$0x2]  }
0x4: {  	s3 =	rddreg [dreg:$0x3];
	s18 =	simm.s32 $0x0  }
0x5: {  	s4 =	srdreg.scid;
	s14 =	stileid.u32;
	s29 =	simm.s32 $0x13B00  }
0x6: {  	s30 =	simm.s32 $0x5;
	s31 =	simm.s32 $0x16210;
	[smem:$0x7FF] =	sst s18  }
0x7: {  	s4 =	sand.u32 $0x1, s4;
	s5 =	smul.u32 $0x13880, s14;
	s7 =	sadd.s32 $0x28C00, s0  }
0x8: {  	s10 =	sadd.s32 $0x28600, s0;
	s8 =	sadd.s32 $0x3CC00, s0;
	s9 =	sadd.s32 $0x800, s0  }
0x9: {  	s11 =	sadd.s32 $0x28000, s0;
	_ =	strace $0x80000047;
	[dreg:$0x5] =	wrdreg s7  }
0xa: {  	s12 =	sadd.s32 $0x27A00, s0;
	s16 =	smul.u32 $0xA00, s14;
	[dreg:$0x6] =	wrdreg s10  }
0xb: {  	p0 =	sne.s32 s14, $0x0;
	s6 =	smul.u32 $0x138800, s4;
	[dreg:$0x7] =	wrdreg s11  }
0xc: {  	[dreg:$0x8] =	wrdreg s12;
	s13 =	smul.u32 $0x500, s4;
	s12 =	sadd.s32 $0x29200, s0  }
0xd: {  	s10 =	smul.u32 $0x4E200, s14;
	s15 =	ssub.s32 $0x2, s4;
	s4 =	sshll.u32 s4, $0x4  }
0xe: {  	s11 =	sshrl.u32 s15, $0x1;
	s4 =	sor.u32 s14, s4;
	s6 =	sadd.s32 s5, s6  }
0xf: {  	s10 =	sshrl.u32 s10, $0x2;
	s7 =	ssub.s32 s15, s11;
	s6 =	sshrl.u32 s6, $0x3  }
0x10: {  	s10 =	sadd.s32 s10, s2;
	s26 =	smax.u32 s7, $0x1;
	s6 =	sadd.s32 s6, s0  }
0x11: {  	s0 =	sadd.s32 s13, s0;
	s17 =	sadd.s32 $0xA000, s10;
	[dreg:$0x15] =	wrdreg s26  }
0x12: {  	s28 =	sadd.s32 $0x5000, s10;
	s10 =	sadd.s32 $0xF000, s10;
	[dreg:$0xa] =	wrdreg s17  }
0x13: {  	s13 =	sadd.s32 s5, s2;
	s5 =	sshrl.u32 s16, $0x2;
	[dreg:$0xb] =	wrdreg s10  }
0x14: {  	s4 =	smul.u32 $0x4E20, s4;
	s5 =	sadd.s32 s5, s3;
	[dreg:$0x9] =	wrdreg s13  }
0x15: {  	s11 =	simm.s32 $0x1;
	s23 =	sadd.s32 $0x51A00, s6;
	[dreg:$0xc] =	wrdreg s5  }
0x16: {  	s7 =	simm.s32 $0x3;
	s24 =	sadd.s32 $0x9FC00, s6;
	[dreg:$0x11] =	wrdreg s23  }
0x17: {  	s17 =	sadd.s32 $0xFA0, s4;
	s25 =	sadd.s32 $0x51000, s0;
	[dreg:$0x12] =	wrdreg s24  }
0x18: {  	s4 =	sshrl.u32 s4, $0x3;
	s0 =	sadd.s32 $0x50600, s0;
	[dreg:$0x13] =	wrdreg s25  }
0x19: {  	s10 =	simm.s32 $0x50;
	s20 =	sadd.s32 s8, s4;
	[dreg:$0x14] =	wrdreg s0  }
0x1a: {  	s19 =	sshrl.u32 s17, $0x3;
	s4 =	sadd.s32 s12, s4;
	[dreg:$0xd] =	wrdreg s20  }
0x1b: {  	s0 =	simm.s32 $0x1A860;
	s21 =	sadd.s32 s8, s19;
	[dreg:$0xf] =	wrdreg s4  }
0x1c: {  	s5 =	simm.s32 $0x1F860;
	s22 =	sadd.s32 s12, s19;
	[dreg:$0xe] =	wrdreg s21  }
0x1d: {  	v0 =	vimm.f32 $0.0e+00;
	s19 =	simm.s32 $0x4;
	s20 =	simm.s32 $0x0;
	[dreg:$0x10] =	wrdreg s22  }
.LBB2_1:
0x1e: {  	s4 =	rddreg [dreg:$0x5]  }
0x1f: {  	[tilespmem:s29], [sflag:$0x5] =	stream.linear.gather [hbm4b:s4+s18], $0x2710, $0x38;
	[tilespmem:$0x1FB80] =	vst v63  }
0x20: {  	_ =	swait.ge [sflag:s30], $0x2710  }
0x21: {  	[sflag:s30] =	ssyncset.done $0x0  }
0x22: {  	s26 =	rddreg [dreg:$0x6];
	[sflag:s30] =	ssyncadd.s32 $0xFFFFD8F0  }
0x23: {  	[tilespmem:s31], [sflag:$0x5] =	stream.linear.gather [hbm4b:s26+s18], $0x2710, $0x38;
	[tilespmem:$0x1FB80] =	vst v63  }
0x24: {  	_ =	swait.ge [sflag:s30], $0x2710  }
0x25: {  	[sflag:s30] =	ssyncset.done $0x0  }
0x26: {  	s4 =	simm.s32 $0x1A960;
	[sflag:s30] =	ssyncadd.s32 $0xFFFFD8F0  }
0x27: {  	[tilespmem:s4+$0xFFFFFF00] =	vst v0  }
0x28: {  	[tilespmem:s4+$0xF0] =	vst v0  }
0x29: {  	[tilespmem:s4+$0xE0] =	vst v0  }
0x2a: {  	[tilespmem:s4+$0xD0] =	vst v0  }
0x2b: {  	[tilespmem:s4+$0xC0] =	vst v0  }
0x2c: {  	[tilespmem:s4+$0xB0] =	vst v0  }
0x2d: {  	[tilespmem:s4+$0xA0] =	vst v0  }
0x2e: {  	[tilespmem:s4+$0x90] =	vst v0  }
0x2f: {  	[tilespmem:s4+$0x80] =	vst v0  }
0x30: {  	[tilespmem:s4+$0x70] =	vst v0  }
0x31: {  	[tilespmem:s4+$0x60] =	vst v0  }
0x32: {  	[tilespmem:s4+$0x50] =	vst v0  }
0x33: {  	[tilespmem:s4+$0x40] =	vst v0  }
0x34: {  	[tilespmem:s4+$0x30] =	vst v0  }
0x35: {  	[tilespmem:s4+$0x20] =	vst v0  }
0x36: {  	[tilespmem:s4+$0x10] =	vst v0  }
0x37: {  	[tilespmem:s4+$0x0] =	vst v0  }
0x38: {  	[tilespmem:s4+$0xFFFFFFF0] =	vst v0  }
0x39: {  	[tilespmem:s4+$0xFFFFFFE0] =	vst v0  }
0x3a: {  	[tilespmem:s4+$0xFFFFFFD0] =	vst v0  }
0x3b: {  	[tilespmem:s4+$0xFFFFFFC0] =	vst v0  }
0x3c: {  	[tilespmem:s4+$0xFFFFFFB0] =	vst v0  }
0x3d: {  	[tilespmem:s4+$0xFFFFFFA0] =	vst v0  }
0x3e: {  	[tilespmem:s4+$0xFFFFFF90] =	vst v0  }
0x3f: {  	[tilespmem:s4+$0xFFFFFF80] =	vst v0  }
0x40: {  	[tilespmem:s4+$0xFFFFFF70] =	vst v0  }
0x41: {  	[tilespmem:s4+$0xFFFFFF60] =	vst v0  }
0x42: {  	[tilespmem:s4+$0xFFFFFF50] =	vst v0  }
0x43: {  	[tilespmem:s4+$0xFFFFFF40] =	vst v0  }
0x44: {  	[tilespmem:s4+$0xFFFFFF30] =	vst v0  }
0x45: {  	s14 =	simm.s32 $0x0;
	[tilespmem:s4+$0xFFFFFF20] =	vst v0  }
.LBB2_2:
0x46: {  	s14 =	sadd.s32 $0x4, s14;
	[tilespmem:s4+$0xFFFFFF10] =	vst v0;
	s4 =	sadd.s32 $0x200, s4  }
0x47: {  	[tilespmem:s4+$0xFFFFFF00] =	vst v0;
	p1 =	slt.u32 s14, $0x9C  }
0x48: {  	[tilespmem:s4+$0xF0] =	vst v0  }
0x49: {  	[tilespmem:s4+$0xE0] =	vst v0  }
0x4a: {  	[tilespmem:s4+$0xD0] =	vst v0  }
0x4b: {  	[tilespmem:s4+$0xC0] =	vst v0  }
0x4c: {  	[tilespmem:s4+$0xB0] =	vst v0  }
0x4d: {  	[tilespmem:s4+$0xA0] =	vst v0  }
0x4e: {  	[tilespmem:s4+$0x90] =	vst v0  }
0x4f: {  	[tilespmem:s4+$0x80] =	vst v0  }
0x50: {  	[tilespmem:s4+$0x70] =	vst v0  }
0x51: {  	[tilespmem:s4+$0x60] =	vst v0  }
0x52: {  	[tilespmem:s4+$0x50] =	vst v0  }
0x53: {  	[tilespmem:s4+$0x40] =	vst v0  }
0x54: {  	[tilespmem:s4+$0x30] =	vst v0  }
0x55: {  	[tilespmem:s4+$0x20] =	vst v0  }
0x56: {  	[tilespmem:s4+$0x10] =	vst v0  }
0x57: {  	[tilespmem:s4+$0x0] =	vst v0  }
0x58: {  	[tilespmem:s4+$0xFFFFFFF0] =	vst v0  }
0x59: {  	[tilespmem:s4+$0xFFFFFFE0] =	vst v0  }
0x5a: {  	[tilespmem:s4+$0xFFFFFFD0] =	vst v0  }
0x5b: {  	[tilespmem:s4+$0xFFFFFFC0] =	vst v0  }
0x5c: {  	[tilespmem:s4+$0xFFFFFFB0] =	vst v0  }
0x5d: {  	[tilespmem:s4+$0xFFFFFFA0] =	vst v0  }
0x5e: {  	[tilespmem:s4+$0xFFFFFF90] =	vst v0  }
0x5f: {  	[tilespmem:s4+$0xFFFFFF80] =	vst v0  }
0x60: {  	[tilespmem:s4+$0xFFFFFF70] =	vst v0  }
.Ltmp0:
0x61: {  	[tilespmem:s4+$0xFFFFFF60] =	vst v0;
	(pc) =	sbr.rel @p1 .LBB2_2-.Ltmp0, $4  }
0x62: {  	[tilespmem:s4+$0xFFFFFF50] =	vst v0  }
0x63: {  	[tilespmem:s4+$0xFFFFFF40] =	vst v0  }
0x64: {  	[tilespmem:s4+$0xFFFFFF30] =	vst v0  }
0x65: {  	[tilespmem:s4+$0xFFFFFF20] =	vst v0  }
0x66: {  	[tilespmem:s4+$0xFFFFFF10] =	vst v0  }
0x67: {  	[tilespmem:$0x1F900] =	vst v0  }
0x68: {  	[tilespmem:$0x1F910] =	vst v0  }
0x69: {  	[tilespmem:$0x1F920] =	vst v0  }
0x6a: {  	[tilespmem:$0x1F930] =	vst v0  }
0x6b: {  	[tilespmem:$0x1F940] =	vst v0  }
0x6c: {  	[tilespmem:$0x1F950] =	vst v0  }
0x6d: {  	[tilespmem:$0x1F960] =	vst v0  }
0x6e: {  	[tilespmem:$0x1F970] =	vst v0  }
0x6f: {  	[tilespmem:$0x1F980] =	vst v0  }
0x70: {  	[tilespmem:$0x1F990] =	vst v0  }
0x71: {  	[tilespmem:$0x1F9A0] =	vst v0  }
0x72: {  	[tilespmem:$0x1F9B0] =	vst v0  }
0x73: {  	[tilespmem:$0x1F9C0] =	vst v0  }
0x74: {  	[tilespmem:$0x1F9D0] =	vst v0  }
0x75: {  	[tilespmem:$0x1F9E0] =	vst v0  }
0x76: {  	[tilespmem:$0x1F9F0] =	vst v0  }
0x77: {  	[tilespmem:$0x1FA00] =	vst v0  }
0x78: {  	[tilespmem:$0x1FA10] =	vst v0  }
0x79: {  	[tilespmem:$0x1FA20] =	vst v0  }
0x7a: {  	[tilespmem:$0x1FA30] =	vst v0  }
0x7b: {  	[tilespmem:$0x1FA40] =	vst v0  }
0x7c: {  	[tilespmem:$0x1FA50] =	vst v0  }
0x7d: {  	[tilespmem:$0x1FA60] =	vst v0  }
0x7e: {  	[tilespmem:$0x1FA70] =	vst v0  }
0x7f: {  	[tilespmem:$0x1FA80] =	vst v0  }
0x80: {  	[tilespmem:$0x1FA90] =	vst v0  }
0x81: {  	[tilespmem:$0x1FAA0] =	vst v0  }
0x82: {  	[tilespmem:$0x1FAB0] =	vst v0  }
0x83: {  	[tilespmem:$0x1FAC0] =	vst v0  }
0x84: {  	[tilespmem:$0x1FAD0] =	vst v0  }
0x85: {  	[tilespmem:$0x1FAE0] =	vst v0  }
0x86: {  	[tilespmem:$0x1FAF0] =	vst v0  }
0x87: {  	[tilespmem:$0x1FB00] =	vst v0  }
0x88: {  	[tilespmem:$0x1FB10] =	vst v0  }
0x89: {  	[tilespmem:$0x1FB20] =	vst v0  }
0x8a: {  	[tilespmem:$0x1FB30] =	vst v0  }
0x8b: {  	[tilespmem:$0x1FB40] =	vst v0  }
0x8c: {  	[tilespmem:$0x1FB50] =	vst v0  }
0x8d: {  	[tilespmem:$0x1FB60] =	vst v0  }
0x8e: {  	[tilespmem:$0x1FB70] =	vst v0  }
0x8f: {  	[spmem:s13] =	stream.linear.scatter [tilespmem:s0], [sflag:$0x5], $0x5000, $0x38;
	[tilespmem:$0x1FB80] =	vst v63  }
0x90: {  	_ =	swait.ge [sflag:s30], $0x5000  }
0x91: {  	[sflag:s30] =	ssyncset.done $0x0  }
0x92: {  	[sflag:s30] =	ssyncadd.s32 $0xFFFFB000  }
0x93: {  	[spmem:s28] =	stream.linear.scatter [tilespmem:s0], [sflag:$0x5], $0x5000, $0x38;
	[tilespmem:$0x1FB80] =	vst v63  }
0x94: {  	_ =	swait.ge [sflag:s30], $0x5000  }
0x95: {  	[sflag:s30] =	ssyncset.done $0x0  }
0x96: {  	s22 =	rddreg [dreg:$0xa];
	[sflag:s30] =	ssyncadd.s32 $0xFFFFB000  }
0x97: {  	[spmem:s22] =	stream.linear.scatter [tilespmem:s0], [sflag:$0x5], $0x5000, $0x38;
	[tilespmem:$0x1FB80] =	vst v63  }
0x98: {  	_ =	swait.ge [sflag:s30], $0x5000  }
0x99: {  	[sflag:s30] =	ssyncset.done $0x0  }
0x9a: {  	s23 =	rddreg [dreg:$0xb];
	[sflag:s30] =	ssyncadd.s32 $0xFFFFB000  }
0x9b: {  	[spmem:s23] =	stream.linear.scatter [tilespmem:s0], [sflag:$0x5], $0x4880, $0x38;
	[tilespmem:$0x1FB80] =	vst v63  }
0x9c: {  	_ =	swait.ge [sflag:s30], $0x4880  }
0x9d: {  	[sflag:s30] =	ssyncset.done $0x0  }
0x9e: {  	s6 =	simm.s32 $0x1F900;
	s24 =	rddreg [dreg:$0xc];
	[sflag:s30] =	ssyncadd.s32 $0xFFFFB780  }
0x9f: {  	[spmem:s24] =	stream.linear.scatter [tilespmem:s6], [sflag:$0x5], $0x280, $0x38;
	[tilespmem:$0x1FB80] =	vst v63  }
0xa0: {  	_ =	swait.ge [sflag:s30], $0x280  }
0xa1: {  	s4 =	simm.s32 $0x0;
	[sflag:s30] =	ssyncset.done $0x0  }
0xa2: {  	s14 =	simm.s32 $0x18920;
	s25 =	rddreg [dreg:$0xd];
	[sflag:s30] =	ssyncadd.s32 $0xFFFFFD80  }
0xa3: {  	[tilespmem:s14], [sflag:$0x5] =	stream.linear.gather [hbm4b:s25+s4], $0xFA0, $0x38;
	[tilespmem:$0x1FB80] =	vst v63  }
0xa4: {  	_ =	swait.ge [sflag:s30], $0xFA0  }
0xa5: {  	[sflag:s30] =	ssyncset.done $0x0  }
0xa6: {  	s15 =	simm.s32 $0x198C0;
	s26 =	rddreg [dreg:$0xe];
	[sflag:s30] =	ssyncadd.s32 $0xFFFFF060  }
0xa7: {  	[tilespmem:s15], [sflag:$0x2] =	stream.linear.gather [hbm4b:s26+s4], $0xFA0, $0x38;
	[tilespmem:$0x1FB80] =	vst v63  }
0xa8: {  	p1 =	por $0x0, $0x0;
	[bflag:$0x0] =	sbarrier.arrive $0xFFFF  }
0xa9: {  	[tilespmem:s0], [sflag:$0x1] =	stream.indirect.gather [hbm4b:s1+s10], $0x80, s14, s10, $0xb8;
	[tilespmem:$0x1FB80] =	vst v63  }
.LBB2_4:
0xaa: {  	s14 =	smul.u32 $0x29, s4;
	_ =	sdelay $0x1  }
0xab: {  	p2 =	seq.s32 s4, $0x0;
	s14 =	sshrl.u32 s14, $0xA  }
.Ltmp1:
0xac: {  	s23 =	sand.u32 $0x3F, s14;
	(pc) =	sbr.rel @p2 .LBB2_7-.Ltmp1, $3  }
0xad: {  	s15 =	smul.u32 $0x19, s23;
	_ =	sdelay $0x1  }
0xae: {  	s21 =	sadd.s32 $0x1, s4;
	s22 =	sand.u32 $0x1, s14;
	s25 =	ssub.s32 s4, s15  }
0xaf: {  	s24 =	sxor.u32 $0x1, s22;
	s15 =	smov.u32 s22;
	s14 =	sand.u32 $0xFF, s25  }
0xb0: {  	p2 =	seq.s32 s4, $0x7C  }
.Ltmp2:
0xb1: {  	_ = 	snop;
	(pc) =	sbr.rel @p2 .LBB2_8-.Ltmp2, $1  }
0xb2: {  	_ =	sdelay $0x3  }
0xb3: {  	_ =	swait.ge [sflag:s19], $0x2800  }
0xb4: {  	p2 =	sne.s32 s14, $0x18;
	[sflag:s19] =	ssyncset.done $0x0  }
0xb5: {  	s16 =	simm.s32 @!p2 $0x2;
	[sflag:s19] =	ssyncadd.s32 $0xFFFFD800  }
0xb6: {  	_ =	swait.ge @!p2 [sflag:s16], $0xFA0  }
0xb7: {  	s15 =	smov.u32 s24;
	[sflag:s16] =	ssyncset.done @!p2 $0x0  }
0xb8: {  	s15 =	smov.u32 @p2 s22;
	[sflag:s16] =	ssyncadd.s32 @!p2 $0xFFFFF060  }
.LBB2_7:
0xb9: {  	s16 =	sadd.s32 $0x1, s14  }
0xba: {  	s26 =	smul.u32 $0x280, s16  }
0xbb: {  	s15 =	smul.u32 $0x3E80, s15;
	p2 =	seq.s32 s16, $0x19  }
0xbc: {  	s26 =	simm.s32 @p2 $0x0  }
0xbd: {  	s6 =	sand.u32 $0x1, s21;
	s15 =	sshrl.u32 s15, $0x2;
	s26 =	sshrl.u32 s26, $0x2  }
0xbe: {  	s16 =	simm.s32 $0x1D060;
	p2 =	seq.s32 s6, $0x1;
	s15 =	sadd.s32 s26, s15  }
0xbf: {  	s16 =	simm.s32 @!p2 $0x1A860;
	s15 =	sadd.s32 $0x18920, s15  }
0xc0: {  	[tilespmem:s16], [sflag:$0x1] =	stream.indirect.gather [hbm4b:s1+s10], $0x80, s15, s10, $0xb8;
	[tilespmem:$0x1FB80] =	vst v63  }
.LBB2_8:
0xc1: {  	p2 =	slt.u32 s4, $0x2  }
0xc2: {  	s15 =	sadd.s32 @!p2 $0xFFFFFFE7, s4  }
0xc3: {  	p3 =	sgt.u32 @!p2 s15, $0x4A  }
0xc4: {  	p4 =	por p3, p2  }
0xc5: {  	s15 =	sand.u32 @!p4 $0xFF, s25  }
0xc6: {  	_ =	swait.ge [sflag:s11], $0x2800;
	p4 =	sne.s32 @!p4 s15, $0x2  }
0xc7: {  	[sflag:s11] =	ssyncset.done $0x0;
	p3 =	por @!p2 p4, p3  }
0xc8: {  	[sflag:s11] =	ssyncadd.s32 $0xFFFFD800;
	s15 =	simm.s32 @!p2 $0x3;
	p3 =	por p3, p2  }
0xc9: {  	_ =	swait.ge @!p2 [sflag:s15], $0x50;
	s16 =	smul.u32 @!p3 $0xFA0, s23  }
0xca: {  	[sflag:s15] =	ssyncset.done @!p2 $0x0;
	s23 =	smul.u32 @!p3 $0x3E80, s24  }
0xcb: {  	s22 =	smul.u32 $0x3E80, s22;
	[sflag:s15] =	ssyncadd.s32 @!p2 $0xFFFFFFB0;
	s15 =	sadd.s32 @!p3 s16, s17  }
0xcc: {  	s14 =	smul.u32 $0x280, s14;
	s16 =	sshrl.u32 @!p3 s23, $0x2;
	s15 =	sshrl.u32 @!p3 s15, $0x3  }
0xcd: {  	s23 =	simm.s32 @!p3 $0x0;
	s16 =	sadd.s32 @!p3 $0x18920, s16;
	s15 =	sadd.s32 @!p3 s8, s15  }
0xce: {  	[tilespmem:s16], [sflag:$0x2] =	stream.linear.gather @!p3 [hbm4b:s15+s23], $0xFA0, $0x38;
	[tilespmem:$0x1FB80] =	vst v63  }
0xcf: {  	s14 =	sshrl.u32 s14, $0x2;
	s23 =	sshrl.u32 s22, $0x2  }
0xd0: {  	s15 =	sadd.s32 s14, s23  }
0xd1: {  	s14 =	sadd.s32 $0x18920, s15;
	v1 =	vld [tilespmem:s15+$0x18920]  }
0xd2: {  	v2 =	vld [tilespmem:s14+$0x50];
	_ =	sdelay $0x6  }
0xd3: {  	v1 =	vld.idx.msk [tilespmem:v1+s29+$0x0], $0xffff  }
0xd4: {  	v2 =	vld.idx.msk [tilespmem:v2+s31+$0x0], $0xffff;
	_ =	sdelay $0x4  }
0xd5: {  	v1 =	vadd.f32 v2, v1;
	_ =	sdelay $0x1  }
0xd6: {  	v2 =	vmul.f32 $2.000000030e-01, v1  }
0xd7: {  	vm0 =	vgt.f32 v1, $0.0e+00  }
0xd8: {  	v1 =	vsel vm0, v1, v2  }
0xd9: {  	v1 =	vmul.f32 $1.442695020e+00, v1;
	_ =	sdelay $0x1  }
0xda: {  	(erf) = vpow2.f32 v1;
	_ =	sdelay $0x6  }
0xdb: {  	s22 =	sand.u32 $0x1, s4  }
0xdc: {  	s4 =	smul.u32 $0x50, s22  }
0xdd: {  	v1 =	vpop (erf)  }
0xde: {  	[tilespmem:s4+$0x1F860] =	vst v1  }
0xdf: {  	v1 =	vld [tilespmem:s14+$0x10]  }
0xe0: {  	v2 =	vld [tilespmem:s14+$0x60];
	_ =	sdelay $0x6  }
0xe1: {  	v1 =	vld.idx.msk [tilespmem:v1+s29+$0x0], $0xffff  }
0xe2: {  	v2 =	vld.idx.msk [tilespmem:v2+s31+$0x0], $0xffff;
	_ =	sdelay $0x4  }
0xe3: {  	v1 =	vadd.f32 v2, v1;
	_ =	sdelay $0x1  }
0xe4: {  	v2 =	vmul.f32 $2.000000030e-01, v1  }
0xe5: {  	vm12 =	vgt.f32 v1, $0.0e+00  }
0xe6: {  	v1 =	vsel vm12, v1, v2  }
0xe7: {  	v1 =	vmul.f32 $1.442695020e+00, v1;
	_ =	sdelay $0x1  }
0xe8: {  	(erf) = vpow2.f32 v1;
	_ =	sdelay $0x8  }
0xe9: {  	v1 =	vpop (erf)  }
0xea: {  	[tilespmem:s4+$0x1F870] =	vst v1  }
0xeb: {  	v1 =	vld [tilespmem:s14+$0x20]  }
0xec: {  	v2 =	vld [tilespmem:s14+$0x70];
	_ =	sdelay $0x6  }
0xed: {  	v1 =	vld.idx.msk [tilespmem:v1+s29+$0x0], $0xffff  }
0xee: {  	v2 =	vld.idx.msk [tilespmem:v2+s31+$0x0], $0xffff;
	_ =	sdelay $0x4  }
0xef: {  	v1 =	vadd.f32 v2, v1;
	_ =	sdelay $0x1  }
0xf0: {  	v2 =	vmul.f32 $2.000000030e-01, v1  }
0xf1: {  	vm13 =	vgt.f32 v1, $0.0e+00  }
0xf2: {  	v1 =	vsel vm13, v1, v2  }
0xf3: {  	v1 =	vmul.f32 $1.442695020e+00, v1;
	_ =	sdelay $0x1  }
0xf4: {  	(erf) = vpow2.f32 v1;
	_ =	sdelay $0x8  }
0xf5: {  	v1 =	vpop (erf)  }
0xf6: {  	[tilespmem:s4+$0x1F880] =	vst v1  }
0xf7: {  	v1 =	vld [tilespmem:s14+$0x30]  }
0xf8: {  	v2 =	vld [tilespmem:s14+$0x80];
	_ =	sdelay $0x6  }
0xf9: {  	v1 =	vld.idx.msk [tilespmem:v1+s29+$0x0], $0xffff  }
0xfa: {  	v2 =	vld.idx.msk [tilespmem:v2+s31+$0x0], $0xffff;
	_ =	sdelay $0x4  }
0xfb: {  	v1 =	vadd.f32 v2, v1;
	_ =	sdelay $0x1  }
0xfc: {  	v2 =	vmul.f32 $2.000000030e-01, v1  }
0xfd: {  	vm14 =	vgt.f32 v1, $0.0e+00  }
0xfe: {  	v1 =	vsel vm14, v1, v2  }
0xff: {  	v1 =	vmul.f32 $1.442695020e+00, v1;
	_ =	sdelay $0x1  }
0x100: {  	(erf) = vpow2.f32 v1;
	_ =	sdelay $0x8  }
0x101: {  	v1 =	vpop (erf)  }
0x102: {  	[tilespmem:s4+$0x1F890] =	vst v1  }
0x103: {  	v1 =	vld [tilespmem:s14+$0x40]  }
0x104: {  	v2 =	vld [tilespmem:s14+$0x90];
	_ =	sdelay $0x6  }
0x105: {  	v1 =	vld.idx.msk [tilespmem:v1+s29+$0x0], $0xffff  }
0x106: {  	v2 =	vld.idx.msk [tilespmem:v2+s31+$0x0], $0xffff;
	_ =	sdelay $0x4  }
0x107: {  	v1 =	vadd.f32 v2, v1;
	_ =	sdelay $0x1  }
0x108: {  	v2 =	vmul.f32 $2.000000030e-01, v1  }
0x109: {  	vm15 =	vgt.f32 v1, $0.0e+00  }
0x10a: {  	v1 =	vsel vm15, v1, v2  }
0x10b: {  	v1 =	vmul.f32 $1.442695020e+00, v1;
	_ =	sdelay $0x1  }
0x10c: {  	(erf) = vpow2.f32 v1;
	v1 =	vmov s22  }
0x10d: {  	v1 =	vmul.u32 $0x50, v1  }
0x10e: {  	s24 =	simm.s32 $0x0  }
0x10f: {  	s25 =	simm.s32 $0x3;
	v2 =	vmov s24;
	v1 =	vbroadcast v1, $0x0  }
0x110: {  	v4 =	vmov s25;
	v3 =	vand.u32 $0x78, v2  }
0x111: {  	v5 =	vand.u32 $0x78, v4;
	v2 =	vand.u32 $0x4, v2;
	v3 =	vadd.s32 v1, v3  }
0x112: {  	v2 =	vor.u32 v2, v3;
	v3 =	vand.u32 $0x7, v4;
	v4 =	vadd.s32 v1, v5;
	_ =	sdelay $0x1  }
0x113: {  	s15 =	simm.s32 $0x1;
	v3 =	vor.u32 v3, v4  }
0x114: {  	s15 =	simm.s32 @!p1 $0x0;
	v4 =	vpop (erf)  }
0x115: {  	s23 =	sadd.s32 $0x50, s14;
	s26 =	sadd.s32 $0x1F860, s4;
	s15 =	smul.u32 $0xA000, s15;
	[tilespmem:s4+$0x1F8A0] =	vst v4  }
0x116: {  	[spmem:s3] =	stream.indirect.scatter.add.f32 [tilespmem:s26], [sflag:$0x3], $0x1, s23, s10, $0xb8;
	[tilespmem:$0x1FB80] =	vst v63  }
0x117: {  	s6 =	sshrl.u32 s15, $0x2;
	v4 =	vld.idx.msk [tilespmem:v2+s5+$0x0], $0xffff  }
0x118: {  	s24 =	sadd.s32 $0x1A960, s6;
	v2 =	vld.idx.msk [tilespmem:v3+s5+$0x0], $0xffff  }
0x119: {  	v5 =	vld [tilespmem:s24+$0xF0]  }
0x11a: {  	s14 =	simm.s32 $0x1;
	v7 =	vld [tilespmem:s24+$0xFFFFFF00]  }
0x11b: {  	v3 =	vmov s14;
	v8 =	vld [tilespmem:s24+$0xFFFFFF10]  }
0x11c: {  	v9 =	vld [tilespmem:s24+$0xFFFFFF30];
	v6 =	vand.u32 $0x78, v3  }
0x11d: {  	v10 =	vld [tilespmem:s24+$0xFFFFFF40];
	v3 =	vand.u32 $0x5, v3;
	v6 =	vadd.s32 v1, v6  }
0x11e: {  	v11 =	vld [tilespmem:s24+$0xFFFFFF50];
	v3 =	vor.u32 v3, v6  }
0x11f: {  	v6 =	vld [tilespmem:s24+$0xFFFFFF20]  }
0x120: {  	v12 =	vld [tilespmem:s24+$0xFFFFFF60];
	v7 =	vmul.f32 v7, v4  }
0x121: {  	v15 =	vld [tilespmem:s24+$0xFFFFFF80];
	v8 =	vmul.f32 v8, v4  }
0x122: {  	s15 =	simm.s32 $0x2;
	v5 =	vmul.f32 v5, v2;
	[tilespmem:s24+$0xFFFFFF00] =	vst v7;
	v7 =	vld [tilespmem:s24+$0xFFFFFF70]  }
0x123: {  	[tilespmem:s24+$0xFFFFFF10] =	vst v8;
	v8 =	vmul.f32 v9, v4;
	v13 =	vld.idx.msk [tilespmem:v3+s5+$0x0], $0xffff;
	v3 =	vmov s15  }
0x124: {  	[tilespmem:s24+$0xF0] =	vst v5;
	v9 =	vld [tilespmem:s24+$0xFFFFFFA0];
	v5 =	vmul.f32 v6, v4;
	v14 =	vand.u32 $0x78, v3  }
0x125: {  	v12 =	vmul.f32 v12, v4;
	v6 =	vld [tilespmem:s24+$0xFFFFFF90];
	v3 =	vand.u32 $0x6, v3;
	[tilespmem:s24+$0xFFFFFF30] =	vst v8;
	v14 =	vadd.s32 v1, v14  }
0x126: {  	v8 =	vmul.f32 v11, v4;
	v11 =	vld [tilespmem:s24+$0xFFFFFFC0];
	[tilespmem:s24+$0xFFFFFF20] =	vst v5;
	v5 =	vmul.f32 v10, v4;
	v3 =	vor.u32 v3, v14  }
0x127: {  	[tilespmem:s24+$0xFFFFFF60] =	vst v12;
	v10 =	vld [tilespmem:s24+$0xFFFFFFB0]  }
0x128: {  	v14 =	vld [tilespmem:s24+$0xFFFFFFD0];
	[tilespmem:s24+$0xFFFFFF40] =	vst v5;
	v5 =	vmul.f32 v15, v13  }
0x129: {  	[tilespmem:s24+$0xFFFFFF50] =	vst v8;
	v8 =	vld [tilespmem:s24+$0xFFFFFFE0];
	v4 =	vmul.f32 v7, v4  }
0x12a: {  	v7 =	vld [tilespmem:s24+$0x0];
	[tilespmem:s24+$0xFFFFFF80] =	vst v5;
	v5 =	vmul.f32 v6, v13  }
0x12b: {  	[tilespmem:s24+$0xFFFFFF70] =	vst v4;
	v4 =	vmul.f32 v9, v13;
	v3 =	vld.idx.msk [tilespmem:v3+s5+$0x0], $0xffff  }
0x12c: {  	v6 =	vld [tilespmem:s24+$0xFFFFFFF0];
	[tilespmem:s24+$0xFFFFFF90] =	vst v5;
	v5 =	vmul.f32 v10, v13  }
0x12d: {  	v9 =	vld [tilespmem:s24+$0x10];
	[tilespmem:s24+$0xFFFFFFA0] =	vst v4;
	v4 =	vmul.f32 v11, v13  }
0x12e: {  	s16 =	simm.s32 $0x4;
	v12 =	vld [tilespmem:s24+$0x20];
	[tilespmem:s24+$0xFFFFFFB0] =	vst v5;
	v5 =	vmul.f32 v14, v13  }
0x12f: {  	s26 =	simm.s32 $0x6;
	v8 =	vmul.f32 v8, v13;
	v10 =	vmov s16;
	[tilespmem:s24+$0xFFFFFFC0] =	vst v4;
	v14 =	vld [tilespmem:s24+$0x30]  }
0x130: {  	v16 =	vld [tilespmem:s24+$0x40];
	v17 =	vmov s26;
	v11 =	vand.u32 $0x78, v10;
	[tilespmem:s24+$0xFFFFFFD0] =	vst v5;
	v5 =	vmul.f32 v7, v3  }
0x131: {  	s25 =	simm.s32 $0x5;
	v15 =	vand.u32 $0x4, v10;
	v4 =	vld [tilespmem:s24+$0x50];
	[tilespmem:s24+$0xFFFFFFE0] =	vst v8;
	v8 =	vadd.s32 v1, v11;
	v7 =	vmul.f32 v6, v13  }
0x132: {  	v11 =	vand.u32 $0x6, v17;
	v13 =	vmov s25;
	v6 =	vld [tilespmem:s24+$0x60];
	v9 =	vmul.f32 v9, v3;
	[tilespmem:s24+$0x0] =	vst v5  }
0x133: {  	v17 =	vand.u32 $0x78, v17;
	v18 =	vmul.f32 v12, v3;
	v10 =	vand.u32 $0x5, v13;
	[tilespmem:s24+$0xFFFFFFF0] =	vst v7;
	v7 =	vld [tilespmem:s24+$0x70]  }
0x134: {  	v13 =	vand.u32 $0x78, v13;
	v5 =	vor.u32 v15, v8;
	[tilespmem:s24+$0x10] =	vst v9;
	v8 =	vld [tilespmem:s24+$0x80];
	v12 =	vmul.f32 v14, v3  }
0x135: {  	s4 =	simm.s32 $0x8;
	s14 =	simm.s32 $0x7;
	s25 =	smov.u32 s24;
	v15 =	vadd.s32 v1, v13;
	[tilespmem:s24+$0x20] =	vst v18;
	v13 =	vmul.f32 v16, v3;
	v9 =	vld [tilespmem:s24+$0x90];
	v14 =	vadd.s32 v1, v17  }
.LBB2_9:
0x136: {  	p2 =	slt.u32 s4, $0x4C;
	v10 =	vor.u32 v10, v15;
	v15 =	vmov s14;
	[tilespmem:s24+$0x30] =	vst v12;
	v4 =	vmul.f32 v4, v3;
	v12 =	vld [tilespmem:s24+$0xA0]  }
0x137: {  	v11 =	vor.u32 v11, v14;
	v14 =	vand.u32 $0x78, v15;
	[tilespmem:s24+$0x40] =	vst v13;
	v6 =	vmul.f32 v6, v3;
	v13 =	vld [tilespmem:s24+$0xB0]  }
0x138: {  	v15 =	vand.u32 $0x7, v15;
	v14 =	vadd.s32 v1, v14;
	[tilespmem:s24+$0x50] =	vst v4;
	v3 =	vmul.f32 v7, v3;
	v4 =	vld [tilespmem:s24+$0xC0]  }
0x139: {  	v7 =	vor.u32 v15, v14;
	[tilespmem:s24+$0x60] =	vst v6;
	v6 =	vmul.f32 v8, v2;
	v8 =	vld [tilespmem:s24+$0xD0]  }
0x13a: {  	[tilespmem:s24+$0x70] =	vst v3;
	v3 =	vmul.f32 v9, v2;
	v9 =	vld [tilespmem:s24+$0xE0]  }
0x13b: {  	v5 =	vld.idx.msk [tilespmem:v5+s5+$0x0], $0xffff;
	[tilespmem:s24+$0x80] =	vst v6;
	v6 =	vmul.f32 v12, v2  }
0x13c: {  	v10 =	vld.idx.msk [tilespmem:v10+s5+$0x0], $0xffff;
	[tilespmem:s24+$0x90] =	vst v3;
	v12 =	vmul.f32 v13, v2  }
0x13d: {  	v3 =	vld.idx.msk [tilespmem:v11+s5+$0x0], $0xffff;
	[tilespmem:s24+$0xA0] =	vst v6;
	v4 =	vmul.f32 v4, v2  }
0x13e: {  	s24 =	sadd.s32 $0x200, s24;
	v6 =	vld.idx.msk [tilespmem:v7+s5+$0x0], $0xffff;
	[tilespmem:s25+$0xB0] =	vst v12;
	v7 =	vmul.f32 v8, v2  }
0x13f: {  	v8 =	vld [tilespmem:s24+$0xF0];
	[tilespmem:s25+$0xC0] =	vst v4;
	v2 =	vmul.f32 v9, v2  }
0x140: {  	v4 =	vld [tilespmem:s24+$0xFFFFFF00];
	[tilespmem:s25+$0xD0] =	vst v7  }
0x141: {  	v7 =	vld [tilespmem:s24+$0xFFFFFF10];
	[tilespmem:s25+$0xE0] =	vst v2;
	s25 =	smov.u32 s24  }
0x142: {  	v9 =	vld [tilespmem:s24+$0xFFFFFF20]  }
0x143: {  	v11 =	vld [tilespmem:s24+$0xFFFFFF30]  }
0x144: {  	v2 =	vmov v6;
	v12 =	vld [tilespmem:s24+$0xFFFFFF40];
	v8 =	vmul.f32 v8, v6  }
0x145: {  	v4 =	vmul.f32 v4, v5;
	v6 =	vld [tilespmem:s24+$0xFFFFFF50]  }
0x146: {  	v7 =	vmul.f32 v7, v5;
	v13 =	vld [tilespmem:s24+$0xFFFFFF60];
	[tilespmem:s24+$0xF0] =	vst v8  }
0x147: {  	[tilespmem:s24+$0xFFFFFF00] =	vst v4;
	v4 =	vmul.f32 v9, v5;
	v8 =	vld [tilespmem:s24+$0xFFFFFF70]  }
0x148: {  	[tilespmem:s24+$0xFFFFFF10] =	vst v7;
	v7 =	vmul.f32 v11, v5;
	v9 =	vld [tilespmem:s24+$0xFFFFFF80]  }
0x149: {  	[tilespmem:s24+$0xFFFFFF20] =	vst v4;
	v4 =	vmul.f32 v12, v5;
	v11 =	vld [tilespmem:s24+$0xFFFFFF90]  }
0x14a: {  	[tilespmem:s24+$0xFFFFFF30] =	vst v7;
	v6 =	vmul.f32 v6, v5;
	v7 =	vld [tilespmem:s24+$0xFFFFFFA0]  }
0x14b: {  	[tilespmem:s24+$0xFFFFFF40] =	vst v4;
	v4 =	vmul.f32 v13, v5;
	v12 =	vld [tilespmem:s24+$0xFFFFFFB0]  }
0x14c: {  	[tilespmem:s24+$0xFFFFFF50] =	vst v6;
	v5 =	vmul.f32 v8, v5;
	v6 =	vld [tilespmem:s24+$0xFFFFFFC0]  }
0x14d: {  	[tilespmem:s24+$0xFFFFFF60] =	vst v4;
	v4 =	vmul.f32 v9, v10;
	v8 =	vld [tilespmem:s24+$0xFFFFFFD0]  }
0x14e: {  	[tilespmem:s24+$0xFFFFFF70] =	vst v5;
	v5 =	vmul.f32 v11, v10;
	v9 =	vld [tilespmem:s24+$0xFFFFFFE0]  }
0x14f: {  	[tilespmem:s24+$0xFFFFFF80] =	vst v4;
	v4 =	vmul.f32 v7, v10;
	v7 =	vld [tilespmem:s24+$0xFFFFFFF0]  }
0x150: {  	[tilespmem:s24+$0xFFFFFF90] =	vst v5;
	v5 =	vmul.f32 v12, v10;
	v11 =	vld [tilespmem:s24+$0x0]  }
0x151: {  	[tilespmem:s24+$0xFFFFFFA0] =	vst v4;
	v4 =	vmul.f32 v6, v10;
	v6 =	vld [tilespmem:s24+$0x10]  }
0x152: {  	[tilespmem:s24+$0xFFFFFFB0] =	vst v5;
	v5 =	vmul.f32 v8, v10;
	v8 =	vld [tilespmem:s24+$0x20]  }
0x153: {  	v12 =	vmov s4;
	[tilespmem:s24+$0xFFFFFFC0] =	vst v4;
	v4 =	vmul.f32 v9, v10;
	v9 =	vld [tilespmem:s24+$0x30]  }
0x154: {  	s14 =	sadd.s32 $0x1, s4;
	s15 =	sadd.s32 $0x2, s4;
	v13 =	vand.u32 $0x78, v12;
	v12 =	vand.u32 $0x4, v12;
	[tilespmem:s24+$0xFFFFFFD0] =	vst v5;
	v5 =	vmul.f32 v7, v10;
	v16 =	vld [tilespmem:s24+$0x40]  }
.Ltmp3:
0x155: {  	v14 =	vmov s15;
	v7 =	vmov s14;
	[tilespmem:s24+$0xFFFFFFE0] =	vst v4;
	v15 =	vmul.f32 v11, v3;
	v4 =	vld [tilespmem:s24+$0x50];
	(pc) =	sbr.rel @p2 .LBB2_9-.Ltmp3, $4  }
0x156: {  	v13 =	vadd.s32 v1, v13;
	v10 =	vand.u32 $0x5, v7;
	[tilespmem:s24+$0xFFFFFFF0] =	vst v5;
	v17 =	vmul.f32 v6, v3;
	v6 =	vld [tilespmem:s24+$0x60]  }
0x157: {  	v18 =	vand.u32 $0x78, v7;
	v11 =	vand.u32 $0x6, v14;
	[tilespmem:s24+$0x0] =	vst v15;
	v19 =	vmul.f32 v8, v3;
	v7 =	vld [tilespmem:s24+$0x70]  }
0x158: {  	v5 =	vor.u32 v12, v13;
	v13 =	vand.u32 $0x78, v14;
	[tilespmem:s24+$0x10] =	vst v17;
	v12 =	vmul.f32 v9, v3;
	v8 =	vld [tilespmem:s24+$0x80]  }
0x159: {  	s14 =	sadd.s32 $0x3, s4;
	s4 =	sadd.s32 $0x4, s4;
	v15 =	vadd.s32 v1, v18;
	v14 =	vadd.s32 v1, v13;
	[tilespmem:s24+$0x20] =	vst v19;
	v13 =	vmul.f32 v16, v3;
	v9 =	vld [tilespmem:s24+$0x90]  }
0x15a: {  	v17 =	vld [tilespmem:s24+$0xA0]  }
0x15b: {  	v18 =	vld [tilespmem:s24+$0xB0]  }
0x15c: {  	v25 =	vld [tilespmem:s24+$0xC0]  }
0x15d: {  	v26 =	vld [tilespmem:s24+$0xD0]  }
0x15e: {  	[tilespmem:s24+$0x30] =	vst v12;
	v4 =	vmul.f32 v4, v3;
	v27 =	vld [tilespmem:s24+$0xE0]  }
0x15f: {  	v5 =	vld.idx.msk [tilespmem:v5+s5+$0x0], $0xffff;
	s4 =	sadd.s32 $0x200, s24;
	[tilespmem:s24+$0x40] =	vst v13;
	v6 =	vmul.f32 v6, v3  }
0x160: {  	v32 =	vld [tilespmem:s4+$0xF0];
	[tilespmem:s24+$0x50] =	vst v4;
	v3 =	vmul.f32 v7, v3  }
0x161: {  	v16 =	vmov s14;
	v33 =	vld [tilespmem:s4+$0xFFFFFF00];
	[tilespmem:s24+$0x60] =	vst v6;
	v29 =	vmul.f32 v8, v2  }
0x162: {  	v10 =	vor.u32 v10, v15;
	v23 =	vand.u32 $0x78, v16;
	v35 =	vld [tilespmem:s4+$0xFFFFFF10];
	[tilespmem:s24+$0x70] =	vst v3;
	v3 =	vmul.f32 v9, v2  }
0x163: {  	v24 =	vand.u32 $0x7, v16;
	v36 =	vld [tilespmem:s4+$0xFFFFFF20];
	v1 =	vadd.s32 v1, v23;
	[tilespmem:s24+$0x80] =	vst v29;
	v31 =	vmul.f32 v17, v2  }
0x164: {  	v37 =	vld [tilespmem:s4+$0xFFFFFF30];
	v1 =	vor.u32 v24, v1;
	[tilespmem:s24+$0x90] =	vst v3;
	v3 =	vmul.f32 v18, v2  }
0x165: {  	v38 =	vld [tilespmem:s4+$0xFFFFFF50];
	v34 =	vmul.f32 v25, v2;
	[tilespmem:s24+$0xA0] =	vst v31  }
0x166: {  	v39 =	vld [tilespmem:s4+$0xFFFFFF60];
	[tilespmem:s25+$0xB0] =	vst v3;
	v3 =	vmul.f32 v26, v2  }
0x167: {  	v28 =	vld.idx.msk [tilespmem:v10+s5+$0x0], $0xffff;
	[tilespmem:s25+$0xC0] =	vst v34;
	v2 =	vmul.f32 v27, v2  }
0x168: {  	v10 =	vmul.f32 v35, v5;
	[tilespmem:s25+$0xD0] =	vst v3;
	v3 =	vld [tilespmem:s4+$0xFFFFFF40]  }
0x169: {  	v1 =	vld.idx.msk [tilespmem:v1+s5+$0x0], $0xffff;
	[tilespmem:s25+$0xE0] =	vst v2;
	v2 =	vmul.f32 v33, v5  }
0x16a: {  	v40 =	vld [tilespmem:s4+$0xFFFFFF70];
	v6 =	vmul.f32 v37, v5;
	[tilespmem:s4+$0xFFFFFF10] =	vst v10  }
0x16b: {  	v41 =	vld [tilespmem:s4+$0xFFFFFF80];
	[tilespmem:s4+$0xFFFFFF00] =	vst v2;
	v2 =	vmul.f32 v36, v5  }
0x16c: {  	v43 =	vld [tilespmem:s4+$0xFFFFFFA0];
	v42 =	vmul.f32 v38, v5;
	[tilespmem:s4+$0xFFFFFF30] =	vst v6  }
0x16d: {  	[tilespmem:s4+$0xFFFFFF20] =	vst v2;
	v2 =	vmul.f32 v3, v5;
	v3 =	vld [tilespmem:s4+$0xFFFFFF90]  }
0x16e: {  	v44 =	vld [tilespmem:s4+$0xFFFFFFB0];
	[tilespmem:s4+$0xFFFFFF50] =	vst v42;
	v8 =	vmul.f32 v32, v1  }
0x16f: {  	v11 =	vor.u32 v11, v14;
	v45 =	vld [tilespmem:s4+$0xFFFFFFC0];
	[tilespmem:s4+$0xFFFFFF40] =	vst v2;
	v2 =	vmul.f32 v39, v5  }
0x170: {  	v46 =	vld [tilespmem:s4+$0xFFFFFFD0];
	[tilespmem:s4+$0xF0] =	vst v8;
	v5 =	vmul.f32 v40, v5  }
0x171: {  	v47 =	vld [tilespmem:s4+$0xFFFFFFE0];
	[tilespmem:s4+$0xFFFFFF60] =	vst v2;
	v2 =	vmul.f32 v41, v28  }
0x172: {  	v48 =	vld [tilespmem:s4+$0xFFFFFFF0];
	[tilespmem:s4+$0xFFFFFF70] =	vst v5;
	v3 =	vmul.f32 v3, v28  }
0x173: {  	v49 =	vld [tilespmem:s4+$0x0];
	[tilespmem:s4+$0xFFFFFF80] =	vst v2;
	v2 =	vmul.f32 v43, v28  }
0x174: {  	v30 =	vld.idx.msk [tilespmem:v11+s5+$0x0], $0xffff;
	[tilespmem:s4+$0xFFFFFF90] =	vst v3;
	v3 =	vmul.f32 v44, v28  }
0x175: {  	v50 =	vld [tilespmem:s4+$0x10];
	[tilespmem:s4+$0xFFFFFFA0] =	vst v2;
	v2 =	vmul.f32 v45, v28  }
0x176: {  	v51 =	vld [tilespmem:s4+$0x20];
	[tilespmem:s4+$0xFFFFFFB0] =	vst v3;
	v3 =	vmul.f32 v46, v28  }
0x177: {  	v52 =	vld [tilespmem:s4+$0x30];
	[tilespmem:s4+$0xFFFFFFC0] =	vst v2;
	v2 =	vmul.f32 v47, v28  }
0x178: {  	v53 =	vld [tilespmem:s4+$0x40];
	[tilespmem:s4+$0xFFFFFFD0] =	vst v3;
	v3 =	vmul.f32 v48, v28  }
0x179: {  	v54 =	vld [tilespmem:s4+$0x50];
	[tilespmem:s4+$0xFFFFFFE0] =	vst v2;
	v2 =	vmul.f32 v49, v30  }
0x17a: {  	v55 =	vld [tilespmem:s4+$0x60];
	[tilespmem:s4+$0xFFFFFFF0] =	vst v3;
	v3 =	vmul.f32 v50, v30  }
0x17b: {  	v56 =	vld [tilespmem:s4+$0x70];
	[tilespmem:s4+$0x0] =	vst v2;
	v2 =	vmul.f32 v51, v30  }
0x17c: {  	v57 =	vld [tilespmem:s4+$0x80];
	[tilespmem:s4+$0x10] =	vst v3;
	v3 =	vmul.f32 v52, v30  }
0x17d: {  	v58 =	vld [tilespmem:s4+$0x90];
	[tilespmem:s4+$0x20] =	vst v2;
	v2 =	vmul.f32 v53, v30  }
0x17e: {  	v59 =	vld [tilespmem:s4+$0xA0];
	[tilespmem:s4+$0x30] =	vst v3;
	v3 =	vmul.f32 v54, v30  }
0x17f: {  	v60 =	vld [tilespmem:s4+$0xB0];
	[tilespmem:s4+$0x40] =	vst v2;
	v2 =	vmul.f32 v55, v30  }
0x180: {  	v61 =	vld [tilespmem:s4+$0xC0];
	[tilespmem:s4+$0x50] =	vst v3;
	v3 =	vmul.f32 v56, v30  }
0x181: {  	v62 =	vld [tilespmem:s4+$0xD0];
	[tilespmem:s4+$0x60] =	vst v2;
	v2 =	vmul.f32 v57, v1  }
0x182: {  	v63 =	vld [tilespmem:s4+$0xE0];
	[tilespmem:s4+$0x70] =	vst v3;
	v3 =	vmul.f32 v58, v1  }
0x183: {  	[tilespmem:s4+$0x80] =	vst v2;
	v2 =	vmul.f32 v59, v1  }
0x184: {  	[tilespmem:s4+$0x90] =	vst v3;
	v3 =	vmul.f32 v60, v1  }
0x185: {  	p2 =	sne.s32 s21, $0x7D;
	s25 =	smul.u32 $0xA000, s22;
	[tilespmem:s4+$0xA0] =	vst v2;
	v2 =	vmul.f32 v61, v1  }
.Ltmp4:
0x186: {  	[tilespmem:s4+$0xB0] =	vst v3;
	v3 =	vmul.f32 v62, v1;
	(pc) =	sbr.rel @p2 .LBB2_4-.Ltmp4, $4  }
0x187: {  	v1 =	vmul.f32 v63, v1;
	[tilespmem:s4+$0xC0] =	vst v2  }
0x188: {  	s14 =	sshrl.u32 s25, $0x2;
	[tilespmem:s4+$0xD0] =	vst v3  }
0x189: {  	p1 =	por !p1, !p1;
	s26 =	sadd.s32 $0x1A860, s14;
	[tilespmem:s4+$0xE0] =	vst v1;
	s4 =	smov.u32 s21  }
0x18a: {  	[spmem:s2] =	stream.indirect.scatter.add.f32 [tilespmem:s26], [sflag:$0x4], $0x80, s23, s10, $0xb8;
	[tilespmem:$0x1FB80] =	vst v63  }
0x18b: {  	_ =	swait.ge [sflag:s7], $0x50  }
0x18c: {  	[sflag:s7] =	ssyncset.done $0x0  }
0x18d: {  	[sflag:s7] =	ssyncadd.s32 $0xFFFFFFB0  }
0x18e: {  	_ =	swait.ge [sflag:s7], $0x50  }
0x18f: {  	[sflag:s7] =	ssyncset.done $0x0  }
0x190: {  	[sflag:s7] =	ssyncadd.s32 $0xFFFFFFB0  }
0x191: {  	_ =	swait.ge [sflag:s19], $0x2800  }
0x192: {  	[sflag:s19] =	ssyncset.done $0x0  }
0x193: {  	[sflag:s19] =	ssyncadd.s32 $0xFFFFD800  }
0x194: {  	_ =	swait.ge [sflag:s19], $0x2800  }
0x195: {  	[sflag:s19] =	ssyncset.done $0x0  }
0x196: {  	s4 =	stileid.u32;
	[sflag:s19] =	ssyncadd.s32 $0xFFFFD800  }
0x197: {  	s4 =	sshll.u32 s4, $0x6;
	[bflag:$0x0] =	sbarrier.arrive $0xFFFF  }
0x198: {  	s22 =	sshrl.u32 s13, $0x3;
	s21 =	sor.u32 $0x1C05, s4;
	s24 =	rddreg [dreg:$0x11]  }
0x199: {  	[hbm:s24], [sflag:s21] =	dma.local [spmem:s22], $0x2710  }
0x19a: {  	_ =	swait.ge [sflag:s30], $0x2710  }
0x19b: {  	[sflag:s30] =	ssyncset.done $0x0  }
0x19c: {  	s23 =	sshrl.u32 @!p0 s3, $0x3;
	s4 =	rddreg [dreg:$0x13];
	[sflag:s30] =	ssyncadd.s32 $0xFFFFD8F0  }
0x19d: {  	[hbm:s4], [sflag:s21] =	dma.local @!p0 [spmem:s23], $0x500  }
0x19e: {  	s4 =	simm.s32 @!p0 $0x5  }
0x19f: {  	_ =	swait.ge @!p0 [sflag:s4], $0x500  }
0x1a0: {  	[sflag:s4] =	ssyncset.done @!p0 $0x0  }
0x1a1: {  	[sflag:s4] =	ssyncadd.s32 @!p0 $0xFFFFFB00  }
0x1a2: {  	[bflag:$0x0] =	sbarrier.arrive $0xFFFF  }
0x1a3: {  	s25 =	rddreg [dreg:$0x7]  }
0x1a4: {  	[tilespmem:s29], [sflag:$0x5] =	stream.linear.gather [hbm4b:s25+s18], $0x2710, $0x38;
	[tilespmem:$0x1FB80] =	vst v63  }
0x1a5: {  	_ =	swait.ge [sflag:s30], $0x2710  }
0x1a6: {  	[sflag:s30] =	ssyncset.done $0x0  }
0x1a7: {  	s26 =	rddreg [dreg:$0x8];
	[sflag:s30] =	ssyncadd.s32 $0xFFFFD8F0  }
0x1a8: {  	[tilespmem:s31], [sflag:$0x5] =	stream.linear.gather [hbm4b:s26+s18], $0x2710, $0x38;
	[tilespmem:$0x1FB80] =	vst v63  }
0x1a9: {  	_ =	swait.ge [sflag:s30], $0x2710  }
0x1aa: {  	[sflag:s30] =	ssyncset.done $0x0  }
0x1ab: {  	s4 =	simm.s32 $0x1A960;
	[sflag:s30] =	ssyncadd.s32 $0xFFFFD8F0  }
0x1ac: {  	[tilespmem:s4+$0xFFFFFF00] =	vst v0  }
0x1ad: {  	[tilespmem:s4+$0xF0] =	vst v0  }
0x1ae: {  	[tilespmem:s4+$0xE0] =	vst v0  }
0x1af: {  	[tilespmem:s4+$0xD0] =	vst v0  }
0x1b0: {  	[tilespmem:s4+$0xC0] =	vst v0  }
0x1b1: {  	[tilespmem:s4+$0xB0] =	vst v0  }
0x1b2: {  	[tilespmem:s4+$0xA0] =	vst v0  }
0x1b3: {  	[tilespmem:s4+$0x90] =	vst v0  }
0x1b4: {  	[tilespmem:s4+$0x80] =	vst v0  }
0x1b5: {  	[tilespmem:s4+$0x70] =	vst v0  }
0x1b6: {  	[tilespmem:s4+$0x60] =	vst v0  }
0x1b7: {  	[tilespmem:s4+$0x50] =	vst v0  }
0x1b8: {  	[tilespmem:s4+$0x40] =	vst v0  }
0x1b9: {  	[tilespmem:s4+$0x30] =	vst v0  }
0x1ba: {  	[tilespmem:s4+$0x20] =	vst v0  }
0x1bb: {  	[tilespmem:s4+$0x10] =	vst v0  }
0x1bc: {  	[tilespmem:s4+$0x0] =	vst v0  }
0x1bd: {  	[tilespmem:s4+$0xFFFFFFF0] =	vst v0  }
0x1be: {  	[tilespmem:s4+$0xFFFFFFE0] =	vst v0  }
0x1bf: {  	[tilespmem:s4+$0xFFFFFFD0] =	vst v0  }
0x1c0: {  	[tilespmem:s4+$0xFFFFFFC0] =	vst v0  }
0x1c1: {  	[tilespmem:s4+$0xFFFFFFB0] =	vst v0  }
0x1c2: {  	[tilespmem:s4+$0xFFFFFFA0] =	vst v0  }
0x1c3: {  	[tilespmem:s4+$0xFFFFFF90] =	vst v0  }
0x1c4: {  	[tilespmem:s4+$0xFFFFFF80] =	vst v0  }
0x1c5: {  	[tilespmem:s4+$0xFFFFFF70] =	vst v0  }
0x1c6: {  	[tilespmem:s4+$0xFFFFFF60] =	vst v0  }
0x1c7: {  	[tilespmem:s4+$0xFFFFFF50] =	vst v0  }
0x1c8: {  	[tilespmem:s4+$0xFFFFFF40] =	vst v0  }
0x1c9: {  	[tilespmem:s4+$0xFFFFFF30] =	vst v0  }
0x1ca: {  	s14 =	simm.s32 $0x0;
	[tilespmem:s4+$0xFFFFFF20] =	vst v0  }
.LBB2_12:
0x1cb: {  	s14 =	sadd.s32 $0x4, s14;
	[tilespmem:s4+$0xFFFFFF10] =	vst v0;
	s4 =	sadd.s32 $0x200, s4  }
0x1cc: {  	[tilespmem:s4+$0xFFFFFF00] =	vst v0;
	p1 =	slt.u32 s14, $0x9C  }
0x1cd: {  	[tilespmem:s4+$0xF0] =	vst v0  }
0x1ce: {  	[tilespmem:s4+$0xE0] =	vst v0  }
0x1cf: {  	[tilespmem:s4+$0xD0] =	vst v0  }
0x1d0: {  	[tilespmem:s4+$0xC0] =	vst v0  }
0x1d1: {  	[tilespmem:s4+$0xB0] =	vst v0  }
0x1d2: {  	[tilespmem:s4+$0xA0] =	vst v0  }
0x1d3: {  	[tilespmem:s4+$0x90] =	vst v0  }
0x1d4: {  	[tilespmem:s4+$0x80] =	vst v0  }
0x1d5: {  	[tilespmem:s4+$0x70] =	vst v0  }
0x1d6: {  	[tilespmem:s4+$0x60] =	vst v0  }
0x1d7: {  	[tilespmem:s4+$0x50] =	vst v0  }
0x1d8: {  	[tilespmem:s4+$0x40] =	vst v0  }
0x1d9: {  	[tilespmem:s4+$0x30] =	vst v0  }
0x1da: {  	[tilespmem:s4+$0x20] =	vst v0  }
0x1db: {  	[tilespmem:s4+$0x10] =	vst v0  }
0x1dc: {  	[tilespmem:s4+$0x0] =	vst v0  }
0x1dd: {  	[tilespmem:s4+$0xFFFFFFF0] =	vst v0  }
0x1de: {  	[tilespmem:s4+$0xFFFFFFE0] =	vst v0  }
0x1df: {  	[tilespmem:s4+$0xFFFFFFD0] =	vst v0  }
0x1e0: {  	[tilespmem:s4+$0xFFFFFFC0] =	vst v0  }
0x1e1: {  	[tilespmem:s4+$0xFFFFFFB0] =	vst v0  }
0x1e2: {  	[tilespmem:s4+$0xFFFFFFA0] =	vst v0  }
0x1e3: {  	[tilespmem:s4+$0xFFFFFF90] =	vst v0  }
0x1e4: {  	[tilespmem:s4+$0xFFFFFF80] =	vst v0  }
0x1e5: {  	[tilespmem:s4+$0xFFFFFF70] =	vst v0  }
.Ltmp5:
0x1e6: {  	[tilespmem:s4+$0xFFFFFF60] =	vst v0;
	(pc) =	sbr.rel @p1 .LBB2_12-.Ltmp5, $4  }
0x1e7: {  	[tilespmem:s4+$0xFFFFFF50] =	vst v0  }
0x1e8: {  	[tilespmem:s4+$0xFFFFFF40] =	vst v0  }
0x1e9: {  	[tilespmem:s4+$0xFFFFFF30] =	vst v0  }
0x1ea: {  	[tilespmem:s4+$0xFFFFFF20] =	vst v0  }
0x1eb: {  	[tilespmem:s4+$0xFFFFFF10] =	vst v0  }
0x1ec: {  	[tilespmem:$0x1F900] =	vst v0  }
0x1ed: {  	[tilespmem:$0x1F910] =	vst v0  }
0x1ee: {  	[tilespmem:$0x1F920] =	vst v0  }
0x1ef: {  	[tilespmem:$0x1F930] =	vst v0  }
0x1f0: {  	[tilespmem:$0x1F940] =	vst v0  }
0x1f1: {  	[tilespmem:$0x1F950] =	vst v0  }
0x1f2: {  	[tilespmem:$0x1F960] =	vst v0  }
0x1f3: {  	[tilespmem:$0x1F970] =	vst v0  }
0x1f4: {  	[tilespmem:$0x1F980] =	vst v0  }
0x1f5: {  	[tilespmem:$0x1F990] =	vst v0  }
0x1f6: {  	[tilespmem:$0x1F9A0] =	vst v0  }
0x1f7: {  	[tilespmem:$0x1F9B0] =	vst v0  }
0x1f8: {  	[tilespmem:$0x1F9C0] =	vst v0  }
0x1f9: {  	[tilespmem:$0x1F9D0] =	vst v0  }
0x1fa: {  	[tilespmem:$0x1F9E0] =	vst v0  }
0x1fb: {  	[tilespmem:$0x1F9F0] =	vst v0  }
0x1fc: {  	[tilespmem:$0x1FA00] =	vst v0  }
0x1fd: {  	[tilespmem:$0x1FA10] =	vst v0  }
0x1fe: {  	[tilespmem:$0x1FA20] =	vst v0  }
0x1ff: {  	[tilespmem:$0x1FA30] =	vst v0  }
0x200: {  	[tilespmem:$0x1FA40] =	vst v0  }
0x201: {  	[tilespmem:$0x1FA50] =	vst v0  }
0x202: {  	[tilespmem:$0x1FA60] =	vst v0  }
0x203: {  	[tilespmem:$0x1FA70] =	vst v0  }
0x204: {  	[tilespmem:$0x1FA80] =	vst v0  }
0x205: {  	[tilespmem:$0x1FA90] =	vst v0  }
0x206: {  	[tilespmem:$0x1FAA0] =	vst v0  }
0x207: {  	[tilespmem:$0x1FAB0] =	vst v0  }
0x208: {  	[tilespmem:$0x1FAC0] =	vst v0  }
0x209: {  	[tilespmem:$0x1FAD0] =	vst v0  }
0x20a: {  	[tilespmem:$0x1FAE0] =	vst v0  }
0x20b: {  	[tilespmem:$0x1FAF0] =	vst v0  }
0x20c: {  	[tilespmem:$0x1FB00] =	vst v0  }
0x20d: {  	[tilespmem:$0x1FB10] =	vst v0  }
0x20e: {  	[tilespmem:$0x1FB20] =	vst v0  }
0x20f: {  	[tilespmem:$0x1FB30] =	vst v0  }
0x210: {  	[tilespmem:$0x1FB40] =	vst v0  }
0x211: {  	[tilespmem:$0x1FB50] =	vst v0  }
0x212: {  	[tilespmem:$0x1FB60] =	vst v0  }
0x213: {  	[tilespmem:$0x1FB70] =	vst v0  }
0x214: {  	[spmem:s13] =	stream.linear.scatter [tilespmem:s0], [sflag:$0x5], $0x5000, $0x38;
	[tilespmem:$0x1FB80] =	vst v63  }
0x215: {  	_ =	swait.ge [sflag:s30], $0x5000  }
0x216: {  	[sflag:s30] =	ssyncset.done $0x0  }
0x217: {  	[sflag:s30] =	ssyncadd.s32 $0xFFFFB000  }
0x218: {  	[spmem:s28] =	stream.linear.scatter [tilespmem:s0], [sflag:$0x5], $0x5000, $0x38;
	[tilespmem:$0x1FB80] =	vst v63  }
0x219: {  	_ =	swait.ge [sflag:s30], $0x5000  }
0x21a: {  	[sflag:s30] =	ssyncset.done $0x0  }
0x21b: {  	s18 =	rddreg [dreg:$0xa];
	[sflag:s30] =	ssyncadd.s32 $0xFFFFB000  }
0x21c: {  	[spmem:s18] =	stream.linear.scatter [tilespmem:s0], [sflag:$0x5], $0x5000, $0x38;
	[tilespmem:$0x1FB80] =	vst v63  }
0x21d: {  	_ =	swait.ge [sflag:s30], $0x5000  }
0x21e: {  	[sflag:s30] =	ssyncset.done $0x0  }
0x21f: {  	s24 =	rddreg [dreg:$0xb];
	[sflag:s30] =	ssyncadd.s32 $0xFFFFB000  }
0x220: {  	[spmem:s24] =	stream.linear.scatter [tilespmem:s0], [sflag:$0x5], $0x4880, $0x38;
	[tilespmem:$0x1FB80] =	vst v63  }
0x221: {  	_ =	swait.ge [sflag:s30], $0x4880  }
0x222: {  	[sflag:s30] =	ssyncset.done $0x0  }
0x223: {  	s6 =	simm.s32 $0x1F900;
	s25 =	rddreg [dreg:$0xc];
	[sflag:s30] =	ssyncadd.s32 $0xFFFFB780  }
0x224: {  	[spmem:s25] =	stream.linear.scatter [tilespmem:s6], [sflag:$0x5], $0x280, $0x38;
	[tilespmem:$0x1FB80] =	vst v63  }
0x225: {  	_ =	swait.ge [sflag:s30], $0x280  }
0x226: {  	s4 =	simm.s32 $0x0;
	[sflag:s30] =	ssyncset.done $0x0  }
0x227: {  	s14 =	simm.s32 $0x18920;
	s26 =	rddreg [dreg:$0xf];
	[sflag:s30] =	ssyncadd.s32 $0xFFFFFD80  }
0x228: {  	[tilespmem:s14], [sflag:$0x5] =	stream.linear.gather [hbm4b:s26+s4], $0xFA0, $0x38;
	[tilespmem:$0x1FB80] =	vst v63  }
0x229: {  	_ =	swait.ge [sflag:s30], $0xFA0  }
0x22a: {  	s15 =	simm.s32 $0x198C0;
	[sflag:s30] =	ssyncset.done $0x0  }
0x22b: {  	s13 =	smov.u32 s28;
	s28 =	rddreg [dreg:$0x10];
	[sflag:s30] =	ssyncadd.s32 $0xFFFFF060  }
0x22c: {  	[tilespmem:s15], [sflag:$0x2] =	stream.linear.gather [hbm4b:s28+s4], $0xFA0, $0x38;
	[tilespmem:$0x1FB80] =	vst v63  }
0x22d: {  	p1 =	por $0x0, $0x0;
	[bflag:$0x0] =	sbarrier.arrive $0xFFFF  }
0x22e: {  	[tilespmem:s0], [sflag:$0x1] =	stream.indirect.gather [hbm4b:s9+s10], $0x80, s14, s10, $0xb8;
	[tilespmem:$0x1FB80] =	vst v63  }
.LBB2_14:
0x22f: {  	s14 =	smul.u32 $0x29, s4;
	_ =	sdelay $0x1  }
0x230: {  	p2 =	seq.s32 s4, $0x0;
	s14 =	sshrl.u32 s14, $0xA  }
.Ltmp6:
0x231: {  	s26 =	sand.u32 $0x3F, s14;
	(pc) =	sbr.rel @p2 .LBB2_17-.Ltmp6, $3  }
0x232: {  	s15 =	smul.u32 $0x19, s26;
	_ =	sdelay $0x1  }
0x233: {  	s24 =	sadd.s32 $0x1, s4;
	s16 =	sand.u32 $0x1, s14;
	s15 =	ssub.s32 s4, s15  }
0x234: {  	s28 =	sxor.u32 $0x1, s16;
	s25 =	smov.u32 s16;
	s14 =	sand.u32 $0xFF, s15  }
0x235: {  	p2 =	seq.s32 s4, $0x7C  }
.Ltmp7:
0x236: {  	_ = 	snop;
	(pc) =	sbr.rel @p2 .LBB2_18-.Ltmp7, $1  }
0x237: {  	_ =	sdelay $0x3  }
0x238: {  	_ =	swait.ge [sflag:s19], $0x2800  }
0x239: {  	p2 =	sne.s32 s14, $0x18;
	[sflag:s19] =	ssyncset.done $0x0  }
0x23a: {  	s18 =	simm.s32 @!p2 $0x2;
	[sflag:s19] =	ssyncadd.s32 $0xFFFFD800  }
0x23b: {  	_ =	swait.ge @!p2 [sflag:s18], $0xFA0  }
0x23c: {  	s25 =	smov.u32 s28;
	[sflag:s18] =	ssyncset.done @!p2 $0x0  }
0x23d: {  	s25 =	smov.u32 @p2 s16;
	[sflag:s18] =	ssyncadd.s32 @!p2 $0xFFFFF060  }
.LBB2_17:
0x23e: {  	s18 =	sadd.s32 $0x1, s14  }
0x23f: {  	s6 =	smul.u32 $0x280, s18  }
0x240: {  	p2 =	seq.s32 s18, $0x19;
	s18 =	smul.u32 $0x3E80, s25  }
0x241: {  	s6 =	simm.s32 @p2 $0x0  }
0x242: {  	s25 =	sand.u32 $0x1, s24;
	s18 =	sshrl.u32 s18, $0x2;
	s6 =	sshrl.u32 s6, $0x2  }
0x243: {  	p2 =	seq.s32 s25, $0x1;
	s25 =	simm.s32 $0x1D060;
	s6 =	sadd.s32 s6, s18  }
0x244: {  	s25 =	simm.s32 @!p2 $0x1A860;
	s6 =	sadd.s32 $0x18920, s6  }
0x245: {  	[tilespmem:s25], [sflag:$0x1] =	stream.indirect.gather [hbm4b:s9+s10], $0x80, s6, s10, $0xb8;
	[tilespmem:$0x1FB80] =	vst v63  }
.LBB2_18:
0x246: {  	p2 =	slt.u32 s4, $0x2  }
0x247: {  	s6 =	sadd.s32 @!p2 $0xFFFFFFE7, s4  }
0x248: {  	p3 =	sgt.u32 @!p2 s6, $0x4A  }
0x249: {  	p4 =	por p3, p2  }
0x24a: {  	s6 =	sand.u32 @!p4 $0xFF, s15  }
0x24b: {  	_ =	swait.ge [sflag:s11], $0x2800;
	s16 =	smul.u32 $0x3E80, s16;
	p4 =	sne.s32 @!p4 s6, $0x2  }
0x24c: {  	s14 =	smul.u32 $0x280, s14;
	[sflag:s11] =	ssyncset.done $0x0;
	p3 =	por @!p2 p4, p3  }
0x24d: {  	[sflag:s11] =	ssyncadd.s32 $0xFFFFD800;
	s6 =	simm.s32 @!p2 $0x3;
	p3 =	por p3, p2  }
0x24e: {  	_ =	swait.ge @!p2 [sflag:s6], $0x50;
	s15 =	smul.u32 @!p3 $0xFA0, s26  }
0x24f: {  	[sflag:s6] =	ssyncset.done @!p2 $0x0;
	s18 =	smul.u32 @!p3 $0x3E80, s28  }
0x250: {  	s25 =	sshrl.u32 s16, $0x2;
	[sflag:s6] =	ssyncadd.s32 @!p2 $0xFFFFFFB0;
	s6 =	sadd.s32 @!p3 s15, s17  }
0x251: {  	s14 =	sshrl.u32 s14, $0x2;
	s15 =	sshrl.u32 @!p3 s18, $0x2;
	s6 =	sshrl.u32 @!p3 s6, $0x3  }
0x252: {  	s18 =	simm.s32 @!p3 $0x0;
	s15 =	sadd.s32 @!p3 $0x18920, s15;
	s6 =	sadd.s32 @!p3 s12, s6  }
0x253: {  	[tilespmem:s15], [sflag:$0x2] =	stream.linear.gather @!p3 [hbm4b:s6+s18], $0xFA0, $0x38;
	[tilespmem:$0x1FB80] =	vst v63  }
0x254: {  	s6 =	sadd.s32 s14, s25  }
0x255: {  	s14 =	sadd.s32 $0x18920, s6;
	v1 =	vld [tilespmem:s6+$0x18920]  }
0x256: {  	v2 =	vld [tilespmem:s14+$0x50];
	_ =	sdelay $0x6  }
0x257: {  	v1 =	vld.idx.msk [tilespmem:v1+s29+$0x0], $0xffff  }
0x258: {  	v2 =	vld.idx.msk [tilespmem:v2+s31+$0x0], $0xffff;
	_ =	sdelay $0x4  }
0x259: {  	v1 =	vadd.f32 v2, v1;
	_ =	sdelay $0x1  }
0x25a: {  	v2 =	vmul.f32 $2.000000030e-01, v1  }
0x25b: {  	vm0 =	vgt.f32 v1, $0.0e+00  }
0x25c: {  	v1 =	vsel vm0, v1, v2  }
0x25d: {  	v1 =	vmul.f32 $1.442695020e+00, v1;
	_ =	sdelay $0x1  }
0x25e: {  	(erf) = vpow2.f32 v1;
	_ =	sdelay $0x6  }
0x25f: {  	s25 =	sand.u32 $0x1, s4  }
0x260: {  	s4 =	smul.u32 $0x50, s25  }
0x261: {  	v1 =	vpop (erf)  }
0x262: {  	[tilespmem:s4+$0x1F860] =	vst v1  }
0x263: {  	v1 =	vld [tilespmem:s14+$0x10]  }
0x264: {  	v2 =	vld [tilespmem:s14+$0x60];
	_ =	sdelay $0x6  }
0x265: {  	v1 =	vld.idx.msk [tilespmem:v1+s29+$0x0], $0xffff  }
0x266: {  	v2 =	vld.idx.msk [tilespmem:v2+s31+$0x0], $0xffff;
	_ =	sdelay $0x4  }
0x267: {  	v1 =	vadd.f32 v2, v1;
	_ =	sdelay $0x1  }
0x268: {  	v2 =	vmul.f32 $2.000000030e-01, v1  }
0x269: {  	vm12 =	vgt.f32 v1, $0.0e+00  }
0x26a: {  	v1 =	vsel vm12, v1, v2  }
0x26b: {  	v1 =	vmul.f32 $1.442695020e+00, v1;
	_ =	sdelay $0x1  }
0x26c: {  	(erf) = vpow2.f32 v1;
	_ =	sdelay $0x8  }
0x26d: {  	v1 =	vpop (erf)  }
0x26e: {  	[tilespmem:s4+$0x1F870] =	vst v1  }
0x26f: {  	v1 =	vld [tilespmem:s14+$0x20]  }
0x270: {  	v2 =	vld [tilespmem:s14+$0x70];
	_ =	sdelay $0x6  }
0x271: {  	v1 =	vld.idx.msk [tilespmem:v1+s29+$0x0], $0xffff  }
0x272: {  	v2 =	vld.idx.msk [tilespmem:v2+s31+$0x0], $0xffff;
	_ =	sdelay $0x4  }
0x273: {  	v1 =	vadd.f32 v2, v1;
	_ =	sdelay $0x1  }
0x274: {  	v2 =	vmul.f32 $2.000000030e-01, v1  }
0x275: {  	vm13 =	vgt.f32 v1, $0.0e+00  }
0x276: {  	v1 =	vsel vm13, v1, v2  }
0x277: {  	v1 =	vmul.f32 $1.442695020e+00, v1;
	_ =	sdelay $0x1  }
0x278: {  	(erf) = vpow2.f32 v1;
	_ =	sdelay $0x8  }
0x279: {  	v1 =	vpop (erf)  }
0x27a: {  	[tilespmem:s4+$0x1F880] =	vst v1  }
0x27b: {  	v1 =	vld [tilespmem:s14+$0x30]  }
0x27c: {  	v2 =	vld [tilespmem:s14+$0x80];
	_ =	sdelay $0x6  }
0x27d: {  	v1 =	vld.idx.msk [tilespmem:v1+s29+$0x0], $0xffff  }
0x27e: {  	v2 =	vld.idx.msk [tilespmem:v2+s31+$0x0], $0xffff;
	_ =	sdelay $0x4  }
0x27f: {  	v1 =	vadd.f32 v2, v1;
	_ =	sdelay $0x1  }
0x280: {  	v2 =	vmul.f32 $2.000000030e-01, v1  }
0x281: {  	vm14 =	vgt.f32 v1, $0.0e+00  }
0x282: {  	v1 =	vsel vm14, v1, v2  }
0x283: {  	v1 =	vmul.f32 $1.442695020e+00, v1;
	_ =	sdelay $0x1  }
0x284: {  	(erf) = vpow2.f32 v1;
	_ =	sdelay $0x8  }
0x285: {  	v1 =	vpop (erf)  }
0x286: {  	[tilespmem:s4+$0x1F890] =	vst v1  }
0x287: {  	v1 =	vld [tilespmem:s14+$0x40]  }
0x288: {  	v2 =	vld [tilespmem:s14+$0x90];
	_ =	sdelay $0x6  }
0x289: {  	v1 =	vld.idx.msk [tilespmem:v1+s29+$0x0], $0xffff  }
0x28a: {  	v2 =	vld.idx.msk [tilespmem:v2+s31+$0x0], $0xffff;
	_ =	sdelay $0x4  }
0x28b: {  	v1 =	vadd.f32 v2, v1;
	_ =	sdelay $0x1  }
0x28c: {  	v2 =	vmul.f32 $2.000000030e-01, v1  }
0x28d: {  	vm15 =	vgt.f32 v1, $0.0e+00  }
0x28e: {  	v1 =	vsel vm15, v1, v2  }
0x28f: {  	v1 =	vmul.f32 $1.442695020e+00, v1;
	_ =	sdelay $0x1  }
0x290: {  	(erf) = vpow2.f32 v1;
	v1 =	vmov s25  }
0x291: {  	v1 =	vmul.u32 $0x50, v1  }
0x292: {  	s26 =	simm.s32 $0x0  }
0x293: {  	s15 =	simm.s32 $0x3;
	v2 =	vmov s26;
	v1 =	vbroadcast v1, $0x0  }
0x294: {  	v4 =	vmov s15;
	v3 =	vand.u32 $0x78, v2  }
0x295: {  	v5 =	vand.u32 $0x78, v4;
	v2 =	vand.u32 $0x4, v2;
	v3 =	vadd.s32 v1, v3  }
0x296: {  	v2 =	vor.u32 v2, v3;
	v3 =	vand.u32 $0x7, v4;
	v4 =	vadd.s32 v1, v5;
	_ =	sdelay $0x1  }
0x297: {  	s6 =	simm.s32 $0x1;
	v3 =	vor.u32 v3, v4  }
0x298: {  	s6 =	simm.s32 @!p1 $0x0;
	v4 =	vpop (erf)  }
0x299: {  	s6 =	smul.u32 $0xA000, s6;
	s16 =	sadd.s32 $0x1F860, s4;
	s26 =	sadd.s32 $0x50, s14;
	[tilespmem:s4+$0x1F8A0] =	vst v4  }
0x29a: {  	[spmem:s3] =	stream.indirect.scatter.add.f32 [tilespmem:s16], [sflag:$0x3], $0x1, s26, s10, $0xb8;
	[tilespmem:$0x1FB80] =	vst v63  }
0x29b: {  	s18 =	sshrl.u32 s6, $0x2;
	v4 =	vld.idx.msk [tilespmem:v2+s5+$0x0], $0xffff  }
0x29c: {  	s28 =	sadd.s32 $0x1A960, s18;
	v2 =	vld.idx.msk [tilespmem:v3+s5+$0x0], $0xffff  }
0x29d: {  	v5 =	vld [tilespmem:s28+$0xF0]  }
0x29e: {  	s6 =	simm.s32 $0x1;
	v7 =	vld [tilespmem:s28+$0xFFFFFF00]  }
0x29f: {  	v3 =	vmov s6;
	v8 =	vld [tilespmem:s28+$0xFFFFFF10]  }
0x2a0: {  	v9 =	vld [tilespmem:s28+$0xFFFFFF30];
	v6 =	vand.u32 $0x78, v3  }
0x2a1: {  	v10 =	vld [tilespmem:s28+$0xFFFFFF40];
	v3 =	vand.u32 $0x5, v3;
	v6 =	vadd.s32 v1, v6  }
0x2a2: {  	v11 =	vld [tilespmem:s28+$0xFFFFFF50];
	v3 =	vor.u32 v3, v6  }
0x2a3: {  	v6 =	vld [tilespmem:s28+$0xFFFFFF20]  }
0x2a4: {  	v12 =	vld [tilespmem:s28+$0xFFFFFF60];
	v7 =	vmul.f32 v7, v4  }
0x2a5: {  	v15 =	vld [tilespmem:s28+$0xFFFFFF80];
	v8 =	vmul.f32 v8, v4  }
0x2a6: {  	s14 =	simm.s32 $0x2;
	v5 =	vmul.f32 v5, v2;
	[tilespmem:s28+$0xFFFFFF00] =	vst v7;
	v7 =	vld [tilespmem:s28+$0xFFFFFF70]  }
0x2a7: {  	[tilespmem:s28+$0xFFFFFF10] =	vst v8;
	v8 =	vmul.f32 v9, v4;
	v13 =	vld.idx.msk [tilespmem:v3+s5+$0x0], $0xffff;
	v3 =	vmov s14  }
0x2a8: {  	[tilespmem:s28+$0xF0] =	vst v5;
	v9 =	vld [tilespmem:s28+$0xFFFFFFA0];
	v5 =	vmul.f32 v6, v4;
	v14 =	vand.u32 $0x78, v3  }
0x2a9: {  	v12 =	vmul.f32 v12, v4;
	v6 =	vld [tilespmem:s28+$0xFFFFFF90];
	v3 =	vand.u32 $0x6, v3;
	[tilespmem:s28+$0xFFFFFF30] =	vst v8;
	v14 =	vadd.s32 v1, v14  }
0x2aa: {  	v8 =	vmul.f32 v11, v4;
	v11 =	vld [tilespmem:s28+$0xFFFFFFC0];
	[tilespmem:s28+$0xFFFFFF20] =	vst v5;
	v5 =	vmul.f32 v10, v4;
	v3 =	vor.u32 v3, v14  }
0x2ab: {  	[tilespmem:s28+$0xFFFFFF60] =	vst v12;
	v10 =	vld [tilespmem:s28+$0xFFFFFFB0]  }
0x2ac: {  	v14 =	vld [tilespmem:s28+$0xFFFFFFD0];
	[tilespmem:s28+$0xFFFFFF40] =	vst v5;
	v5 =	vmul.f32 v15, v13  }
0x2ad: {  	[tilespmem:s28+$0xFFFFFF50] =	vst v8;
	v8 =	vld [tilespmem:s28+$0xFFFFFFE0];
	v4 =	vmul.f32 v7, v4  }
0x2ae: {  	v7 =	vld [tilespmem:s28+$0x0];
	[tilespmem:s28+$0xFFFFFF80] =	vst v5;
	v5 =	vmul.f32 v6, v13  }
0x2af: {  	[tilespmem:s28+$0xFFFFFF70] =	vst v4;
	v4 =	vmul.f32 v9, v13;
	v3 =	vld.idx.msk [tilespmem:v3+s5+$0x0], $0xffff  }
0x2b0: {  	v6 =	vld [tilespmem:s28+$0xFFFFFFF0];
	[tilespmem:s28+$0xFFFFFF90] =	vst v5;
	v5 =	vmul.f32 v10, v13  }
0x2b1: {  	v9 =	vld [tilespmem:s28+$0x10];
	[tilespmem:s28+$0xFFFFFFA0] =	vst v4;
	v4 =	vmul.f32 v11, v13  }
0x2b2: {  	s15 =	simm.s32 $0x4;
	v12 =	vld [tilespmem:s28+$0x20];
	[tilespmem:s28+$0xFFFFFFB0] =	vst v5;
	v5 =	vmul.f32 v14, v13  }
0x2b3: {  	s18 =	simm.s32 $0x6;
	v8 =	vmul.f32 v8, v13;
	v10 =	vmov s15;
	[tilespmem:s28+$0xFFFFFFC0] =	vst v4;
	v14 =	vld [tilespmem:s28+$0x30]  }
0x2b4: {  	v17 =	vmov s18;
	v16 =	vld [tilespmem:s28+$0x40];
	v11 =	vand.u32 $0x78, v10;
	[tilespmem:s28+$0xFFFFFFD0] =	vst v5;
	v5 =	vmul.f32 v7, v3  }
0x2b5: {  	s16 =	simm.s32 $0x5;
	v15 =	vand.u32 $0x4, v10;
	v4 =	vld [tilespmem:s28+$0x50];
	[tilespmem:s28+$0xFFFFFFE0] =	vst v8;
	v8 =	vadd.s32 v1, v11;
	v7 =	vmul.f32 v6, v13  }
0x2b6: {  	v11 =	vand.u32 $0x6, v17;
	v13 =	vmov s16;
	v6 =	vld [tilespmem:s28+$0x60];
	v9 =	vmul.f32 v9, v3;
	[tilespmem:s28+$0x0] =	vst v5  }
0x2b7: {  	v17 =	vand.u32 $0x78, v17;
	v18 =	vmul.f32 v12, v3;
	v10 =	vand.u32 $0x5, v13;
	[tilespmem:s28+$0xFFFFFFF0] =	vst v7;
	v7 =	vld [tilespmem:s28+$0x70]  }
0x2b8: {  	v13 =	vand.u32 $0x78, v13;
	v5 =	vor.u32 v15, v8;
	[tilespmem:s28+$0x10] =	vst v9;
	v8 =	vld [tilespmem:s28+$0x80];
	v12 =	vmul.f32 v14, v3  }
0x2b9: {  	s4 =	smov.u32 s28;
	s14 =	simm.s32 $0x8;
	s15 =	simm.s32 $0x7;
	v15 =	vadd.s32 v1, v13;
	[tilespmem:s28+$0x20] =	vst v18;
	v13 =	vmul.f32 v16, v3;
	v9 =	vld [tilespmem:s28+$0x90];
	v14 =	vadd.s32 v1, v17  }
.LBB2_19:
0x2ba: {  	p2 =	slt.u32 s14, $0x4C;
	v10 =	vor.u32 v10, v15;
	v15 =	vmov s15;
	[tilespmem:s28+$0x30] =	vst v12;
	v4 =	vmul.f32 v4, v3;
	v12 =	vld [tilespmem:s28+$0xA0]  }
0x2bb: {  	v11 =	vor.u32 v11, v14;
	v14 =	vand.u32 $0x78, v15;
	[tilespmem:s28+$0x40] =	vst v13;
	v6 =	vmul.f32 v6, v3;
	v13 =	vld [tilespmem:s28+$0xB0]  }
0x2bc: {  	v15 =	vand.u32 $0x7, v15;
	v14 =	vadd.s32 v1, v14;
	[tilespmem:s28+$0x50] =	vst v4;
	v3 =	vmul.f32 v7, v3;
	v4 =	vld [tilespmem:s28+$0xC0]  }
0x2bd: {  	v7 =	vor.u32 v15, v14;
	[tilespmem:s28+$0x60] =	vst v6;
	v6 =	vmul.f32 v8, v2;
	v8 =	vld [tilespmem:s28+$0xD0]  }
0x2be: {  	[tilespmem:s28+$0x70] =	vst v3;
	v3 =	vmul.f32 v9, v2;
	v9 =	vld [tilespmem:s28+$0xE0]  }
0x2bf: {  	v5 =	vld.idx.msk [tilespmem:v5+s5+$0x0], $0xffff;
	[tilespmem:s28+$0x80] =	vst v6;
	v6 =	vmul.f32 v12, v2  }
0x2c0: {  	v10 =	vld.idx.msk [tilespmem:v10+s5+$0x0], $0xffff;
	[tilespmem:s28+$0x90] =	vst v3;
	v12 =	vmul.f32 v13, v2  }
0x2c1: {  	v3 =	vld.idx.msk [tilespmem:v11+s5+$0x0], $0xffff;
	[tilespmem:s28+$0xA0] =	vst v6;
	v4 =	vmul.f32 v4, v2  }
0x2c2: {  	s28 =	sadd.s32 $0x200, s28;
	v6 =	vld.idx.msk [tilespmem:v7+s5+$0x0], $0xffff;
	[tilespmem:s4+$0xB0] =	vst v12;
	v7 =	vmul.f32 v8, v2  }
0x2c3: {  	v8 =	vld [tilespmem:s28+$0xF0];
	[tilespmem:s4+$0xC0] =	vst v4;
	v2 =	vmul.f32 v9, v2  }
0x2c4: {  	v4 =	vld [tilespmem:s28+$0xFFFFFF00];
	[tilespmem:s4+$0xD0] =	vst v7  }
0x2c5: {  	v7 =	vld [tilespmem:s28+$0xFFFFFF10];
	[tilespmem:s4+$0xE0] =	vst v2;
	s4 =	smov.u32 s28  }
0x2c6: {  	v9 =	vld [tilespmem:s28+$0xFFFFFF20]  }
0x2c7: {  	v11 =	vld [tilespmem:s28+$0xFFFFFF30]  }
0x2c8: {  	v2 =	vmov v6;
	v12 =	vld [tilespmem:s28+$0xFFFFFF40];
	v8 =	vmul.f32 v8, v6  }
0x2c9: {  	v4 =	vmul.f32 v4, v5;
	v6 =	vld [tilespmem:s28+$0xFFFFFF50]  }
0x2ca: {  	v7 =	vmul.f32 v7, v5;
	v13 =	vld [tilespmem:s28+$0xFFFFFF60];
	[tilespmem:s28+$0xF0] =	vst v8  }
0x2cb: {  	[tilespmem:s28+$0xFFFFFF00] =	vst v4;
	v4 =	vmul.f32 v9, v5;
	v8 =	vld [tilespmem:s28+$0xFFFFFF70]  }
0x2cc: {  	[tilespmem:s28+$0xFFFFFF10] =	vst v7;
	v7 =	vmul.f32 v11, v5;
	v9 =	vld [tilespmem:s28+$0xFFFFFF80]  }
0x2cd: {  	[tilespmem:s28+$0xFFFFFF20] =	vst v4;
	v4 =	vmul.f32 v12, v5;
	v11 =	vld [tilespmem:s28+$0xFFFFFF90]  }
0x2ce: {  	[tilespmem:s28+$0xFFFFFF30] =	vst v7;
	v6 =	vmul.f32 v6, v5;
	v7 =	vld [tilespmem:s28+$0xFFFFFFA0]  }
0x2cf: {  	[tilespmem:s28+$0xFFFFFF40] =	vst v4;
	v4 =	vmul.f32 v13, v5;
	v12 =	vld [tilespmem:s28+$0xFFFFFFB0]  }
0x2d0: {  	[tilespmem:s28+$0xFFFFFF50] =	vst v6;
	v5 =	vmul.f32 v8, v5;
	v6 =	vld [tilespmem:s28+$0xFFFFFFC0]  }
0x2d1: {  	[tilespmem:s28+$0xFFFFFF60] =	vst v4;
	v4 =	vmul.f32 v9, v10;
	v8 =	vld [tilespmem:s28+$0xFFFFFFD0]  }
0x2d2: {  	[tilespmem:s28+$0xFFFFFF70] =	vst v5;
	v5 =	vmul.f32 v11, v10;
	v9 =	vld [tilespmem:s28+$0xFFFFFFE0]  }
0x2d3: {  	[tilespmem:s28+$0xFFFFFF80] =	vst v4;
	v4 =	vmul.f32 v7, v10;
	v7 =	vld [tilespmem:s28+$0xFFFFFFF0]  }
0x2d4: {  	[tilespmem:s28+$0xFFFFFF90] =	vst v5;
	v5 =	vmul.f32 v12, v10;
	v11 =	vld [tilespmem:s28+$0x0]  }
0x2d5: {  	[tilespmem:s28+$0xFFFFFFA0] =	vst v4;
	v4 =	vmul.f32 v6, v10;
	v6 =	vld [tilespmem:s28+$0x10]  }
0x2d6: {  	[tilespmem:s28+$0xFFFFFFB0] =	vst v5;
	v5 =	vmul.f32 v8, v10;
	v8 =	vld [tilespmem:s28+$0x20]  }
0x2d7: {  	v12 =	vmov s14;
	[tilespmem:s28+$0xFFFFFFC0] =	vst v4;
	v4 =	vmul.f32 v9, v10;
	v9 =	vld [tilespmem:s28+$0x30]  }
0x2d8: {  	s6 =	sadd.s32 $0x1, s14;
	s15 =	sadd.s32 $0x2, s14;
	v13 =	vand.u32 $0x78, v12;
	v12 =	vand.u32 $0x4, v12;
	[tilespmem:s28+$0xFFFFFFD0] =	vst v5;
	v5 =	vmul.f32 v7, v10;
	v16 =	vld [tilespmem:s28+$0x40]  }
.Ltmp8:
0x2d9: {  	v14 =	vmov s15;
	v7 =	vmov s6;
	[tilespmem:s28+$0xFFFFFFE0] =	vst v4;
	v15 =	vmul.f32 v11, v3;
	v4 =	vld [tilespmem:s28+$0x50];
	(pc) =	sbr.rel @p2 .LBB2_19-.Ltmp8, $4  }
0x2da: {  	v13 =	vadd.s32 v1, v13;
	v10 =	vand.u32 $0x5, v7;
	[tilespmem:s28+$0xFFFFFFF0] =	vst v5;
	v17 =	vmul.f32 v6, v3;
	v6 =	vld [tilespmem:s28+$0x60]  }
0x2db: {  	v18 =	vand.u32 $0x78, v7;
	v11 =	vand.u32 $0x6, v14;
	[tilespmem:s28+$0x0] =	vst v15;
	v19 =	vmul.f32 v8, v3;
	v7 =	vld [tilespmem:s28+$0x70]  }
0x2dc: {  	v5 =	vor.u32 v12, v13;
	v13 =	vand.u32 $0x78, v14;
	[tilespmem:s28+$0x10] =	vst v17;
	v12 =	vmul.f32 v9, v3;
	v8 =	vld [tilespmem:s28+$0x80]  }
0x2dd: {  	s15 =	sadd.s32 $0x3, s14;
	s14 =	sadd.s32 $0x4, s14;
	v15 =	vadd.s32 v1, v18;
	v14 =	vadd.s32 v1, v13;
	[tilespmem:s28+$0x20] =	vst v19;
	v13 =	vmul.f32 v16, v3;
	v9 =	vld [tilespmem:s28+$0x90]  }
0x2de: {  	v17 =	vld [tilespmem:s28+$0xA0]  }
0x2df: {  	v18 =	vld [tilespmem:s28+$0xB0]  }
0x2e0: {  	v25 =	vld [tilespmem:s28+$0xC0]  }
0x2e1: {  	v26 =	vld [tilespmem:s28+$0xD0]  }
0x2e2: {  	[tilespmem:s28+$0x30] =	vst v12;
	v4 =	vmul.f32 v4, v3;
	v27 =	vld [tilespmem:s28+$0xE0]  }
0x2e3: {  	v5 =	vld.idx.msk [tilespmem:v5+s5+$0x0], $0xffff;
	s14 =	sadd.s32 $0x200, s28;
	[tilespmem:s28+$0x40] =	vst v13;
	v6 =	vmul.f32 v6, v3  }
0x2e4: {  	v32 =	vld [tilespmem:s14+$0xF0];
	[tilespmem:s28+$0x50] =	vst v4;
	v3 =	vmul.f32 v7, v3  }
0x2e5: {  	v16 =	vmov s15;
	v33 =	vld [tilespmem:s14+$0xFFFFFF00];
	[tilespmem:s28+$0x60] =	vst v6;
	v29 =	vmul.f32 v8, v2  }
0x2e6: {  	v10 =	vor.u32 v10, v15;
	v23 =	vand.u32 $0x78, v16;
	v35 =	vld [tilespmem:s14+$0xFFFFFF10];
	[tilespmem:s28+$0x70] =	vst v3;
	v3 =	vmul.f32 v9, v2  }
0x2e7: {  	v24 =	vand.u32 $0x7, v16;
	v36 =	vld [tilespmem:s14+$0xFFFFFF20];
	v1 =	vadd.s32 v1, v23;
	[tilespmem:s28+$0x80] =	vst v29;
	v31 =	vmul.f32 v17, v2  }
0x2e8: {  	v37 =	vld [tilespmem:s14+$0xFFFFFF30];
	v1 =	vor.u32 v24, v1;
	[tilespmem:s28+$0x90] =	vst v3;
	v3 =	vmul.f32 v18, v2  }
0x2e9: {  	v38 =	vld [tilespmem:s14+$0xFFFFFF50];
	v34 =	vmul.f32 v25, v2;
	[tilespmem:s28+$0xA0] =	vst v31  }
0x2ea: {  	v39 =	vld [tilespmem:s14+$0xFFFFFF60];
	[tilespmem:s4+$0xB0] =	vst v3;
	v3 =	vmul.f32 v26, v2  }
0x2eb: {  	v28 =	vld.idx.msk [tilespmem:v10+s5+$0x0], $0xffff;
	[tilespmem:s4+$0xC0] =	vst v34;
	v2 =	vmul.f32 v27, v2  }
0x2ec: {  	v10 =	vmul.f32 v35, v5;
	[tilespmem:s4+$0xD0] =	vst v3;
	v3 =	vld [tilespmem:s14+$0xFFFFFF40]  }
0x2ed: {  	v1 =	vld.idx.msk [tilespmem:v1+s5+$0x0], $0xffff;
	[tilespmem:s4+$0xE0] =	vst v2;
	v2 =	vmul.f32 v33, v5  }
0x2ee: {  	v40 =	vld [tilespmem:s14+$0xFFFFFF70];
	v6 =	vmul.f32 v37, v5;
	[tilespmem:s14+$0xFFFFFF10] =	vst v10  }
0x2ef: {  	v41 =	vld [tilespmem:s14+$0xFFFFFF80];
	[tilespmem:s14+$0xFFFFFF00] =	vst v2;
	v2 =	vmul.f32 v36, v5  }
0x2f0: {  	v43 =	vld [tilespmem:s14+$0xFFFFFFA0];
	v42 =	vmul.f32 v38, v5;
	[tilespmem:s14+$0xFFFFFF30] =	vst v6  }
0x2f1: {  	[tilespmem:s14+$0xFFFFFF20] =	vst v2;
	v2 =	vmul.f32 v3, v5;
	v3 =	vld [tilespmem:s14+$0xFFFFFF90]  }
0x2f2: {  	v44 =	vld [tilespmem:s14+$0xFFFFFFB0];
	[tilespmem:s14+$0xFFFFFF50] =	vst v42;
	v8 =	vmul.f32 v32, v1  }
0x2f3: {  	v11 =	vor.u32 v11, v14;
	v45 =	vld [tilespmem:s14+$0xFFFFFFC0];
	[tilespmem:s14+$0xFFFFFF40] =	vst v2;
	v2 =	vmul.f32 v39, v5  }
0x2f4: {  	v46 =	vld [tilespmem:s14+$0xFFFFFFD0];
	[tilespmem:s14+$0xF0] =	vst v8;
	v5 =	vmul.f32 v40, v5  }
0x2f5: {  	v47 =	vld [tilespmem:s14+$0xFFFFFFE0];
	[tilespmem:s14+$0xFFFFFF60] =	vst v2;
	v2 =	vmul.f32 v41, v28  }
0x2f6: {  	v48 =	vld [tilespmem:s14+$0xFFFFFFF0];
	[tilespmem:s14+$0xFFFFFF70] =	vst v5;
	v3 =	vmul.f32 v3, v28  }
0x2f7: {  	v49 =	vld [tilespmem:s14+$0x0];
	[tilespmem:s14+$0xFFFFFF80] =	vst v2;
	v2 =	vmul.f32 v43, v28  }
0x2f8: {  	v30 =	vld.idx.msk [tilespmem:v11+s5+$0x0], $0xffff;
	[tilespmem:s14+$0xFFFFFF90] =	vst v3;
	v3 =	vmul.f32 v44, v28  }
0x2f9: {  	v50 =	vld [tilespmem:s14+$0x10];
	[tilespmem:s14+$0xFFFFFFA0] =	vst v2;
	v2 =	vmul.f32 v45, v28  }
0x2fa: {  	v51 =	vld [tilespmem:s14+$0x20];
	[tilespmem:s14+$0xFFFFFFB0] =	vst v3;
	v3 =	vmul.f32 v46, v28  }
0x2fb: {  	v52 =	vld [tilespmem:s14+$0x30];
	[tilespmem:s14+$0xFFFFFFC0] =	vst v2;
	v2 =	vmul.f32 v47, v28  }
0x2fc: {  	v53 =	vld [tilespmem:s14+$0x40];
	[tilespmem:s14+$0xFFFFFFD0] =	vst v3;
	v3 =	vmul.f32 v48, v28  }
0x2fd: {  	v54 =	vld [tilespmem:s14+$0x50];
	[tilespmem:s14+$0xFFFFFFE0] =	vst v2;
	v2 =	vmul.f32 v49, v30  }
0x2fe: {  	v55 =	vld [tilespmem:s14+$0x60];
	[tilespmem:s14+$0xFFFFFFF0] =	vst v3;
	v3 =	vmul.f32 v50, v30  }
0x2ff: {  	v56 =	vld [tilespmem:s14+$0x70];
	[tilespmem:s14+$0x0] =	vst v2;
	v2 =	vmul.f32 v51, v30  }
0x300: {  	v57 =	vld [tilespmem:s14+$0x80];
	[tilespmem:s14+$0x10] =	vst v3;
	v3 =	vmul.f32 v52, v30  }
0x301: {  	v58 =	vld [tilespmem:s14+$0x90];
	[tilespmem:s14+$0x20] =	vst v2;
	v2 =	vmul.f32 v53, v30  }
0x302: {  	v59 =	vld [tilespmem:s14+$0xA0];
	[tilespmem:s14+$0x30] =	vst v3;
	v3 =	vmul.f32 v54, v30  }
0x303: {  	v60 =	vld [tilespmem:s14+$0xB0];
	[tilespmem:s14+$0x40] =	vst v2;
	v2 =	vmul.f32 v55, v30  }
0x304: {  	v61 =	vld [tilespmem:s14+$0xC0];
	[tilespmem:s14+$0x50] =	vst v3;
	v3 =	vmul.f32 v56, v30  }
0x305: {  	v62 =	vld [tilespmem:s14+$0xD0];
	[tilespmem:s14+$0x60] =	vst v2;
	v2 =	vmul.f32 v57, v1  }
0x306: {  	v63 =	vld [tilespmem:s14+$0xE0];
	[tilespmem:s14+$0x70] =	vst v3;
	v3 =	vmul.f32 v58, v1  }
0x307: {  	[tilespmem:s14+$0x80] =	vst v2;
	v2 =	vmul.f32 v59, v1  }
0x308: {  	[tilespmem:s14+$0x90] =	vst v3;
	v3 =	vmul.f32 v60, v1  }
0x309: {  	[tilespmem:s14+$0xA0] =	vst v2;
	v2 =	vmul.f32 v61, v1  }
0x30a: {  	p2 =	sne.s32 s24, $0x7D;
	s28 =	smul.u32 $0xA000, s25;
	[tilespmem:s14+$0xB0] =	vst v3;
	v3 =	vmul.f32 v62, v1  }
.Ltmp9:
0x30b: {  	v1 =	vmul.f32 v63, v1;
	[tilespmem:s14+$0xC0] =	vst v2;
	(pc) =	sbr.rel @p2 .LBB2_14-.Ltmp9, $4  }
0x30c: {  	s4 =	sshrl.u32 s28, $0x2;
	[tilespmem:s14+$0xD0] =	vst v3  }
0x30d: {  	s4 =	sadd.s32 $0x1A860, s4;
	[tilespmem:s14+$0xE0] =	vst v1  }
0x30e: {  	[spmem:s2] =	stream.indirect.scatter.add.f32 [tilespmem:s4], [sflag:$0x4], $0x80, s26, s10, $0xb8;
	[tilespmem:$0x1FB80] =	vst v63  }
0x30f: {  	p1 =	por !p1, !p1;
	s4 =	smov.u32 s24  }
0x310: {  	_ =	swait.ge [sflag:s7], $0x50  }
0x311: {  	[sflag:s7] =	ssyncset.done $0x0  }
0x312: {  	[sflag:s7] =	ssyncadd.s32 $0xFFFFFFB0  }
0x313: {  	_ =	swait.ge [sflag:s7], $0x50  }
0x314: {  	[sflag:s7] =	ssyncset.done $0x0  }
0x315: {  	[sflag:s7] =	ssyncadd.s32 $0xFFFFFFB0  }
0x316: {  	_ =	swait.ge [sflag:s19], $0x2800  }
0x317: {  	[sflag:s19] =	ssyncset.done $0x0  }
0x318: {  	[sflag:s19] =	ssyncadd.s32 $0xFFFFD800  }
0x319: {  	_ =	swait.ge [sflag:s19], $0x2800  }
0x31a: {  	[sflag:s19] =	ssyncset.done $0x0  }
0x31b: {  	[sflag:s19] =	ssyncadd.s32 $0xFFFFD800  }
0x31c: {  	[bflag:$0x0] =	sbarrier.arrive $0xFFFF  }
0x31d: {  	s4 =	rddreg [dreg:$0x12]  }
0x31e: {  	[hbm:s4], [sflag:s21] =	dma.local [spmem:s22], $0x2710  }
0x31f: {  	_ =	swait.ge [sflag:s30], $0x2710  }
0x320: {  	[sflag:s30] =	ssyncset.done $0x0  }
0x321: {  	s4 =	rddreg [dreg:$0x14];
	[sflag:s30] =	ssyncadd.s32 $0xFFFFD8F0  }
0x322: {  	[hbm:s4], [sflag:s21] =	dma.local @!p0 [spmem:s23], $0x500  }
0x323: {  	s4 =	simm.s32 @!p0 $0x5  }
0x324: {  	_ =	swait.ge @!p0 [sflag:s4], $0x500  }
0x325: {  	s20 =	sadd.s32 $0x1, s20;
	s26 =	rddreg [dreg:$0x15]  }
0x326: {  	p1 =	sne.s32 s20, s26  }
.Ltmp10:
0x327: {  	_ = 	snop;
	(pc) =	sbr.rel @p1 .LBB2_1-.Ltmp10, $4  }
0x328: {  	[sflag:s4] =	ssyncset.done @!p0 $0x0  }
0x329: {  	[sflag:s4] =	ssyncadd.s32 @!p0 $0xFFFFFB00  }
0x32a: {  	[bflag:$0x0] =	sbarrier.arrive $0xFFFF  }
0x32b: {  	s18 =	simm.s32 $0x0;
	s28 =	smov.u32 s13;
	s13 =	rddreg [dreg:$0x9]  }
0x32c: {  	_ =	sfence.sel $0x180000  }
0x32d: {  	[bflag:$0x0] =	sbarrier.arrive $0xFFFF  }
0x32e: {  	_ =	strace $0x90000047  }
0x32f: {  	[bflag:$0x2] =	sbarrier.arrive $0xFFFF  }
0x330: {  	s0 =	rddreg [dreg:$0x4]  }
0x331: {  	s0 =	sadd.s32 @!p0 $0x100000, s0  }
0x332: {  	[sflag:s0] =	ssyncadd.tile.s32 @!p0 $0x1;
	_ =	shalt  }
.Lfunc_end2:
_tile_overlayer_lowered:
.L_overlay_start_2:
0x333: {  	(tag) =	ssettag $0x2  }
0x334: {  	s0 =	rddreg [dreg:$0x0];
	s2 =	stileid.u32  }
0x335: {  	s1 =	rddreg [dreg:$0x1];
	p0 =	sne.s32 s2, $0x0  }
0x336: {  	s3 =	rddreg [dreg:$0x2];
	[bflag:$0x3] =	sbarrier.arrive $0xFFFF;
	s2 =	simm.s32 @!p0 $0x1C05  }
0x337: {  	[timem:s3], [sflag:s2] =	dma.local @!p0 [hbm:s0], s1  }
0x338: {  	s0 =	simm.s32 @!p0 $0x5  }
0x339: {  	_ =	swait.ge @!p0 [sflag:s0], s1  }
0x33a: {  	s1 =	ssub.s32 @!p0 $0x0, s1;
	[sflag:s0] =	ssyncset.done @!p0 $0x0  }
0x33b: {  	[sflag:s0] =	ssyncadd.s32 @!p0 s1  }
0x33c: {  	[bflag:$0x3] =	sbarrier.arrive $0xFFFF  }
0x33d: {  	_ =	shalt  }

</sc_bundles>
